<compile_context>
chip_gen: v7x
topology: tpu7x:2x2x1
jax: 0.10.2.dev20260603
libtpu: 0.0.44.dev20260713+nightly
codegen_flags: <defaults>
</compile_context>

<pallas_src>
import functools

import jax
import jax.numpy as jnp
from jax import lax
from jax.experimental import pallas as pl
from jax.experimental.pallas import tpu as pltpu
from jax.experimental.pallas import tpu_sc as plsc

_NC = 2
_NS = 16
_NW = _NC * _NS
_LANES = 16


@functools.cache
def _make_kernel(batch, seq, emb):
    rows_per_w = batch // _NW
    assert rows_per_w % 2 == 0 and rows_per_w >= 10
    chunk_a = 104
    chunk_b = seq - chunk_a
    mesh = plsc.VectorSubcoreMesh(core_axis_name="c", subcore_axis_name="s")

    @functools.partial(
        pl.kernel,
        out_type=jax.ShapeDtypeStruct((batch, seq, 128), jnp.float32),
        mesh=mesh,
        compiler_params=pltpu.CompilerParams(use_tc_tiling_on_sc=True),
        scratch_types=[
            pltpu.VMEM((seq * emb,), jnp.float32),
            pltpu.VMEM((seq,), jnp.int32),
            pltpu.VMEM((seq,), jnp.int32),
            pltpu.VMEM((seq, 128), jnp.float32),
            pltpu.VMEM((seq, 128), jnp.float32),
            pltpu.VMEM((seq, 128), jnp.float32),
            pltpu.VMEM((seq, 128), jnp.float32),
            pltpu.SemaphoreType.DMA,
            pltpu.SemaphoreType.DMA,
            pltpu.SemaphoreType.DMA,
            pltpu.SemaphoreType.DMA,
            pltpu.SemaphoreType.DMA,
            pltpu.SemaphoreType.DMA,
            pltpu.SemaphoreType.DMA,
            pltpu.SemaphoreType.DMA,
            pltpu.SemaphoreType.DMA,
            pltpu.SemaphoreType.DMA,
        ],
    )
    def emb_kernel(idx_hbm, tok_hbm, pos_hbm, out_hbm,
                   pos_v, idx0, idx1, rows0, rows1, rows2, rows3,
                   is0, is1, g0, g1, g2, g3, o0, o1, o2, o3):
        wid = lax.axis_index("s") * _NC + lax.axis_index("c")
        base = wid * rows_per_w
        pltpu.sync_copy(pos_hbm, pos_v)

        idxs = (idx0, idx1)
        rows = (rows0, rows1, rows2, rows3)
        isems = (is0, is1)
        gsems = (g0, g1, g2, g3)
        osems = (o0, o1, o2, o3)

        def idx_cp(r_local, ib):
            return (idx_hbm.at[pl.ds((base + r_local) * seq, seq)],
                    idxs[ib], isems[ib])

        def gather_cps(ib, b):
            return [
                (tok_hbm.at[idxs[ib].at[pl.ds(0, chunk_a)]],
                 rows[b].at[pl.ds(0, chunk_a)],
                 gsems[b]),
                (tok_hbm.at[idxs[ib].at[pl.ds(chunk_a, chunk_b)]],
                 rows[b].at[pl.ds(chunk_a, chunk_b)],
                 gsems[b]),
            ]

        def out_cp(r_local, b):
            return (rows[b], out_hbm.at[base + r_local], osems[b])

        def start(args):
            pltpu.async_copy(*args)

        def wait(args):
            pltpu.make_async_copy(*args).wait()

        def add_pos(b):
            rv = rows[b]

            def body(i, c):
                for k in range(emb // _LANES):
                    sl = pl.ds(k * _LANES, _LANES)
                    plsc.addupdate(rv.at[i, sl],
                                   pos_v[pl.ds(i * emb + k * _LANES, _LANES)])
                return c

            lax.fori_loop(0, seq, body, 0)

        def iteration(r, b, ib, *, warm_out, feed_gather, feed_idx):
            if feed_gather:
                if warm_out:
                    wait(out_cp(r - 3, (b + 1) % 4))
                wait(idx_cp(r + 1, 1 - ib))
                for args in gather_cps(1 - ib, (b + 1) % 4):
                    start(args)
            for args in gather_cps(ib, b):
                wait(args)
            if feed_idx:
                start(idx_cp(r + 2, ib))
            add_pos(b)
            start(out_cp(r, b))

        start(idx_cp(0, 0))
        start(idx_cp(1, 1))
        wait(idx_cp(0, 0))
        for args in gather_cps(0, 0):
            start(args)

        iteration(0, 0, 0, warm_out=False, feed_gather=True, feed_idx=True)
        iteration(1, 1, 1, warm_out=False, feed_gather=True, feed_idx=True)
        iteration(2, 2, 0, warm_out=False, feed_gather=True, feed_idx=True)
        iteration(3, 3, 1, warm_out=True, feed_gather=True, feed_idx=True)

        assert (rows_per_w - 8) % 4 == 0
        def quad(k, c):
            r = 4 * k + 4
            for j in range(4):
                iteration(r + j, j, j % 2,
                          warm_out=True, feed_gather=True, feed_idx=True)
            return c

        lax.fori_loop(0, (rows_per_w - 8) // 4, quad, 0)

        rt = rows_per_w - 4
        for j in range(4):
            r = rt + j
            iteration(r, r % 4, r % 2, warm_out=True,
                      feed_gather=(j < 3), feed_idx=(j < 2))
        for j in range(4):
            r = rows_per_w - 4 + j
            wait(out_cp(r, r % 4))

    return emb_kernel


def kernel(inputs, token_table, position_table):
    batch, seq = inputs.shape
    emb = token_table.shape[1]
    idx = inputs.astype(jnp.int32).reshape(batch * seq)
    tok128 = jnp.pad(token_table, ((0, 0), (0, 128 - emb)))
    pos_flat = position_table.reshape(seq * emb)
    f = _make_kernel(batch, seq, emb)
    return f(idx, tok128, pos_flat)[:, :, :emb]

# --- scband reference (transcript-rebuilt; emitter-appended) ---
"""Pipeline reference for scband-positional-embedding-12266426597451 (READ-ONLY COPY).

The authoritative reference and input builder live on the scoring server;
editing this copy changes nothing except your own understanding.
"""

import jax, jax.numpy as jnp
import numpy as np

VOCAB = 100000
SEQ_LEN = 200
EMBED_DIM = 64
BATCH = 4096

def setup_inputs(seed: int = 0) -> dict:
    key = jax.random.key(seed)
    k1, k2, k3 = jax.random.split(key, 3)
    inputs = jax.random.randint(k1, (BATCH, SEQ_LEN), 0, VOCAB, dtype=jnp.int64 if jax.config.jax_enable_x64 else jnp.int32)
    token_table = jax.random.normal(k2, (VOCAB, EMBED_DIM), dtype=jnp.float32) * 0.05
    position_table = jax.random.normal(k3, (SEQ_LEN, EMBED_DIM), dtype=jnp.float32) * 0.05
    return {"inputs": inputs, "token_table": token_table, "position_table": position_table}

def reference(inputs, token_table, position_table):
    length = inputs.shape[-1]
    positions = jnp.arange(length)
    embedded_tokens = jnp.take(token_table, inputs, axis=0)
    embedded_positions = jnp.take(position_table, positions, axis=0)
    return embedded_tokens + embedded_positions

if __name__ == "__main__":
    import jax
    _d = setup_inputs()
    print(jax.jit(kernel)(*tuple(_d.values())))

</pallas_src>

<mosaic_0001>
#map = affine_map<(d0, d1) -> (0)>
#map1 = affine_map<(d0, d1) -> (0, 0)>
#map2 = affine_map<(d0, d1) -> (0, 0, 0)>
module attributes {stable_mosaic.version = 14 : i64} {
  func.func @emb_kernel(%arg0: i32, %arg1: i32, %arg2: memref<819200xi32, #tpu.memory_space<hbm>>, %arg3: memref<100000x128xf32, #tpu.memory_space<hbm>>, %arg4: memref<12800xf32, #tpu.memory_space<hbm>>, %arg5: memref<4096x200x128xf32, #tpu.memory_space<hbm>>, %arg6: memref<12800xf32, #tpu.memory_space<vmem>>, %arg7: memref<200xi32, #tpu.memory_space<vmem>>, %arg8: memref<200xi32, #tpu.memory_space<vmem>>, %arg9: memref<200x128xf32, #tpu.memory_space<vmem>>, %arg10: memref<200x128xf32, #tpu.memory_space<vmem>>, %arg11: memref<200x128xf32, #tpu.memory_space<vmem>>, %arg12: memref<200x128xf32, #tpu.memory_space<vmem>>, %arg13: memref<!tpu.dma_semaphore, #tpu.memory_space<semaphore_mem>>, %arg14: memref<!tpu.dma_semaphore, #tpu.memory_space<semaphore_mem>>, %arg15: memref<!tpu.dma_semaphore, #tpu.memory_space<semaphore_mem>>, %arg16: memref<!tpu.dma_semaphore, #tpu.memory_space<semaphore_mem>>, %arg17: memref<!tpu.dma_semaphore, #tpu.memory_space<semaphore_mem>>, %arg18: memref<!tpu.dma_semaphore, #tpu.memory_space<semaphore_mem>>, %arg19: memref<!tpu.dma_semaphore, #tpu.memory_space<semaphore_mem>>, %arg20: memref<!tpu.dma_semaphore, #tpu.memory_space<semaphore_mem>>, %arg21: memref<!tpu.dma_semaphore, #tpu.memory_space<semaphore_mem>>, %arg22: memref<!tpu.dma_semaphore, #tpu.memory_space<semaphore_mem>>) attributes {dimension_semantics = [#tpu.dimension_semantics<core_parallel>, #tpu.dimension_semantics<subcore_parallel>], iteration_bounds = array<i64: 2, 16>, scalar_prefetch = 0 : i64, scratch_operands = 17 : i64, tpu.core_type = #tpu.core_type<sc_vector_subcore>, window_params = [{transform_indices = #map}, {transform_indices = #map1}, {transform_indices = #map}, {transform_indices = #map2}]} {
    %mul3A = arith.constant 2 : i32
    %mul3A_0 = arith.muli %arg1, %mul3A : i32
    %add3A = arith.addi %mul3A_0, %arg0 : i32
    %mul3A_1 = arith.constant 128 : i32
    %mul3A_2 = arith.muli %add3A, %mul3A_1 : i32
    "tpu.region"() ({
      %run_scoped3A = tpu.sem_alloc : memref<!tpu.dma_semaphore, #tpu.memory_space<semaphore_mem>>
      tpu.enqueue_dma source(%arg4 : memref<12800xf32, #tpu.memory_space<hbm>>) target(%arg6 : memref<12800xf32, #tpu.memory_space<vmem>>) target_semaphore(%run_scoped3A : memref<!tpu.dma_semaphore, #tpu.memory_space<semaphore_mem>>)
      tpu.wait_dma2 semaphore(%run_scoped3A : memref<!tpu.dma_semaphore, #tpu.memory_space<semaphore_mem>>) src(%arg4 : memref<12800xf32, #tpu.memory_space<hbm>>) dst(%arg6 : memref<12800xf32, #tpu.memory_space<vmem>>)
      tpu.yield
    }) : () -> ()
    %add3A_3 = arith.constant 0 : i32
    %add3A_4 = arith.addi %mul3A_2, %add3A_3 : i32
    %mul3A_5 = arith.constant 200 : i32
    %mul3A_6 = arith.muli %add3A_4, %mul3A_5 : i32
    %dma_start3A = tpu.memref_slice %arg2[%mul3A_6] : memref<819200xi32, #tpu.memory_space<hbm>> -> memref<200xi32, #tpu.memory_space<hbm>>
    %dma_start3A_7 = tpu.memref_slice %arg2[%mul3A_6] : memref<819200xi32, #tpu.memory_space<hbm>> -> memref<200xi32, #tpu.memory_space<hbm>>
    tpu.enqueue_dma source(%dma_start3A_7 : memref<200xi32, #tpu.memory_space<hbm>>) target(%arg7 : memref<200xi32, #tpu.memory_space<vmem>>) target_semaphore(%arg13 : memref<!tpu.dma_semaphore, #tpu.memory_space<semaphore_mem>>)
    %add3A_8 = arith.constant 1 : i32
    %add3A_9 = arith.addi %mul3A_2, %add3A_8 : i32
    %mul3A_10 = arith.constant 200 : i32
    %mul3A_11 = arith.muli %add3A_9, %mul3A_10 : i32
    %dma_start3A_12 = tpu.memref_slice %arg2[%mul3A_11] : memref<819200xi32, #tpu.memory_space<hbm>> -> memref<200xi32, #tpu.memory_space<hbm>>
    %dma_start3A_13 = tpu.memref_slice %arg2[%mul3A_11] : memref<819200xi32, #tpu.memory_space<hbm>> -> memref<200xi32, #tpu.memory_space<hbm>>
    tpu.enqueue_dma source(%dma_start3A_13 : memref<200xi32, #tpu.memory_space<hbm>>) target(%arg8 : memref<200xi32, #tpu.memory_space<vmem>>) target_semaphore(%arg14 : memref<!tpu.dma_semaphore, #tpu.memory_space<semaphore_mem>>)
    %add3A_14 = arith.constant 0 : i32
    %add3A_15 = arith.addi %mul3A_2, %add3A_14 : i32
    %mul3A_16 = arith.constant 200 : i32
    %mul3A_17 = arith.muli %add3A_15, %mul3A_16 : i32
    %dma_wait3A = tpu.memref_slice %arg2[%mul3A_17] : memref<819200xi32, #tpu.memory_space<hbm>> -> memref<200xi32, #tpu.memory_space<hbm>>
    %dma_wait3A_18 = tpu.memref_slice %arg2[%mul3A_17] : memref<819200xi32, #tpu.memory_space<hbm>> -> memref<200xi32, #tpu.memory_space<hbm>>
    tpu.wait_dma2 semaphore(%arg13 : memref<!tpu.dma_semaphore, #tpu.memory_space<semaphore_mem>>) src(%dma_wait3A_18 : memref<200xi32, #tpu.memory_space<hbm>>) dst(%arg7 : memref<200xi32, #tpu.memory_space<vmem>>)
    %dma_start3A_19 = arith.constant 0 : i32
    %dma_start3A_20 = arith.constant 0 : i32
    %dma_start3A_21 = tpu.memref_slice %arg9[%dma_start3A_19, %dma_start3A_20] : memref<200x128xf32, #tpu.memory_space<vmem>> -> memref<104x128xf32, #tpu.memory_space<vmem>>
    %dma_start3A_22 = arith.constant 0 : i32
    %dma_start3A_23 = tpu.memref_slice %arg7[%dma_start3A_22] : memref<200xi32, #tpu.memory_space<vmem>> -> memref<104xi32, #tpu.memory_space<vmem>>
    %dma_start3A_24 = arith.constant 0 : i32
    %dma_start3A_25 = arith.constant 0 : i32
    %dma_start3A_26 = tpu.memref_slice %arg3[%dma_start3A_24, %dma_start3A_25] : memref<100000x128xf32, #tpu.memory_space<hbm>> -> memref<100000x128xf32, #tpu.memory_space<hbm>>
    tpu.enqueue_indirect_dma source(%dma_start3A_26 : memref<100000x128xf32, #tpu.memory_space<hbm>>) target(%dma_start3A_21 : memref<104x128xf32, #tpu.memory_space<vmem>>) offsets(%dma_start3A_23 : memref<104xi32, #tpu.memory_space<vmem>>) semaphore(%arg15 : memref<!tpu.dma_semaphore, #tpu.memory_space<semaphore_mem>>)
    %dma_start3A_27 = arith.constant 104 : i32
    %dma_start3A_28 = arith.constant 0 : i32
    %dma_start3A_29 = tpu.memref_slice %arg9[%dma_start3A_27, %dma_start3A_28] : memref<200x128xf32, #tpu.memory_space<vmem>> -> memref<96x128xf32, #tpu.memory_space<vmem>>
    %dma_start3A_30 = arith.constant 104 : i32
    %dma_start3A_31 = tpu.memref_slice %arg7[%dma_start3A_30] : memref<200xi32, #tpu.memory_space<vmem>> -> memref<96xi32, #tpu.memory_space<vmem>>
    %dma_start3A_32 = arith.constant 0 : i32
    %dma_start3A_33 = arith.constant 0 : i32
    %dma_start3A_34 = tpu.memref_slice %arg3[%dma_start3A_32, %dma_start3A_33] : memref<100000x128xf32, #tpu.memory_space<hbm>> -> memref<100000x128xf32, #tpu.memory_space<hbm>>
    tpu.enqueue_indirect_dma source(%dma_start3A_34 : memref<100000x128xf32, #tpu.memory_space<hbm>>) target(%dma_start3A_29 : memref<96x128xf32, #tpu.memory_space<vmem>>) offsets(%dma_start3A_31 : memref<96xi32, #tpu.memory_space<vmem>>) semaphore(%arg15 : memref<!tpu.dma_semaphore, #tpu.memory_space<semaphore_mem>>)
    %add3A_35 = arith.constant 1 : i32
    %add3A_36 = arith.addi %mul3A_2, %add3A_35 : i32
    %mul3A_37 = arith.constant 200 : i32
    %mul3A_38 = arith.muli %add3A_36, %mul3A_37 : i32
    %dma_wait3A_39 = tpu.memref_slice %arg2[%mul3A_38] : memref<819200xi32, #tpu.memory_space<hbm>> -> memref<200xi32, #tpu.memory_space<hbm>>
    %dma_wait3A_40 = tpu.memref_slice %arg2[%mul3A_38] : memref<819200xi32, #tpu.memory_space<hbm>> -> memref<200xi32, #tpu.memory_space<hbm>>
    tpu.wait_dma2 semaphore(%arg14 : memref<!tpu.dma_semaphore, #tpu.memory_space<semaphore_mem>>) src(%dma_wait3A_40 : memref<200xi32, #tpu.memory_space<hbm>>) dst(%arg8 : memref<200xi32, #tpu.memory_space<vmem>>)
    %dma_start3A_41 = arith.constant 0 : i32
    %dma_start3A_42 = arith.constant 0 : i32
    %dma_start3A_43 = tpu.memref_slice %arg10[%dma_start3A_41, %dma_start3A_42] : memref<200x128xf32, #tpu.memory_space<vmem>> -> memref<104x128xf32, #tpu.memory_space<vmem>>
    %dma_start3A_44 = arith.constant 0 : i32
    %dma_start3A_45 = tpu.memref_slice %arg8[%dma_start3A_44] : memref<200xi32, #tpu.memory_space<vmem>> -> memref<104xi32, #tpu.memory_space<vmem>>
    %dma_start3A_46 = arith.constant 0 : i32
    %dma_start3A_47 = arith.constant 0 : i32
    %dma_start3A_48 = tpu.memref_slice %arg3[%dma_start3A_46, %dma_start3A_47] : memref<100000x128xf32, #tpu.memory_space<hbm>> -> memref<100000x128xf32, #tpu.memory_space<hbm>>
    tpu.enqueue_indirect_dma source(%dma_start3A_48 : memref<100000x128xf32, #tpu.memory_space<hbm>>) target(%dma_start3A_43 : memref<104x128xf32, #tpu.memory_space<vmem>>) offsets(%dma_start3A_45 : memref<104xi32, #tpu.memory_space<vmem>>) semaphore(%arg16 : memref<!tpu.dma_semaphore, #tpu.memory_space<semaphore_mem>>)
    %dma_start3A_49 = arith.constant 104 : i32
    %dma_start3A_50 = arith.constant 0 : i32
    %dma_start3A_51 = tpu.memref_slice %arg10[%dma_start3A_49, %dma_start3A_50] : memref<200x128xf32, #tpu.memory_space<vmem>> -> memref<96x128xf32, #tpu.memory_space<vmem>>
    %dma_start3A_52 = arith.constant 104 : i32
    %dma_start3A_53 = tpu.memref_slice %arg8[%dma_start3A_52] : memref<200xi32, #tpu.memory_space<vmem>> -> memref<96xi32, #tpu.memory_space<vmem>>
    %dma_start3A_54 = arith.constant 0 : i32
    %dma_start3A_55 = arith.constant 0 : i32
    %dma_start3A_56 = tpu.memref_slice %arg3[%dma_start3A_54, %dma_start3A_55] : memref<100000x128xf32, #tpu.memory_space<hbm>> -> memref<100000x128xf32, #tpu.memory_space<hbm>>
    tpu.enqueue_indirect_dma source(%dma_start3A_56 : memref<100000x128xf32, #tpu.memory_space<hbm>>) target(%dma_start3A_51 : memref<96x128xf32, #tpu.memory_space<vmem>>) offsets(%dma_start3A_53 : memref<96xi32, #tpu.memory_space<vmem>>) semaphore(%arg16 : memref<!tpu.dma_semaphore, #tpu.memory_space<semaphore_mem>>)
    %dma_wait3A_57 = arith.constant 0 : i32
    %dma_wait3A_58 = arith.constant 0 : i32
    %dma_wait3A_59 = tpu.memref_slice %arg9[%dma_wait3A_57, %dma_wait3A_58] : memref<200x128xf32, #tpu.memory_space<vmem>> -> memref<104x128xf32, #tpu.memory_space<vmem>>
    %dma_wait3A_60 = arith.constant 0 : i32
    %dma_wait3A_61 = tpu.memref_slice %arg7[%dma_wait3A_60] : memref<200xi32, #tpu.memory_space<vmem>> -> memref<104xi32, #tpu.memory_space<vmem>>
    %dma_wait3A_62 = arith.constant 0 : i32
    %dma_wait3A_63 = arith.constant 0 : i32
    %dma_wait3A_64 = tpu.memref_slice %arg3[%dma_wait3A_62, %dma_wait3A_63] : memref<100000x128xf32, #tpu.memory_space<hbm>> -> memref<100000x128xf32, #tpu.memory_space<hbm>>
    tpu.wait_indirect_dma semaphore(%arg15 : memref<!tpu.dma_semaphore, #tpu.memory_space<semaphore_mem>>) src(%dma_wait3A_64 : memref<100000x128xf32, #tpu.memory_space<hbm>>) dst(%dma_wait3A_59 : memref<104x128xf32, #tpu.memory_space<vmem>>)
    %dma_wait3A_65 = arith.constant 104 : i32
    %dma_wait3A_66 = arith.constant 0 : i32
    %dma_wait3A_67 = tpu.memref_slice %arg9[%dma_wait3A_65, %dma_wait3A_66] : memref<200x128xf32, #tpu.memory_space<vmem>> -> memref<96x128xf32, #tpu.memory_space<vmem>>
    %dma_wait3A_68 = arith.constant 104 : i32
    %dma_wait3A_69 = tpu.memref_slice %arg7[%dma_wait3A_68] : memref<200xi32, #tpu.memory_space<vmem>> -> memref<96xi32, #tpu.memory_space<vmem>>
    %dma_wait3A_70 = arith.constant 0 : i32
    %dma_wait3A_71 = arith.constant 0 : i32
    %dma_wait3A_72 = tpu.memref_slice %arg3[%dma_wait3A_70, %dma_wait3A_71] : memref<100000x128xf32, #tpu.memory_space<hbm>> -> memref<100000x128xf32, #tpu.memory_space<hbm>>
    tpu.wait_indirect_dma semaphore(%arg15 : memref<!tpu.dma_semaphore, #tpu.memory_space<semaphore_mem>>) src(%dma_wait3A_72 : memref<100000x128xf32, #tpu.memory_space<hbm>>) dst(%dma_wait3A_67 : memref<96x128xf32, #tpu.memory_space<vmem>>)
    %add3A_73 = arith.constant 2 : i32
    %add3A_74 = arith.addi %mul3A_2, %add3A_73 : i32
    %mul3A_75 = arith.constant 200 : i32
    %mul3A_76 = arith.muli %add3A_74, %mul3A_75 : i32
    %dma_start3A_77 = tpu.memref_slice %arg2[%mul3A_76] : memref<819200xi32, #tpu.memory_space<hbm>> -> memref<200xi32, #tpu.memory_space<hbm>>
    %dma_start3A_78 = tpu.memref_slice %arg2[%mul3A_76] : memref<819200xi32, #tpu.memory_space<hbm>> -> memref<200xi32, #tpu.memory_space<hbm>>
    tpu.enqueue_dma source(%dma_start3A_78 : memref<200xi32, #tpu.memory_space<hbm>>) target(%arg7 : memref<200xi32, #tpu.memory_space<vmem>>) target_semaphore(%arg13 : memref<!tpu.dma_semaphore, #tpu.memory_space<semaphore_mem>>)
    %scan3A = arith.constant 0 : i32
    %scan3A_79 = arith.constant 0 : i32
    %scan3A_80 = arith.constant 200 : i32
    %scan3A_81 = arith.addi %scan3A_79, %scan3A_80 : i32
    %scan3A_82 = arith.constant 1 : i32
    scf.for %scan3A_566 = %scan3A_79 to %scan3A_81 step %scan3A_82  : i32 {
      %mul3A_567 = arith.constant 64 : i32
      %mul3A_568 = arith.muli %scan3A_566, %mul3A_567 : i32
      %add3A_569 = arith.constant 0 : i32
      %add3A_570 = arith.addi %mul3A_568, %add3A_569 : i32
      %get3A = arith.index_cast %add3A_570 : i32 to index
      %get3A_571 = tpu.vector_load %arg6[%get3A] {strides = array<i32>} : memref<12800xf32, #tpu.memory_space<vmem>>, vector<16xf32>,
      %get3A_572 = vector.shape_cast %get3A_571 : vector<16xf32> to vector<16xf32>
      %swap3A = arith.index_cast %scan3A_566 : i32 to index
      %swap3A_573 = arith.constant 0 : index
      %swap3A_574 = tpu.vector_load %arg9[%swap3A, %swap3A_573] {strides = array<i32>} : memref<200x128xf32, #tpu.memory_space<vmem>>, vector<1x16xf32>,
      %swap3A_575 = vector.shape_cast %swap3A_574 : vector<1x16xf32> to vector<16xf32>
      %swap3A_576 = vector.shape_cast %get3A_572 : vector<16xf32> to vector<1x16xf32>
      tpu.vector_store %arg9[%swap3A, %swap3A_573], %swap3A_576 {add = true, strides = array<i32>} : memref<200x128xf32, #tpu.memory_space<vmem>>, vector<1x16xf32>,
      %mul3A_577 = arith.constant 64 : i32
      %mul3A_578 = arith.muli %scan3A_566, %mul3A_577 : i32
      %add3A_579 = arith.constant 16 : i32
      %add3A_580 = arith.addi %mul3A_578, %add3A_579 : i32
      %get3A_581 = arith.index_cast %add3A_580 : i32 to index
      %get3A_582 = tpu.vector_load %arg6[%get3A_581] {strides = array<i32>} : memref<12800xf32, #tpu.memory_space<vmem>>, vector<16xf32>,
      %get3A_583 = vector.shape_cast %get3A_582 : vector<16xf32> to vector<16xf32>
      %swap3A_584 = arith.index_cast %scan3A_566 : i32 to index
      %swap3A_585 = arith.constant 16 : index
      %swap3A_586 = tpu.vector_load %arg9[%swap3A_584, %swap3A_585] {strides = array<i32>} : memref<200x128xf32, #tpu.memory_space<vmem>>, vector<1x16xf32>,
      %swap3A_587 = vector.shape_cast %swap3A_586 : vector<1x16xf32> to vector<16xf32>
      %swap3A_588 = vector.shape_cast %get3A_583 : vector<16xf32> to vector<1x16xf32>
      tpu.vector_store %arg9[%swap3A_584, %swap3A_585], %swap3A_588 {add = true, strides = array<i32>} : memref<200x128xf32, #tpu.memory_space<vmem>>, vector<1x16xf32>,
      %mul3A_589 = arith.constant 64 : i32
      %mul3A_590 = arith.muli %scan3A_566, %mul3A_589 : i32
      %add3A_591 = arith.constant 32 : i32
      %add3A_592 = arith.addi %mul3A_590, %add3A_591 : i32
      %get3A_593 = arith.index_cast %add3A_592 : i32 to index
      %get3A_594 = tpu.vector_load %arg6[%get3A_593] {strides = array<i32>} : memref<12800xf32, #tpu.memory_space<vmem>>, vector<16xf32>,
      %get3A_595 = vector.shape_cast %get3A_594 : vector<16xf32> to vector<16xf32>
      %swap3A_596 = arith.index_cast %scan3A_566 : i32 to index
      %swap3A_597 = arith.constant 32 : index
      %swap3A_598 = tpu.vector_load %arg9[%swap3A_596, %swap3A_597] {strides = array<i32>} : memref<200x128xf32, #tpu.memory_space<vmem>>, vector<1x16xf32>,
      %swap3A_599 = vector.shape_cast %swap3A_598 : vector<1x16xf32> to vector<16xf32>
      %swap3A_600 = vector.shape_cast %get3A_595 : vector<16xf32> to vector<1x16xf32>
      tpu.vector_store %arg9[%swap3A_596, %swap3A_597], %swap3A_600 {add = true, strides = array<i32>} : memref<200x128xf32, #tpu.memory_space<vmem>>, vector<1x16xf32>,
      %mul3A_601 = arith.constant 64 : i32
      %mul3A_602 = arith.muli %scan3A_566, %mul3A_601 : i32
      %add3A_603 = arith.constant 48 : i32
      %add3A_604 = arith.addi %mul3A_602, %add3A_603 : i32
      %get3A_605 = arith.index_cast %add3A_604 : i32 to index
      %get3A_606 = tpu.vector_load %arg6[%get3A_605] {strides = array<i32>} : memref<12800xf32, #tpu.memory_space<vmem>>, vector<16xf32>,
      %get3A_607 = vector.shape_cast %get3A_606 : vector<16xf32> to vector<16xf32>
      %swap3A_608 = arith.index_cast %scan3A_566 : i32 to index
      %swap3A_609 = arith.constant 48 : index
      %swap3A_610 = tpu.vector_load %arg9[%swap3A_608, %swap3A_609] {strides = array<i32>} : memref<200x128xf32, #tpu.memory_space<vmem>>, vector<1x16xf32>,
      %swap3A_611 = vector.shape_cast %swap3A_610 : vector<1x16xf32> to vector<16xf32>
      %swap3A_612 = vector.shape_cast %get3A_607 : vector<16xf32> to vector<1x16xf32>
      tpu.vector_store %arg9[%swap3A_608, %swap3A_609], %swap3A_612 {add = true, strides = array<i32>} : memref<200x128xf32, #tpu.memory_space<vmem>>, vector<1x16xf32>,
    }
    %scan3A_83 = arith.constant 200 : i32
    %add3A_84 = arith.constant 0 : i32
    %add3A_85 = arith.addi %mul3A_2, %add3A_84 : i32
    %dma_start3A_86 = arith.constant 0 : i32
    %dma_start3A_87 = arith.constant 0 : i32
    %dma_start3A_88 = tpu.memref_slice %arg5[%add3A_85, %dma_start3A_86, %dma_start3A_87] : memref<4096x200x128xf32, #tpu.memory_space<hbm>> -> memref<1x200x128xf32, #tpu.memory_space<hbm>>
    %dma_start3A_89 = tpu.memref_squeeze %dma_start3A_88 : memref<1x200x128xf32, #tpu.memory_space<hbm>> -> memref<200x128xf32, #tpu.memory_space<hbm>>
    %dma_start3A_90 = arith.constant 0 : i32
    %dma_start3A_91 = arith.constant 0 : i32
    %dma_start3A_92 = tpu.memref_slice %arg5[%add3A_85, %dma_start3A_90, %dma_start3A_91] : memref<4096x200x128xf32, #tpu.memory_space<hbm>> -> memref<1x200x128xf32, #tpu.memory_space<hbm>>
    %dma_start3A_93 = tpu.memref_squeeze %dma_start3A_92 : memref<1x200x128xf32, #tpu.memory_space<hbm>> -> memref<200x128xf32, #tpu.memory_space<hbm>>
    tpu.enqueue_dma source(%arg9 : memref<200x128xf32, #tpu.memory_space<vmem>>) target(%dma_start3A_93 : memref<200x128xf32, #tpu.memory_space<hbm>>) target_semaphore(%arg19 : memref<!tpu.dma_semaphore, #tpu.memory_space<semaphore_mem>>)
    %add3A_94 = arith.constant 2 : i32
    %add3A_95 = arith.addi %mul3A_2, %add3A_94 : i32
    %mul3A_96 = arith.constant 200 : i32
    %mul3A_97 = arith.muli %add3A_95, %mul3A_96 : i32
    %dma_wait3A_98 = tpu.memref_slice %arg2[%mul3A_97] : memref<819200xi32, #tpu.memory_space<hbm>> -> memref<200xi32, #tpu.memory_space<hbm>>
    %dma_wait3A_99 = tpu.memref_slice %arg2[%mul3A_97] : memref<819200xi32, #tpu.memory_space<hbm>> -> memref<200xi32, #tpu.memory_space<hbm>>
    tpu.wait_dma2 semaphore(%arg13 : memref<!tpu.dma_semaphore, #tpu.memory_space<semaphore_mem>>) src(%dma_wait3A_99 : memref<200xi32, #tpu.memory_space<hbm>>) dst(%arg7 : memref<200xi32, #tpu.memory_space<vmem>>)
    %dma_start3A_100 = arith.constant 0 : i32
    %dma_start3A_101 = arith.constant 0 : i32
    %dma_start3A_102 = tpu.memref_slice %arg11[%dma_start3A_100, %dma_start3A_101] : memref<200x128xf32, #tpu.memory_space<vmem>> -> memref<104x128xf32, #tpu.memory_space<vmem>>
    %dma_start3A_103 = arith.constant 0 : i32
    %dma_start3A_104 = tpu.memref_slice %arg7[%dma_start3A_103] : memref<200xi32, #tpu.memory_space<vmem>> -> memref<104xi32, #tpu.memory_space<vmem>>
    %dma_start3A_105 = arith.constant 0 : i32
    %dma_start3A_106 = arith.constant 0 : i32
    %dma_start3A_107 = tpu.memref_slice %arg3[%dma_start3A_105, %dma_start3A_106] : memref<100000x128xf32, #tpu.memory_space<hbm>> -> memref<100000x128xf32, #tpu.memory_space<hbm>>
    tpu.enqueue_indirect_dma source(%dma_start3A_107 : memref<100000x128xf32, #tpu.memory_space<hbm>>) target(%dma_start3A_102 : memref<104x128xf32, #tpu.memory_space<vmem>>) offsets(%dma_start3A_104 : memref<104xi32, #tpu.memory_space<vmem>>) semaphore(%arg17 : memref<!tpu.dma_semaphore, #tpu.memory_space<semaphore_mem>>)
    %dma_start3A_108 = arith.constant 104 : i32
    %dma_start3A_109 = arith.constant 0 : i32
    %dma_start3A_110 = tpu.memref_slice %arg11[%dma_start3A_108, %dma_start3A_109] : memref<200x128xf32, #tpu.memory_space<vmem>> -> memref<96x128xf32, #tpu.memory_space<vmem>>
    %dma_start3A_111 = arith.constant 104 : i32
    %dma_start3A_112 = tpu.memref_slice %arg7[%dma_start3A_111] : memref<200xi32, #tpu.memory_space<vmem>> -> memref<96xi32, #tpu.memory_space<vmem>>
    %dma_start3A_113 = arith.constant 0 : i32
    %dma_start3A_114 = arith.constant 0 : i32
    %dma_start3A_115 = tpu.memref_slice %arg3[%dma_start3A_113, %dma_start3A_114] : memref<100000x128xf32, #tpu.memory_space<hbm>> -> memref<100000x128xf32, #tpu.memory_space<hbm>>
    tpu.enqueue_indirect_dma source(%dma_start3A_115 : memref<100000x128xf32, #tpu.memory_space<hbm>>) target(%dma_start3A_110 : memref<96x128xf32, #tpu.memory_space<vmem>>) offsets(%dma_start3A_112 : memref<96xi32, #tpu.memory_space<vmem>>) semaphore(%arg17 : memref<!tpu.dma_semaphore, #tpu.memory_space<semaphore_mem>>)
    %dma_wait3A_116 = arith.constant 0 : i32
    %dma_wait3A_117 = arith.constant 0 : i32
    %dma_wait3A_118 = tpu.memref_slice %arg10[%dma_wait3A_116, %dma_wait3A_117] : memref<200x128xf32, #tpu.memory_space<vmem>> -> memref<104x128xf32, #tpu.memory_space<vmem>>
    %dma_wait3A_119 = arith.constant 0 : i32
    %dma_wait3A_120 = tpu.memref_slice %arg8[%dma_wait3A_119] : memref<200xi32, #tpu.memory_space<vmem>> -> memref<104xi32, #tpu.memory_space<vmem>>
    %dma_wait3A_121 = arith.constant 0 : i32
    %dma_wait3A_122 = arith.constant 0 : i32
    %dma_wait3A_123 = tpu.memref_slice %arg3[%dma_wait3A_121, %dma_wait3A_122] : memref<100000x128xf32, #tpu.memory_space<hbm>> -> memref<100000x128xf32, #tpu.memory_space<hbm>>
    tpu.wait_indirect_dma semaphore(%arg16 : memref<!tpu.dma_semaphore, #tpu.memory_space<semaphore_mem>>) src(%dma_wait3A_123 : memref<100000x128xf32, #tpu.memory_space<hbm>>) dst(%dma_wait3A_118 : memref<104x128xf32, #tpu.memory_space<vmem>>)
    %dma_wait3A_124 = arith.constant 104 : i32
    %dma_wait3A_125 = arith.constant 0 : i32
    %dma_wait3A_126 = tpu.memref_slice %arg10[%dma_wait3A_124, %dma_wait3A_125] : memref<200x128xf32, #tpu.memory_space<vmem>> -> memref<96x128xf32, #tpu.memory_space<vmem>>
    %dma_wait3A_127 = arith.constant 104 : i32
    %dma_wait3A_128 = tpu.memref_slice %arg8[%dma_wait3A_127] : memref<200xi32, #tpu.memory_space<vmem>> -> memref<96xi32, #tpu.memory_space<vmem>>
    %dma_wait3A_129 = arith.constant 0 : i32
    %dma_wait3A_130 = arith.constant 0 : i32
    %dma_wait3A_131 = tpu.memref_slice %arg3[%dma_wait3A_129, %dma_wait3A_130] : memref<100000x128xf32, #tpu.memory_space<hbm>> -> memref<100000x128xf32, #tpu.memory_space<hbm>>
    tpu.wait_indirect_dma semaphore(%arg16 : memref<!tpu.dma_semaphore, #tpu.memory_space<semaphore_mem>>) src(%dma_wait3A_131 : memref<100000x128xf32, #tpu.memory_space<hbm>>) dst(%dma_wait3A_126 : memref<96x128xf32, #tpu.memory_space<vmem>>)
    %add3A_132 = arith.constant 3 : i32
    %add3A_133 = arith.addi %mul3A_2, %add3A_132 : i32
    %mul3A_134 = arith.constant 200 : i32
    %mul3A_135 = arith.muli %add3A_133, %mul3A_134 : i32
    %dma_start3A_136 = tpu.memref_slice %arg2[%mul3A_135] : memref<819200xi32, #tpu.memory_space<hbm>> -> memref<200xi32, #tpu.memory_space<hbm>>
    %dma_start3A_137 = tpu.memref_slice %arg2[%mul3A_135] : memref<819200xi32, #tpu.memory_space<hbm>> -> memref<200xi32, #tpu.memory_space<hbm>>
    tpu.enqueue_dma source(%dma_start3A_137 : memref<200xi32, #tpu.memory_space<hbm>>) target(%arg8 : memref<200xi32, #tpu.memory_space<vmem>>) target_semaphore(%arg14 : memref<!tpu.dma_semaphore, #tpu.memory_space<semaphore_mem>>)
    %scan3A_138 = arith.constant 0 : i32
    %scan3A_139 = arith.constant 0 : i32
    %scan3A_140 = arith.constant 200 : i32
    %scan3A_141 = arith.addi %scan3A_139, %scan3A_140 : i32
    %scan3A_142 = arith.constant 1 : i32
    scf.for %scan3A_566 = %scan3A_139 to %scan3A_141 step %scan3A_142  : i32 {
      %mul3A_567 = arith.constant 64 : i32
      %mul3A_568 = arith.muli %scan3A_566, %mul3A_567 : i32
      %add3A_569 = arith.constant 0 : i32
      %add3A_570 = arith.addi %mul3A_568, %add3A_569 : i32
      %get3A = arith.index_cast %add3A_570 : i32 to index
      %get3A_571 = tpu.vector_load %arg6[%get3A] {strides = array<i32>} : memref<12800xf32, #tpu.memory_space<vmem>>, vector<16xf32>,
      %get3A_572 = vector.shape_cast %get3A_571 : vector<16xf32> to vector<16xf32>
      %swap3A = arith.index_cast %scan3A_566 : i32 to index
      %swap3A_573 = arith.constant 0 : index
      %swap3A_574 = tpu.vector_load %arg10[%swap3A, %swap3A_573] {strides = array<i32>} : memref<200x128xf32, #tpu.memory_space<vmem>>, vector<1x16xf32>,
      %swap3A_575 = vector.shape_cast %swap3A_574 : vector<1x16xf32> to vector<16xf32>
      %swap3A_576 = vector.shape_cast %get3A_572 : vector<16xf32> to vector<1x16xf32>
      tpu.vector_store %arg10[%swap3A, %swap3A_573], %swap3A_576 {add = true, strides = array<i32>} : memref<200x128xf32, #tpu.memory_space<vmem>>, vector<1x16xf32>,
      %mul3A_577 = arith.constant 64 : i32
      %mul3A_578 = arith.muli %scan3A_566, %mul3A_577 : i32
      %add3A_579 = arith.constant 16 : i32
      %add3A_580 = arith.addi %mul3A_578, %add3A_579 : i32
      %get3A_581 = arith.index_cast %add3A_580 : i32 to index
      %get3A_582 = tpu.vector_load %arg6[%get3A_581] {strides = array<i32>} : memref<12800xf32, #tpu.memory_space<vmem>>, vector<16xf32>,
      %get3A_583 = vector.shape_cast %get3A_582 : vector<16xf32> to vector<16xf32>
      %swap3A_584 = arith.index_cast %scan3A_566 : i32 to index
      %swap3A_585 = arith.constant 16 : index
      %swap3A_586 = tpu.vector_load %arg10[%swap3A_584, %swap3A_585] {strides = array<i32>} : memref<200x128xf32, #tpu.memory_space<vmem>>, vector<1x16xf32>,
      %swap3A_587 = vector.shape_cast %swap3A_586 : vector<1x16xf32> to vector<16xf32>
      %swap3A_588 = vector.shape_cast %get3A_583 : vector<16xf32> to vector<1x16xf32>
      tpu.vector_store %arg10[%swap3A_584, %swap3A_585], %swap3A_588 {add = true, strides = array<i32>} : memref<200x128xf32, #tpu.memory_space<vmem>>, vector<1x16xf32>,
      %mul3A_589 = arith.constant 64 : i32
      %mul3A_590 = arith.muli %scan3A_566, %mul3A_589 : i32
      %add3A_591 = arith.constant 32 : i32
      %add3A_592 = arith.addi %mul3A_590, %add3A_591 : i32
      %get3A_593 = arith.index_cast %add3A_592 : i32 to index
      %get3A_594 = tpu.vector_load %arg6[%get3A_593] {strides = array<i32>} : memref<12800xf32, #tpu.memory_space<vmem>>, vector<16xf32>,
      %get3A_595 = vector.shape_cast %get3A_594 : vector<16xf32> to vector<16xf32>
      %swap3A_596 = arith.index_cast %scan3A_566 : i32 to index
      %swap3A_597 = arith.constant 32 : index
      %swap3A_598 = tpu.vector_load %arg10[%swap3A_596, %swap3A_597] {strides = array<i32>} : memref<200x128xf32, #tpu.memory_space<vmem>>, vector<1x16xf32>,
      %swap3A_599 = vector.shape_cast %swap3A_598 : vector<1x16xf32> to vector<16xf32>
      %swap3A_600 = vector.shape_cast %get3A_595 : vector<16xf32> to vector<1x16xf32>
      tpu.vector_store %arg10[%swap3A_596, %swap3A_597], %swap3A_600 {add = true, strides = array<i32>} : memref<200x128xf32, #tpu.memory_space<vmem>>, vector<1x16xf32>,
      %mul3A_601 = arith.constant 64 : i32
      %mul3A_602 = arith.muli %scan3A_566, %mul3A_601 : i32
      %add3A_603 = arith.constant 48 : i32
      %add3A_604 = arith.addi %mul3A_602, %add3A_603 : i32
      %get3A_605 = arith.index_cast %add3A_604 : i32 to index
      %get3A_606 = tpu.vector_load %arg6[%get3A_605] {strides = array<i32>} : memref<12800xf32, #tpu.memory_space<vmem>>, vector<16xf32>,
      %get3A_607 = vector.shape_cast %get3A_606 : vector<16xf32> to vector<16xf32>
      %swap3A_608 = arith.index_cast %scan3A_566 : i32 to index
      %swap3A_609 = arith.constant 48 : index
      %swap3A_610 = tpu.vector_load %arg10[%swap3A_608, %swap3A_609] {strides = array<i32>} : memref<200x128xf32, #tpu.memory_space<vmem>>, vector<1x16xf32>,
      %swap3A_611 = vector.shape_cast %swap3A_610 : vector<1x16xf32> to vector<16xf32>
      %swap3A_612 = vector.shape_cast %get3A_607 : vector<16xf32> to vector<1x16xf32>
      tpu.vector_store %arg10[%swap3A_608, %swap3A_609], %swap3A_612 {add = true, strides = array<i32>} : memref<200x128xf32, #tpu.memory_space<vmem>>, vector<1x16xf32>,
    }
    %scan3A_143 = arith.constant 200 : i32
    %add3A_144 = arith.constant 1 : i32
    %add3A_145 = arith.addi %mul3A_2, %add3A_144 : i32
    %dma_start3A_146 = arith.constant 0 : i32
    %dma_start3A_147 = arith.constant 0 : i32
    %dma_start3A_148 = tpu.memref_slice %arg5[%add3A_145, %dma_start3A_146, %dma_start3A_147] : memref<4096x200x128xf32, #tpu.memory_space<hbm>> -> memref<1x200x128xf32, #tpu.memory_space<hbm>>
    %dma_start3A_149 = tpu.memref_squeeze %dma_start3A_148 : memref<1x200x128xf32, #tpu.memory_space<hbm>> -> memref<200x128xf32, #tpu.memory_space<hbm>>
    %dma_start3A_150 = arith.constant 0 : i32
    %dma_start3A_151 = arith.constant 0 : i32
    %dma_start3A_152 = tpu.memref_slice %arg5[%add3A_145, %dma_start3A_150, %dma_start3A_151] : memref<4096x200x128xf32, #tpu.memory_space<hbm>> -> memref<1x200x128xf32, #tpu.memory_space<hbm>>
    %dma_start3A_153 = tpu.memref_squeeze %dma_start3A_152 : memref<1x200x128xf32, #tpu.memory_space<hbm>> -> memref<200x128xf32, #tpu.memory_space<hbm>>
    tpu.enqueue_dma source(%arg10 : memref<200x128xf32, #tpu.memory_space<vmem>>) target(%dma_start3A_153 : memref<200x128xf32, #tpu.memory_space<hbm>>) target_semaphore(%arg20 : memref<!tpu.dma_semaphore, #tpu.memory_space<semaphore_mem>>)
    %add3A_154 = arith.constant 3 : i32
    %add3A_155 = arith.addi %mul3A_2, %add3A_154 : i32
    %mul3A_156 = arith.constant 200 : i32
    %mul3A_157 = arith.muli %add3A_155, %mul3A_156 : i32
    %dma_wait3A_158 = tpu.memref_slice %arg2[%mul3A_157] : memref<819200xi32, #tpu.memory_space<hbm>> -> memref<200xi32, #tpu.memory_space<hbm>>
    %dma_wait3A_159 = tpu.memref_slice %arg2[%mul3A_157] : memref<819200xi32, #tpu.memory_space<hbm>> -> memref<200xi32, #tpu.memory_space<hbm>>
    tpu.wait_dma2 semaphore(%arg14 : memref<!tpu.dma_semaphore, #tpu.memory_space<semaphore_mem>>) src(%dma_wait3A_159 : memref<200xi32, #tpu.memory_space<hbm>>) dst(%arg8 : memref<200xi32, #tpu.memory_space<vmem>>)
    %dma_start3A_160 = arith.constant 0 : i32
    %dma_start3A_161 = arith.constant 0 : i32
    %dma_start3A_162 = tpu.memref_slice %arg12[%dma_start3A_160, %dma_start3A_161] : memref<200x128xf32, #tpu.memory_space<vmem>> -> memref<104x128xf32, #tpu.memory_space<vmem>>
    %dma_start3A_163 = arith.constant 0 : i32
    %dma_start3A_164 = tpu.memref_slice %arg8[%dma_start3A_163] : memref<200xi32, #tpu.memory_space<vmem>> -> memref<104xi32, #tpu.memory_space<vmem>>
    %dma_start3A_165 = arith.constant 0 : i32
    %dma_start3A_166 = arith.constant 0 : i32
    %dma_start3A_167 = tpu.memref_slice %arg3[%dma_start3A_165, %dma_start3A_166] : memref<100000x128xf32, #tpu.memory_space<hbm>> -> memref<100000x128xf32, #tpu.memory_space<hbm>>
    tpu.enqueue_indirect_dma source(%dma_start3A_167 : memref<100000x128xf32, #tpu.memory_space<hbm>>) target(%dma_start3A_162 : memref<104x128xf32, #tpu.memory_space<vmem>>) offsets(%dma_start3A_164 : memref<104xi32, #tpu.memory_space<vmem>>) semaphore(%arg18 : memref<!tpu.dma_semaphore, #tpu.memory_space<semaphore_mem>>)
    %dma_start3A_168 = arith.constant 104 : i32
    %dma_start3A_169 = arith.constant 0 : i32
    %dma_start3A_170 = tpu.memref_slice %arg12[%dma_start3A_168, %dma_start3A_169] : memref<200x128xf32, #tpu.memory_space<vmem>> -> memref<96x128xf32, #tpu.memory_space<vmem>>
    %dma_start3A_171 = arith.constant 104 : i32
    %dma_start3A_172 = tpu.memref_slice %arg8[%dma_start3A_171] : memref<200xi32, #tpu.memory_space<vmem>> -> memref<96xi32, #tpu.memory_space<vmem>>
    %dma_start3A_173 = arith.constant 0 : i32
    %dma_start3A_174 = arith.constant 0 : i32
    %dma_start3A_175 = tpu.memref_slice %arg3[%dma_start3A_173, %dma_start3A_174] : memref<100000x128xf32, #tpu.memory_space<hbm>> -> memref<100000x128xf32, #tpu.memory_space<hbm>>
    tpu.enqueue_indirect_dma source(%dma_start3A_175 : memref<100000x128xf32, #tpu.memory_space<hbm>>) target(%dma_start3A_170 : memref<96x128xf32, #tpu.memory_space<vmem>>) offsets(%dma_start3A_172 : memref<96xi32, #tpu.memory_space<vmem>>) semaphore(%arg18 : memref<!tpu.dma_semaphore, #tpu.memory_space<semaphore_mem>>)
    %dma_wait3A_176 = arith.constant 0 : i32
    %dma_wait3A_177 = arith.constant 0 : i32
    %dma_wait3A_178 = tpu.memref_slice %arg11[%dma_wait3A_176, %dma_wait3A_177] : memref<200x128xf32, #tpu.memory_space<vmem>> -> memref<104x128xf32, #tpu.memory_space<vmem>>
    %dma_wait3A_179 = arith.constant 0 : i32
    %dma_wait3A_180 = tpu.memref_slice %arg7[%dma_wait3A_179] : memref<200xi32, #tpu.memory_space<vmem>> -> memref<104xi32, #tpu.memory_space<vmem>>
    %dma_wait3A_181 = arith.constant 0 : i32
    %dma_wait3A_182 = arith.constant 0 : i32
    %dma_wait3A_183 = tpu.memref_slice %arg3[%dma_wait3A_181, %dma_wait3A_182] : memref<100000x128xf32, #tpu.memory_space<hbm>> -> memref<100000x128xf32, #tpu.memory_space<hbm>>
    tpu.wait_indirect_dma semaphore(%arg17 : memref<!tpu.dma_semaphore, #tpu.memory_space<semaphore_mem>>) src(%dma_wait3A_183 : memref<100000x128xf32, #tpu.memory_space<hbm>>) dst(%dma_wait3A_178 : memref<104x128xf32, #tpu.memory_space<vmem>>)
    %dma_wait3A_184 = arith.constant 104 : i32
    %dma_wait3A_185 = arith.constant 0 : i32
    %dma_wait3A_186 = tpu.memref_slice %arg11[%dma_wait3A_184, %dma_wait3A_185] : memref<200x128xf32, #tpu.memory_space<vmem>> -> memref<96x128xf32, #tpu.memory_space<vmem>>
    %dma_wait3A_187 = arith.constant 104 : i32
    %dma_wait3A_188 = tpu.memref_slice %arg7[%dma_wait3A_187] : memref<200xi32, #tpu.memory_space<vmem>> -> memref<96xi32, #tpu.memory_space<vmem>>
    %dma_wait3A_189 = arith.constant 0 : i32
    %dma_wait3A_190 = arith.constant 0 : i32
    %dma_wait3A_191 = tpu.memref_slice %arg3[%dma_wait3A_189, %dma_wait3A_190] : memref<100000x128xf32, #tpu.memory_space<hbm>> -> memref<100000x128xf32, #tpu.memory_space<hbm>>
    tpu.wait_indirect_dma semaphore(%arg17 : memref<!tpu.dma_semaphore, #tpu.memory_space<semaphore_mem>>) src(%dma_wait3A_191 : memref<100000x128xf32, #tpu.memory_space<hbm>>) dst(%dma_wait3A_186 : memref<96x128xf32, #tpu.memory_space<vmem>>)
    %add3A_192 = arith.constant 4 : i32
    %add3A_193 = arith.addi %mul3A_2, %add3A_192 : i32
    %mul3A_194 = arith.constant 200 : i32
    %mul3A_195 = arith.muli %add3A_193, %mul3A_194 : i32
    %dma_start3A_196 = tpu.memref_slice %arg2[%mul3A_195] : memref<819200xi32, #tpu.memory_space<hbm>> -> memref<200xi32, #tpu.memory_space<hbm>>
    %dma_start3A_197 = tpu.memref_slice %arg2[%mul3A_195] : memref<819200xi32, #tpu.memory_space<hbm>> -> memref<200xi32, #tpu.memory_space<hbm>>
    tpu.enqueue_dma source(%dma_start3A_197 : memref<200xi32, #tpu.memory_space<hbm>>) target(%arg7 : memref<200xi32, #tpu.memory_space<vmem>>) target_semaphore(%arg13 : memref<!tpu.dma_semaphore, #tpu.memory_space<semaphore_mem>>)
    %scan3A_198 = arith.constant 0 : i32
    %scan3A_199 = arith.constant 0 : i32
    %scan3A_200 = arith.constant 200 : i32
    %scan3A_201 = arith.addi %scan3A_199, %scan3A_200 : i32
    %scan3A_202 = arith.constant 1 : i32
    scf.for %scan3A_566 = %scan3A_199 to %scan3A_201 step %scan3A_202  : i32 {
      %mul3A_567 = arith.constant 64 : i32
      %mul3A_568 = arith.muli %scan3A_566, %mul3A_567 : i32
      %add3A_569 = arith.constant 0 : i32
      %add3A_570 = arith.addi %mul3A_568, %add3A_569 : i32
      %get3A = arith.index_cast %add3A_570 : i32 to index
      %get3A_571 = tpu.vector_load %arg6[%get3A] {strides = array<i32>} : memref<12800xf32, #tpu.memory_space<vmem>>, vector<16xf32>,
      %get3A_572 = vector.shape_cast %get3A_571 : vector<16xf32> to vector<16xf32>
      %swap3A = arith.index_cast %scan3A_566 : i32 to index
      %swap3A_573 = arith.constant 0 : index
      %swap3A_574 = tpu.vector_load %arg11[%swap3A, %swap3A_573] {strides = array<i32>} : memref<200x128xf32, #tpu.memory_space<vmem>>, vector<1x16xf32>,
      %swap3A_575 = vector.shape_cast %swap3A_574 : vector<1x16xf32> to vector<16xf32>
      %swap3A_576 = vector.shape_cast %get3A_572 : vector<16xf32> to vector<1x16xf32>
      tpu.vector_store %arg11[%swap3A, %swap3A_573], %swap3A_576 {add = true, strides = array<i32>} : memref<200x128xf32, #tpu.memory_space<vmem>>, vector<1x16xf32>,
      %mul3A_577 = arith.constant 64 : i32
      %mul3A_578 = arith.muli %scan3A_566, %mul3A_577 : i32
      %add3A_579 = arith.constant 16 : i32
      %add3A_580 = arith.addi %mul3A_578, %add3A_579 : i32
      %get3A_581 = arith.index_cast %add3A_580 : i32 to index
      %get3A_582 = tpu.vector_load %arg6[%get3A_581] {strides = array<i32>} : memref<12800xf32, #tpu.memory_space<vmem>>, vector<16xf32>,
      %get3A_583 = vector.shape_cast %get3A_582 : vector<16xf32> to vector<16xf32>
      %swap3A_584 = arith.index_cast %scan3A_566 : i32 to index
      %swap3A_585 = arith.constant 16 : index
      %swap3A_586 = tpu.vector_load %arg11[%swap3A_584, %swap3A_585] {strides = array<i32>} : memref<200x128xf32, #tpu.memory_space<vmem>>, vector<1x16xf32>,
      %swap3A_587 = vector.shape_cast %swap3A_586 : vector<1x16xf32> to vector<16xf32>
      %swap3A_588 = vector.shape_cast %get3A_583 : vector<16xf32> to vector<1x16xf32>
      tpu.vector_store %arg11[%swap3A_584, %swap3A_585], %swap3A_588 {add = true, strides = array<i32>} : memref<200x128xf32, #tpu.memory_space<vmem>>, vector<1x16xf32>,
      %mul3A_589 = arith.constant 64 : i32
      %mul3A_590 = arith.muli %scan3A_566, %mul3A_589 : i32
      %add3A_591 = arith.constant 32 : i32
      %add3A_592 = arith.addi %mul3A_590, %add3A_591 : i32
      %get3A_593 = arith.index_cast %add3A_592 : i32 to index
      %get3A_594 = tpu.vector_load %arg6[%get3A_593] {strides = array<i32>} : memref<12800xf32, #tpu.memory_space<vmem>>, vector<16xf32>,
      %get3A_595 = vector.shape_cast %get3A_594 : vector<16xf32> to vector<16xf32>
      %swap3A_596 = arith.index_cast %scan3A_566 : i32 to index
      %swap3A_597 = arith.constant 32 : index
      %swap3A_598 = tpu.vector_load %arg11[%swap3A_596, %swap3A_597] {strides = array<i32>} : memref<200x128xf32, #tpu.memory_space<vmem>>, vector<1x16xf32>,
      %swap3A_599 = vector.shape_cast %swap3A_598 : vector<1x16xf32> to vector<16xf32>
      %swap3A_600 = vector.shape_cast %get3A_595 : vector<16xf32> to vector<1x16xf32>
      tpu.vector_store %arg11[%swap3A_596, %swap3A_597], %swap3A_600 {add = true, strides = array<i32>} : memref<200x128xf32, #tpu.memory_space<vmem>>, vector<1x16xf32>,
      %mul3A_601 = arith.constant 64 : i32
      %mul3A_602 = arith.muli %scan3A_566, %mul3A_601 : i32
      %add3A_603 = arith.constant 48 : i32
      %add3A_604 = arith.addi %mul3A_602, %add3A_603 : i32
      %get3A_605 = arith.index_cast %add3A_604 : i32 to index
      %get3A_606 = tpu.vector_load %arg6[%get3A_605] {strides = array<i32>} : memref<12800xf32, #tpu.memory_space<vmem>>, vector<16xf32>,
      %get3A_607 = vector.shape_cast %get3A_606 : vector<16xf32> to vector<16xf32>
      %swap3A_608 = arith.index_cast %scan3A_566 : i32 to index
      %swap3A_609 = arith.constant 48 : index
      %swap3A_610 = tpu.vector_load %arg11[%swap3A_608, %swap3A_609] {strides = array<i32>} : memref<200x128xf32, #tpu.memory_space<vmem>>, vector<1x16xf32>,
      %swap3A_611 = vector.shape_cast %swap3A_610 : vector<1x16xf32> to vector<16xf32>
      %swap3A_612 = vector.shape_cast %get3A_607 : vector<16xf32> to vector<1x16xf32>
      tpu.vector_store %arg11[%swap3A_608, %swap3A_609], %swap3A_612 {add = true, strides = array<i32>} : memref<200x128xf32, #tpu.memory_space<vmem>>, vector<1x16xf32>,
    }
    %scan3A_203 = arith.constant 200 : i32
    %add3A_204 = arith.constant 2 : i32
    %add3A_205 = arith.addi %mul3A_2, %add3A_204 : i32
    %dma_start3A_206 = arith.constant 0 : i32
    %dma_start3A_207 = arith.constant 0 : i32
    %dma_start3A_208 = tpu.memref_slice %arg5[%add3A_205, %dma_start3A_206, %dma_start3A_207] : memref<4096x200x128xf32, #tpu.memory_space<hbm>> -> memref<1x200x128xf32, #tpu.memory_space<hbm>>
    %dma_start3A_209 = tpu.memref_squeeze %dma_start3A_208 : memref<1x200x128xf32, #tpu.memory_space<hbm>> -> memref<200x128xf32, #tpu.memory_space<hbm>>
    %dma_start3A_210 = arith.constant 0 : i32
    %dma_start3A_211 = arith.constant 0 : i32
    %dma_start3A_212 = tpu.memref_slice %arg5[%add3A_205, %dma_start3A_210, %dma_start3A_211] : memref<4096x200x128xf32, #tpu.memory_space<hbm>> -> memref<1x200x128xf32, #tpu.memory_space<hbm>>
    %dma_start3A_213 = tpu.memref_squeeze %dma_start3A_212 : memref<1x200x128xf32, #tpu.memory_space<hbm>> -> memref<200x128xf32, #tpu.memory_space<hbm>>
    tpu.enqueue_dma source(%arg11 : memref<200x128xf32, #tpu.memory_space<vmem>>) target(%dma_start3A_213 : memref<200x128xf32, #tpu.memory_space<hbm>>) target_semaphore(%arg21 : memref<!tpu.dma_semaphore, #tpu.memory_space<semaphore_mem>>)
    %add3A_214 = arith.constant 0 : i32
    %add3A_215 = arith.addi %mul3A_2, %add3A_214 : i32
    %dma_wait3A_216 = arith.constant 0 : i32
    %dma_wait3A_217 = arith.constant 0 : i32
    %dma_wait3A_218 = tpu.memref_slice %arg5[%add3A_215, %dma_wait3A_216, %dma_wait3A_217] : memref<4096x200x128xf32, #tpu.memory_space<hbm>> -> memref<1x200x128xf32, #tpu.memory_space<hbm>>
    %dma_wait3A_219 = tpu.memref_squeeze %dma_wait3A_218 : memref<1x200x128xf32, #tpu.memory_space<hbm>> -> memref<200x128xf32, #tpu.memory_space<hbm>>
    %dma_wait3A_220 = arith.constant 0 : i32
    %dma_wait3A_221 = arith.constant 0 : i32
    %dma_wait3A_222 = tpu.memref_slice %arg5[%add3A_215, %dma_wait3A_220, %dma_wait3A_221] : memref<4096x200x128xf32, #tpu.memory_space<hbm>> -> memref<1x200x128xf32, #tpu.memory_space<hbm>>
    %dma_wait3A_223 = tpu.memref_squeeze %dma_wait3A_222 : memref<1x200x128xf32, #tpu.memory_space<hbm>> -> memref<200x128xf32, #tpu.memory_space<hbm>>
    tpu.wait_dma2 semaphore(%arg19 : memref<!tpu.dma_semaphore, #tpu.memory_space<semaphore_mem>>) src(%arg9 : memref<200x128xf32, #tpu.memory_space<vmem>>) dst(%dma_wait3A_223 : memref<200x128xf32, #tpu.memory_space<hbm>>)
    %add3A_224 = arith.constant 4 : i32
    %add3A_225 = arith.addi %mul3A_2, %add3A_224 : i32
    %mul3A_226 = arith.constant 200 : i32
    %mul3A_227 = arith.muli %add3A_225, %mul3A_226 : i32
    %dma_wait3A_228 = tpu.memref_slice %arg2[%mul3A_227] : memref<819200xi32, #tpu.memory_space<hbm>> -> memref<200xi32, #tpu.memory_space<hbm>>
    %dma_wait3A_229 = tpu.memref_slice %arg2[%mul3A_227] : memref<819200xi32, #tpu.memory_space<hbm>> -> memref<200xi32, #tpu.memory_space<hbm>>
    tpu.wait_dma2 semaphore(%arg13 : memref<!tpu.dma_semaphore, #tpu.memory_space<semaphore_mem>>) src(%dma_wait3A_229 : memref<200xi32, #tpu.memory_space<hbm>>) dst(%arg7 : memref<200xi32, #tpu.memory_space<vmem>>)
    %dma_start3A_230 = arith.constant 0 : i32
    %dma_start3A_231 = arith.constant 0 : i32
    %dma_start3A_232 = tpu.memref_slice %arg9[%dma_start3A_230, %dma_start3A_231] : memref<200x128xf32, #tpu.memory_space<vmem>> -> memref<104x128xf32, #tpu.memory_space<vmem>>
    %dma_start3A_233 = arith.constant 0 : i32
    %dma_start3A_234 = tpu.memref_slice %arg7[%dma_start3A_233] : memref<200xi32, #tpu.memory_space<vmem>> -> memref<104xi32, #tpu.memory_space<vmem>>
    %dma_start3A_235 = arith.constant 0 : i32
    %dma_start3A_236 = arith.constant 0 : i32
    %dma_start3A_237 = tpu.memref_slice %arg3[%dma_start3A_235, %dma_start3A_236] : memref<100000x128xf32, #tpu.memory_space<hbm>> -> memref<100000x128xf32, #tpu.memory_space<hbm>>
    tpu.enqueue_indirect_dma source(%dma_start3A_237 : memref<100000x128xf32, #tpu.memory_space<hbm>>) target(%dma_start3A_232 : memref<104x128xf32, #tpu.memory_space<vmem>>) offsets(%dma_start3A_234 : memref<104xi32, #tpu.memory_space<vmem>>) semaphore(%arg15 : memref<!tpu.dma_semaphore, #tpu.memory_space<semaphore_mem>>)
    %dma_start3A_238 = arith.constant 104 : i32
    %dma_start3A_239 = arith.constant 0 : i32
    %dma_start3A_240 = tpu.memref_slice %arg9[%dma_start3A_238, %dma_start3A_239] : memref<200x128xf32, #tpu.memory_space<vmem>> -> memref<96x128xf32, #tpu.memory_space<vmem>>
    %dma_start3A_241 = arith.constant 104 : i32
    %dma_start3A_242 = tpu.memref_slice %arg7[%dma_start3A_241] : memref<200xi32, #tpu.memory_space<vmem>> -> memref<96xi32, #tpu.memory_space<vmem>>
    %dma_start3A_243 = arith.constant 0 : i32
    %dma_start3A_244 = arith.constant 0 : i32
    %dma_start3A_245 = tpu.memref_slice %arg3[%dma_start3A_243, %dma_start3A_244] : memref<100000x128xf32, #tpu.memory_space<hbm>> -> memref<100000x128xf32, #tpu.memory_space<hbm>>
    tpu.enqueue_indirect_dma source(%dma_start3A_245 : memref<100000x128xf32, #tpu.memory_space<hbm>>) target(%dma_start3A_240 : memref<96x128xf32, #tpu.memory_space<vmem>>) offsets(%dma_start3A_242 : memref<96xi32, #tpu.memory_space<vmem>>) semaphore(%arg15 : memref<!tpu.dma_semaphore, #tpu.memory_space<semaphore_mem>>)
    %dma_wait3A_246 = arith.constant 0 : i32
    %dma_wait3A_247 = arith.constant 0 : i32
    %dma_wait3A_248 = tpu.memref_slice %arg12[%dma_wait3A_246, %dma_wait3A_247] : memref<200x128xf32, #tpu.memory_space<vmem>> -> memref<104x128xf32, #tpu.memory_space<vmem>>
    %dma_wait3A_249 = arith.constant 0 : i32
    %dma_wait3A_250 = tpu.memref_slice %arg8[%dma_wait3A_249] : memref<200xi32, #tpu.memory_space<vmem>> -> memref<104xi32, #tpu.memory_space<vmem>>
    %dma_wait3A_251 = arith.constant 0 : i32
    %dma_wait3A_252 = arith.constant 0 : i32
    %dma_wait3A_253 = tpu.memref_slice %arg3[%dma_wait3A_251, %dma_wait3A_252] : memref<100000x128xf32, #tpu.memory_space<hbm>> -> memref<100000x128xf32, #tpu.memory_space<hbm>>
    tpu.wait_indirect_dma semaphore(%arg18 : memref<!tpu.dma_semaphore, #tpu.memory_space<semaphore_mem>>) src(%dma_wait3A_253 : memref<100000x128xf32, #tpu.memory_space<hbm>>) dst(%dma_wait3A_248 : memref<104x128xf32, #tpu.memory_space<vmem>>)
    %dma_wait3A_254 = arith.constant 104 : i32
    %dma_wait3A_255 = arith.constant 0 : i32
    %dma_wait3A_256 = tpu.memref_slice %arg12[%dma_wait3A_254, %dma_wait3A_255] : memref<200x128xf32, #tpu.memory_space<vmem>> -> memref<96x128xf32, #tpu.memory_space<vmem>>
    %dma_wait3A_257 = arith.constant 104 : i32
    %dma_wait3A_258 = tpu.memref_slice %arg8[%dma_wait3A_257] : memref<200xi32, #tpu.memory_space<vmem>> -> memref<96xi32, #tpu.memory_space<vmem>>
    %dma_wait3A_259 = arith.constant 0 : i32
    %dma_wait3A_260 = arith.constant 0 : i32
    %dma_wait3A_261 = tpu.memref_slice %arg3[%dma_wait3A_259, %dma_wait3A_260] : memref<100000x128xf32, #tpu.memory_space<hbm>> -> memref<100000x128xf32, #tpu.memory_space<hbm>>
    tpu.wait_indirect_dma semaphore(%arg18 : memref<!tpu.dma_semaphore, #tpu.memory_space<semaphore_mem>>) src(%dma_wait3A_261 : memref<100000x128xf32, #tpu.memory_space<hbm>>) dst(%dma_wait3A_256 : memref<96x128xf32, #tpu.memory_space<vmem>>)
    %add3A_262 = arith.constant 5 : i32
    %add3A_263 = arith.addi %mul3A_2, %add3A_262 : i32
    %mul3A_264 = arith.constant 200 : i32
    %mul3A_265 = arith.muli %add3A_263, %mul3A_264 : i32
    %dma_start3A_266 = tpu.memref_slice %arg2[%mul3A_265] : memref<819200xi32, #tpu.memory_space<hbm>> -> memref<200xi32, #tpu.memory_space<hbm>>
    %dma_start3A_267 = tpu.memref_slice %arg2[%mul3A_265] : memref<819200xi32, #tpu.memory_space<hbm>> -> memref<200xi32, #tpu.memory_space<hbm>>
    tpu.enqueue_dma source(%dma_start3A_267 : memref<200xi32, #tpu.memory_space<hbm>>) target(%arg8 : memref<200xi32, #tpu.memory_space<vmem>>) target_semaphore(%arg14 : memref<!tpu.dma_semaphore, #tpu.memory_space<semaphore_mem>>)
    %scan3A_268 = arith.constant 0 : i32
    %scan3A_269 = arith.constant 0 : i32
    %scan3A_270 = arith.constant 200 : i32
    %scan3A_271 = arith.addi %scan3A_269, %scan3A_270 : i32
    %scan3A_272 = arith.constant 1 : i32
    scf.for %scan3A_566 = %scan3A_269 to %scan3A_271 step %scan3A_272  : i32 {
      %mul3A_567 = arith.constant 64 : i32
      %mul3A_568 = arith.muli %scan3A_566, %mul3A_567 : i32
      %add3A_569 = arith.constant 0 : i32
      %add3A_570 = arith.addi %mul3A_568, %add3A_569 : i32
      %get3A = arith.index_cast %add3A_570 : i32 to index
      %get3A_571 = tpu.vector_load %arg6[%get3A] {strides = array<i32>} : memref<12800xf32, #tpu.memory_space<vmem>>, vector<16xf32>,
      %get3A_572 = vector.shape_cast %get3A_571 : vector<16xf32> to vector<16xf32>
      %swap3A = arith.index_cast %scan3A_566 : i32 to index
      %swap3A_573 = arith.constant 0 : index
      %swap3A_574 = tpu.vector_load %arg12[%swap3A, %swap3A_573] {strides = array<i32>} : memref<200x128xf32, #tpu.memory_space<vmem>>, vector<1x16xf32>,
      %swap3A_575 = vector.shape_cast %swap3A_574 : vector<1x16xf32> to vector<16xf32>
      %swap3A_576 = vector.shape_cast %get3A_572 : vector<16xf32> to vector<1x16xf32>
      tpu.vector_store %arg12[%swap3A, %swap3A_573], %swap3A_576 {add = true, strides = array<i32>} : memref<200x128xf32, #tpu.memory_space<vmem>>, vector<1x16xf32>,
      %mul3A_577 = arith.constant 64 : i32
      %mul3A_578 = arith.muli %scan3A_566, %mul3A_577 : i32
      %add3A_579 = arith.constant 16 : i32
      %add3A_580 = arith.addi %mul3A_578, %add3A_579 : i32
      %get3A_581 = arith.index_cast %add3A_580 : i32 to index
      %get3A_582 = tpu.vector_load %arg6[%get3A_581] {strides = array<i32>} : memref<12800xf32, #tpu.memory_space<vmem>>, vector<16xf32>,
      %get3A_583 = vector.shape_cast %get3A_582 : vector<16xf32> to vector<16xf32>
      %swap3A_584 = arith.index_cast %scan3A_566 : i32 to index
      %swap3A_585 = arith.constant 16 : index
      %swap3A_586 = tpu.vector_load %arg12[%swap3A_584, %swap3A_585] {strides = array<i32>} : memref<200x128xf32, #tpu.memory_space<vmem>>, vector<1x16xf32>,
      %swap3A_587 = vector.shape_cast %swap3A_586 : vector<1x16xf32> to vector<16xf32>
      %swap3A_588 = vector.shape_cast %get3A_583 : vector<16xf32> to vector<1x16xf32>
      tpu.vector_store %arg12[%swap3A_584, %swap3A_585], %swap3A_588 {add = true, strides = array<i32>} : memref<200x128xf32, #tpu.memory_space<vmem>>, vector<1x16xf32>,
      %mul3A_589 = arith.constant 64 : i32
      %mul3A_590 = arith.muli %scan3A_566, %mul3A_589 : i32
      %add3A_591 = arith.constant 32 : i32
      %add3A_592 = arith.addi %mul3A_590, %add3A_591 : i32
      %get3A_593 = arith.index_cast %add3A_592 : i32 to index
      %get3A_594 = tpu.vector_load %arg6[%get3A_593] {strides = array<i32>} : memref<12800xf32, #tpu.memory_space<vmem>>, vector<16xf32>,
      %get3A_595 = vector.shape_cast %get3A_594 : vector<16xf32> to vector<16xf32>
      %swap3A_596 = arith.index_cast %scan3A_566 : i32 to index
      %swap3A_597 = arith.constant 32 : index
      %swap3A_598 = tpu.vector_load %arg12[%swap3A_596, %swap3A_597] {strides = array<i32>} : memref<200x128xf32, #tpu.memory_space<vmem>>, vector<1x16xf32>,
      %swap3A_599 = vector.shape_cast %swap3A_598 : vector<1x16xf32> to vector<16xf32>
      %swap3A_600 = vector.shape_cast %get3A_595 : vector<16xf32> to vector<1x16xf32>
      tpu.vector_store %arg12[%swap3A_596, %swap3A_597], %swap3A_600 {add = true, strides = array<i32>} : memref<200x128xf32, #tpu.memory_space<vmem>>, vector<1x16xf32>,
      %mul3A_601 = arith.constant 64 : i32
      %mul3A_602 = arith.muli %scan3A_566, %mul3A_601 : i32
      %add3A_603 = arith.constant 48 : i32
      %add3A_604 = arith.addi %mul3A_602, %add3A_603 : i32
      %get3A_605 = arith.index_cast %add3A_604 : i32 to index
      %get3A_606 = tpu.vector_load %arg6[%get3A_605] {strides = array<i32>} : memref<12800xf32, #tpu.memory_space<vmem>>, vector<16xf32>,
      %get3A_607 = vector.shape_cast %get3A_606 : vector<16xf32> to vector<16xf32>
      %swap3A_608 = arith.index_cast %scan3A_566 : i32 to index
      %swap3A_609 = arith.constant 48 : index
      %swap3A_610 = tpu.vector_load %arg12[%swap3A_608, %swap3A_609] {strides = array<i32>} : memref<200x128xf32, #tpu.memory_space<vmem>>, vector<1x16xf32>,
      %swap3A_611 = vector.shape_cast %swap3A_610 : vector<1x16xf32> to vector<16xf32>
      %swap3A_612 = vector.shape_cast %get3A_607 : vector<16xf32> to vector<1x16xf32>
      tpu.vector_store %arg12[%swap3A_608, %swap3A_609], %swap3A_612 {add = true, strides = array<i32>} : memref<200x128xf32, #tpu.memory_space<vmem>>, vector<1x16xf32>,
    }
    %scan3A_273 = arith.constant 200 : i32
    %add3A_274 = arith.constant 3 : i32
    %add3A_275 = arith.addi %mul3A_2, %add3A_274 : i32
    %dma_start3A_276 = arith.constant 0 : i32
    %dma_start3A_277 = arith.constant 0 : i32
    %dma_start3A_278 = tpu.memref_slice %arg5[%add3A_275, %dma_start3A_276, %dma_start3A_277] : memref<4096x200x128xf32, #tpu.memory_space<hbm>> -> memref<1x200x128xf32, #tpu.memory_space<hbm>>
    %dma_start3A_279 = tpu.memref_squeeze %dma_start3A_278 : memref<1x200x128xf32, #tpu.memory_space<hbm>> -> memref<200x128xf32, #tpu.memory_space<hbm>>
    %dma_start3A_280 = arith.constant 0 : i32
    %dma_start3A_281 = arith.constant 0 : i32
    %dma_start3A_282 = tpu.memref_slice %arg5[%add3A_275, %dma_start3A_280, %dma_start3A_281] : memref<4096x200x128xf32, #tpu.memory_space<hbm>> -> memref<1x200x128xf32, #tpu.memory_space<hbm>>
    %dma_start3A_283 = tpu.memref_squeeze %dma_start3A_282 : memref<1x200x128xf32, #tpu.memory_space<hbm>> -> memref<200x128xf32, #tpu.memory_space<hbm>>
    tpu.enqueue_dma source(%arg12 : memref<200x128xf32, #tpu.memory_space<vmem>>) target(%dma_start3A_283 : memref<200x128xf32, #tpu.memory_space<hbm>>) target_semaphore(%arg22 : memref<!tpu.dma_semaphore, #tpu.memory_space<semaphore_mem>>)
    %scan3A_284 = arith.constant 0 : i32
    %scan3A_285 = arith.constant 0 : i32
    %scan3A_286 = arith.constant 30 : i32
    %scan3A_287 = arith.addi %scan3A_285, %scan3A_286 : i32
    %scan3A_288 = arith.constant 1 : i32
    scf.for %scan3A_566 = %scan3A_285 to %scan3A_287 step %scan3A_288  : i32 {
      %mul3A_567 = arith.constant 4 : i32
      %mul3A_568 = arith.muli %mul3A_567, %scan3A_566 : i32
      %add3A_569 = arith.constant 4 : i32
      %add3A_570 = arith.addi %mul3A_568, %add3A_569 : i32
      %add3A_571 = arith.constant 0 : i32
      %add3A_572 = arith.addi %add3A_570, %add3A_571 : i32
      %sub3A = arith.constant 3 : i32
      %sub3A_573 = arith.subi %add3A_572, %sub3A : i32
      %add3A_574 = arith.addi %mul3A_2, %sub3A_573 : i32
      %dma_wait3A_575 = arith.constant 0 : i32
      %dma_wait3A_576 = arith.constant 0 : i32
      %dma_wait3A_577 = tpu.memref_slice %arg5[%add3A_574, %dma_wait3A_575, %dma_wait3A_576] : memref<4096x200x128xf32, #tpu.memory_space<hbm>> -> memref<1x200x128xf32, #tpu.memory_space<hbm>>
      %dma_wait3A_578 = tpu.memref_squeeze %dma_wait3A_577 : memref<1x200x128xf32, #tpu.memory_space<hbm>> -> memref<200x128xf32, #tpu.memory_space<hbm>>
      %dma_wait3A_579 = arith.constant 0 : i32
      %dma_wait3A_580 = arith.constant 0 : i32
      %dma_wait3A_581 = tpu.memref_slice %arg5[%add3A_574, %dma_wait3A_579, %dma_wait3A_580] : memref<4096x200x128xf32, #tpu.memory_space<hbm>> -> memref<1x200x128xf32, #tpu.memory_space<hbm>>
      %dma_wait3A_582 = tpu.memref_squeeze %dma_wait3A_581 : memref<1x200x128xf32, #tpu.memory_space<hbm>> -> memref<200x128xf32, #tpu.memory_space<hbm>>
      tpu.wait_dma2 semaphore(%arg20 : memref<!tpu.dma_semaphore, #tpu.memory_space<semaphore_mem>>) src(%arg10 : memref<200x128xf32, #tpu.memory_space<vmem>>) dst(%dma_wait3A_582 : memref<200x128xf32, #tpu.memory_space<hbm>>)
      %add3A_583 = arith.constant 1 : i32
      %add3A_584 = arith.addi %add3A_572, %add3A_583 : i32
      %add3A_585 = arith.addi %mul3A_2, %add3A_584 : i32
      %mul3A_586 = arith.constant 200 : i32
      %mul3A_587 = arith.muli %add3A_585, %mul3A_586 : i32
      %dma_wait3A_588 = tpu.memref_slice %arg2[%mul3A_587] : memref<819200xi32, #tpu.memory_space<hbm>> -> memref<200xi32, #tpu.memory_space<hbm>>
      %dma_wait3A_589 = tpu.memref_slice %arg2[%mul3A_587] : memref<819200xi32, #tpu.memory_space<hbm>> -> memref<200xi32, #tpu.memory_space<hbm>>
      tpu.wait_dma2 semaphore(%arg14 : memref<!tpu.dma_semaphore, #tpu.memory_space<semaphore_mem>>) src(%dma_wait3A_589 : memref<200xi32, #tpu.memory_space<hbm>>) dst(%arg8 : memref<200xi32, #tpu.memory_space<vmem>>)
      %dma_start3A_590 = arith.constant 0 : i32
      %dma_start3A_591 = arith.constant 0 : i32
      %dma_start3A_592 = tpu.memref_slice %arg10[%dma_start3A_590, %dma_start3A_591] : memref<200x128xf32, #tpu.memory_space<vmem>> -> memref<104x128xf32, #tpu.memory_space<vmem>>
      %dma_start3A_593 = arith.constant 0 : i32
      %dma_start3A_594 = tpu.memref_slice %arg8[%dma_start3A_593] : memref<200xi32, #tpu.memory_space<vmem>> -> memref<104xi32, #tpu.memory_space<vmem>>
      %dma_start3A_595 = arith.constant 0 : i32
      %dma_start3A_596 = arith.constant 0 : i32
      %dma_start3A_597 = tpu.memref_slice %arg3[%dma_start3A_595, %dma_start3A_596] : memref<100000x128xf32, #tpu.memory_space<hbm>> -> memref<100000x128xf32, #tpu.memory_space<hbm>>
      tpu.enqueue_indirect_dma source(%dma_start3A_597 : memref<100000x128xf32, #tpu.memory_space<hbm>>) target(%dma_start3A_592 : memref<104x128xf32, #tpu.memory_space<vmem>>) offsets(%dma_start3A_594 : memref<104xi32, #tpu.memory_space<vmem>>) semaphore(%arg16 : memref<!tpu.dma_semaphore, #tpu.memory_space<semaphore_mem>>)
      %dma_start3A_598 = arith.constant 104 : i32
      %dma_start3A_599 = arith.constant 0 : i32
      %dma_start3A_600 = tpu.memref_slice %arg10[%dma_start3A_598, %dma_start3A_599] : memref<200x128xf32, #tpu.memory_space<vmem>> -> memref<96x128xf32, #tpu.memory_space<vmem>>
      %dma_start3A_601 = arith.constant 104 : i32
      %dma_start3A_602 = tpu.memref_slice %arg8[%dma_start3A_601] : memref<200xi32, #tpu.memory_space<vmem>> -> memref<96xi32, #tpu.memory_space<vmem>>
      %dma_start3A_603 = arith.constant 0 : i32
      %dma_start3A_604 = arith.constant 0 : i32
      %dma_start3A_605 = tpu.memref_slice %arg3[%dma_start3A_603, %dma_start3A_604] : memref<100000x128xf32, #tpu.memory_space<hbm>> -> memref<100000x128xf32, #tpu.memory_space<hbm>>
      tpu.enqueue_indirect_dma source(%dma_start3A_605 : memref<100000x128xf32, #tpu.memory_space<hbm>>) target(%dma_start3A_600 : memref<96x128xf32, #tpu.memory_space<vmem>>) offsets(%dma_start3A_602 : memref<96xi32, #tpu.memory_space<vmem>>) semaphore(%arg16 : memref<!tpu.dma_semaphore, #tpu.memory_space<semaphore_mem>>)
      %dma_wait3A_606 = arith.constant 0 : i32
      %dma_wait3A_607 = arith.constant 0 : i32
      %dma_wait3A_608 = tpu.memref_slice %arg9[%dma_wait3A_606, %dma_wait3A_607] : memref<200x128xf32, #tpu.memory_space<vmem>> -> memref<104x128xf32, #tpu.memory_space<vmem>>
      %dma_wait3A_609 = arith.constant 0 : i32
      %dma_wait3A_610 = tpu.memref_slice %arg7[%dma_wait3A_609] : memref<200xi32, #tpu.memory_space<vmem>> -> memref<104xi32, #tpu.memory_space<vmem>>
      %dma_wait3A_611 = arith.constant 0 : i32
      %dma_wait3A_612 = arith.constant 0 : i32
      %dma_wait3A_613 = tpu.memref_slice %arg3[%dma_wait3A_611, %dma_wait3A_612] : memref<100000x128xf32, #tpu.memory_space<hbm>> -> memref<100000x128xf32, #tpu.memory_space<hbm>>
      tpu.wait_indirect_dma semaphore(%arg15 : memref<!tpu.dma_semaphore, #tpu.memory_space<semaphore_mem>>) src(%dma_wait3A_613 : memref<100000x128xf32, #tpu.memory_space<hbm>>) dst(%dma_wait3A_608 : memref<104x128xf32, #tpu.memory_space<vmem>>)
      %dma_wait3A_614 = arith.constant 104 : i32
      %dma_wait3A_615 = arith.constant 0 : i32
      %dma_wait3A_616 = tpu.memref_slice %arg9[%dma_wait3A_614, %dma_wait3A_615] : memref<200x128xf32, #tpu.memory_space<vmem>> -> memref<96x128xf32, #tpu.memory_space<vmem>>
      %dma_wait3A_617 = arith.constant 104 : i32
      %dma_wait3A_618 = tpu.memref_slice %arg7[%dma_wait3A_617] : memref<200xi32, #tpu.memory_space<vmem>> -> memref<96xi32, #tpu.memory_space<vmem>>
      %dma_wait3A_619 = arith.constant 0 : i32
      %dma_wait3A_620 = arith.constant 0 : i32
      %dma_wait3A_621 = tpu.memref_slice %arg3[%dma_wait3A_619, %dma_wait3A_620] : memref<100000x128xf32, #tpu.memory_space<hbm>> -> memref<100000x128xf32, #tpu.memory_space<hbm>>
      tpu.wait_indirect_dma semaphore(%arg15 : memref<!tpu.dma_semaphore, #tpu.memory_space<semaphore_mem>>) src(%dma_wait3A_621 : memref<100000x128xf32, #tpu.memory_space<hbm>>) dst(%dma_wait3A_616 : memref<96x128xf32, #tpu.memory_space<vmem>>)
      %add3A_622 = arith.constant 2 : i32
      %add3A_623 = arith.addi %add3A_572, %add3A_622 : i32
      %add3A_624 = arith.addi %mul3A_2, %add3A_623 : i32
      %mul3A_625 = arith.constant 200 : i32
      %mul3A_626 = arith.muli %add3A_624, %mul3A_625 : i32
      %dma_start3A_627 = tpu.memref_slice %arg2[%mul3A_626] : memref<819200xi32, #tpu.memory_space<hbm>> -> memref<200xi32, #tpu.memory_space<hbm>>
      %dma_start3A_628 = tpu.memref_slice %arg2[%mul3A_626] : memref<819200xi32, #tpu.memory_space<hbm>> -> memref<200xi32, #tpu.memory_space<hbm>>
      tpu.enqueue_dma source(%dma_start3A_628 : memref<200xi32, #tpu.memory_space<hbm>>) target(%arg7 : memref<200xi32, #tpu.memory_space<vmem>>) target_semaphore(%arg13 : memref<!tpu.dma_semaphore, #tpu.memory_space<semaphore_mem>>)
      %scan3A_629 = arith.constant 0 : i32
      %scan3A_630 = arith.constant 0 : i32
      %scan3A_631 = arith.constant 200 : i32
      %scan3A_632 = arith.addi %scan3A_630, %scan3A_631 : i32
      %scan3A_633 = arith.constant 1 : i32
      scf.for %scan3A_866 = %scan3A_630 to %scan3A_632 step %scan3A_633  : i32 {
        %mul3A_867 = arith.constant 64 : i32
        %mul3A_868 = arith.muli %scan3A_866, %mul3A_867 : i32
        %add3A_869 = arith.constant 0 : i32
        %add3A_870 = arith.addi %mul3A_868, %add3A_869 : i32
        %get3A = arith.index_cast %add3A_870 : i32 to index
        %get3A_871 = tpu.vector_load %arg6[%get3A] {strides = array<i32>} : memref<12800xf32, #tpu.memory_space<vmem>>, vector<16xf32>,
        %get3A_872 = vector.shape_cast %get3A_871 : vector<16xf32> to vector<16xf32>
        %swap3A = arith.index_cast %scan3A_866 : i32 to index
        %swap3A_873 = arith.constant 0 : index
        %swap3A_874 = tpu.vector_load %arg9[%swap3A, %swap3A_873] {strides = array<i32>} : memref<200x128xf32, #tpu.memory_space<vmem>>, vector<1x16xf32>,
        %swap3A_875 = vector.shape_cast %swap3A_874 : vector<1x16xf32> to vector<16xf32>
        %swap3A_876 = vector.shape_cast %get3A_872 : vector<16xf32> to vector<1x16xf32>
        tpu.vector_store %arg9[%swap3A, %swap3A_873], %swap3A_876 {add = true, strides = array<i32>} : memref<200x128xf32, #tpu.memory_space<vmem>>, vector<1x16xf32>,
        %mul3A_877 = arith.constant 64 : i32
        %mul3A_878 = arith.muli %scan3A_866, %mul3A_877 : i32
        %add3A_879 = arith.constant 16 : i32
        %add3A_880 = arith.addi %mul3A_878, %add3A_879 : i32
        %get3A_881 = arith.index_cast %add3A_880 : i32 to index
        %get3A_882 = tpu.vector_load %arg6[%get3A_881] {strides = array<i32>} : memref<12800xf32, #tpu.memory_space<vmem>>, vector<16xf32>,
        %get3A_883 = vector.shape_cast %get3A_882 : vector<16xf32> to vector<16xf32>
        %swap3A_884 = arith.index_cast %scan3A_866 : i32 to index
        %swap3A_885 = arith.constant 16 : index
        %swap3A_886 = tpu.vector_load %arg9[%swap3A_884, %swap3A_885] {strides = array<i32>} : memref<200x128xf32, #tpu.memory_space<vmem>>, vector<1x16xf32>,
        %swap3A_887 = vector.shape_cast %swap3A_886 : vector<1x16xf32> to vector<16xf32>
        %swap3A_888 = vector.shape_cast %get3A_883 : vector<16xf32> to vector<1x16xf32>
        tpu.vector_store %arg9[%swap3A_884, %swap3A_885], %swap3A_888 {add = true, strides = array<i32>} : memref<200x128xf32, #tpu.memory_space<vmem>>, vector<1x16xf32>,
        %mul3A_889 = arith.constant 64 : i32
        %mul3A_890 = arith.muli %scan3A_866, %mul3A_889 : i32
        %add3A_891 = arith.constant 32 : i32
        %add3A_892 = arith.addi %mul3A_890, %add3A_891 : i32
        %get3A_893 = arith.index_cast %add3A_892 : i32 to index
        %get3A_894 = tpu.vector_load %arg6[%get3A_893] {strides = array<i32>} : memref<12800xf32, #tpu.memory_space<vmem>>, vector<16xf32>,
        %get3A_895 = vector.shape_cast %get3A_894 : vector<16xf32> to vector<16xf32>
        %swap3A_896 = arith.index_cast %scan3A_866 : i32 to index
        %swap3A_897 = arith.constant 32 : index
        %swap3A_898 = tpu.vector_load %arg9[%swap3A_896, %swap3A_897] {strides = array<i32>} : memref<200x128xf32, #tpu.memory_space<vmem>>, vector<1x16xf32>,
        %swap3A_899 = vector.shape_cast %swap3A_898 : vector<1x16xf32> to vector<16xf32>
        %swap3A_900 = vector.shape_cast %get3A_895 : vector<16xf32> to vector<1x16xf32>
        tpu.vector_store %arg9[%swap3A_896, %swap3A_897], %swap3A_900 {add = true, strides = array<i32>} : memref<200x128xf32, #tpu.memory_space<vmem>>, vector<1x16xf32>,
        %mul3A_901 = arith.constant 64 : i32
        %mul3A_902 = arith.muli %scan3A_866, %mul3A_901 : i32
        %add3A_903 = arith.constant 48 : i32
        %add3A_904 = arith.addi %mul3A_902, %add3A_903 : i32
        %get3A_905 = arith.index_cast %add3A_904 : i32 to index
        %get3A_906 = tpu.vector_load %arg6[%get3A_905] {strides = array<i32>} : memref<12800xf32, #tpu.memory_space<vmem>>, vector<16xf32>,
        %get3A_907 = vector.shape_cast %get3A_906 : vector<16xf32> to vector<16xf32>
        %swap3A_908 = arith.index_cast %scan3A_866 : i32 to index
        %swap3A_909 = arith.constant 48 : index
        %swap3A_910 = tpu.vector_load %arg9[%swap3A_908, %swap3A_909] {strides = array<i32>} : memref<200x128xf32, #tpu.memory_space<vmem>>, vector<1x16xf32>,
        %swap3A_911 = vector.shape_cast %swap3A_910 : vector<1x16xf32> to vector<16xf32>
        %swap3A_912 = vector.shape_cast %get3A_907 : vector<16xf32> to vector<1x16xf32>
        tpu.vector_store %arg9[%swap3A_908, %swap3A_909], %swap3A_912 {add = true, strides = array<i32>} : memref<200x128xf32, #tpu.memory_space<vmem>>, vector<1x16xf32>,
      }
      %scan3A_634 = arith.constant 200 : i32
      %add3A_635 = arith.addi %mul3A_2, %add3A_572 : i32
      %dma_start3A_636 = arith.constant 0 : i32
      %dma_start3A_637 = arith.constant 0 : i32
      %dma_start3A_638 = tpu.memref_slice %arg5[%add3A_635, %dma_start3A_636, %dma_start3A_637] : memref<4096x200x128xf32, #tpu.memory_space<hbm>> -> memref<1x200x128xf32, #tpu.memory_space<hbm>>
      %dma_start3A_639 = tpu.memref_squeeze %dma_start3A_638 : memref<1x200x128xf32, #tpu.memory_space<hbm>> -> memref<200x128xf32, #tpu.memory_space<hbm>>
      %dma_start3A_640 = arith.constant 0 : i32
      %dma_start3A_641 = arith.constant 0 : i32
      %dma_start3A_642 = tpu.memref_slice %arg5[%add3A_635, %dma_start3A_640, %dma_start3A_641] : memref<4096x200x128xf32, #tpu.memory_space<hbm>> -> memref<1x200x128xf32, #tpu.memory_space<hbm>>
      %dma_start3A_643 = tpu.memref_squeeze %dma_start3A_642 : memref<1x200x128xf32, #tpu.memory_space<hbm>> -> memref<200x128xf32, #tpu.memory_space<hbm>>
      tpu.enqueue_dma source(%arg9 : memref<200x128xf32, #tpu.memory_space<vmem>>) target(%dma_start3A_643 : memref<200x128xf32, #tpu.memory_space<hbm>>) target_semaphore(%arg19 : memref<!tpu.dma_semaphore, #tpu.memory_space<semaphore_mem>>)
      %add3A_644 = arith.constant 1 : i32
      %add3A_645 = arith.addi %add3A_570, %add3A_644 : i32
      %sub3A_646 = arith.constant 3 : i32
      %sub3A_647 = arith.subi %add3A_645, %sub3A_646 : i32
      %add3A_648 = arith.addi %mul3A_2, %sub3A_647 : i32
      %dma_wait3A_649 = arith.constant 0 : i32
      %dma_wait3A_650 = arith.constant 0 : i32
      %dma_wait3A_651 = tpu.memref_slice %arg5[%add3A_648, %dma_wait3A_649, %dma_wait3A_650] : memref<4096x200x128xf32, #tpu.memory_space<hbm>> -> memref<1x200x128xf32, #tpu.memory_space<hbm>>
      %dma_wait3A_652 = tpu.memref_squeeze %dma_wait3A_651 : memref<1x200x128xf32, #tpu.memory_space<hbm>> -> memref<200x128xf32, #tpu.memory_space<hbm>>
      %dma_wait3A_653 = arith.constant 0 : i32
      %dma_wait3A_654 = arith.constant 0 : i32
      %dma_wait3A_655 = tpu.memref_slice %arg5[%add3A_648, %dma_wait3A_653, %dma_wait3A_654] : memref<4096x200x128xf32, #tpu.memory_space<hbm>> -> memref<1x200x128xf32, #tpu.memory_space<hbm>>
      %dma_wait3A_656 = tpu.memref_squeeze %dma_wait3A_655 : memref<1x200x128xf32, #tpu.memory_space<hbm>> -> memref<200x128xf32, #tpu.memory_space<hbm>>
      tpu.wait_dma2 semaphore(%arg21 : memref<!tpu.dma_semaphore, #tpu.memory_space<semaphore_mem>>) src(%arg11 : memref<200x128xf32, #tpu.memory_space<vmem>>) dst(%dma_wait3A_656 : memref<200x128xf32, #tpu.memory_space<hbm>>)
      %add3A_657 = arith.constant 1 : i32
      %add3A_658 = arith.addi %add3A_645, %add3A_657 : i32
      %add3A_659 = arith.addi %mul3A_2, %add3A_658 : i32
      %mul3A_660 = arith.constant 200 : i32
      %mul3A_661 = arith.muli %add3A_659, %mul3A_660 : i32
      %dma_wait3A_662 = tpu.memref_slice %arg2[%mul3A_661] : memref<819200xi32, #tpu.memory_space<hbm>> -> memref<200xi32, #tpu.memory_space<hbm>>
      %dma_wait3A_663 = tpu.memref_slice %arg2[%mul3A_661] : memref<819200xi32, #tpu.memory_space<hbm>> -> memref<200xi32, #tpu.memory_space<hbm>>
      tpu.wait_dma2 semaphore(%arg13 : memref<!tpu.dma_semaphore, #tpu.memory_space<semaphore_mem>>) src(%dma_wait3A_663 : memref<200xi32, #tpu.memory_space<hbm>>) dst(%arg7 : memref<200xi32, #tpu.memory_space<vmem>>)
      %dma_start3A_664 = arith.constant 0 : i32
      %dma_start3A_665 = arith.constant 0 : i32
      %dma_start3A_666 = tpu.memref_slice %arg11[%dma_start3A_664, %dma_start3A_665] : memref<200x128xf32, #tpu.memory_space<vmem>> -> memref<104x128xf32, #tpu.memory_space<vmem>>
      %dma_start3A_667 = arith.constant 0 : i32
      %dma_start3A_668 = tpu.memref_slice %arg7[%dma_start3A_667] : memref<200xi32, #tpu.memory_space<vmem>> -> memref<104xi32, #tpu.memory_space<vmem>>
      %dma_start3A_669 = arith.constant 0 : i32
      %dma_start3A_670 = arith.constant 0 : i32
      %dma_start3A_671 = tpu.memref_slice %arg3[%dma_start3A_669, %dma_start3A_670] : memref<100000x128xf32, #tpu.memory_space<hbm>> -> memref<100000x128xf32, #tpu.memory_space<hbm>>
      tpu.enqueue_indirect_dma source(%dma_start3A_671 : memref<100000x128xf32, #tpu.memory_space<hbm>>) target(%dma_start3A_666 : memref<104x128xf32, #tpu.memory_space<vmem>>) offsets(%dma_start3A_668 : memref<104xi32, #tpu.memory_space<vmem>>) semaphore(%arg17 : memref<!tpu.dma_semaphore, #tpu.memory_space<semaphore_mem>>)
      %dma_start3A_672 = arith.constant 104 : i32
      %dma_start3A_673 = arith.constant 0 : i32
      %dma_start3A_674 = tpu.memref_slice %arg11[%dma_start3A_672, %dma_start3A_673] : memref<200x128xf32, #tpu.memory_space<vmem>> -> memref<96x128xf32, #tpu.memory_space<vmem>>
      %dma_start3A_675 = arith.constant 104 : i32
      %dma_start3A_676 = tpu.memref_slice %arg7[%dma_start3A_675] : memref<200xi32, #tpu.memory_space<vmem>> -> memref<96xi32, #tpu.memory_space<vmem>>
      %dma_start3A_677 = arith.constant 0 : i32
      %dma_start3A_678 = arith.constant 0 : i32
      %dma_start3A_679 = tpu.memref_slice %arg3[%dma_start3A_677, %dma_start3A_678] : memref<100000x128xf32, #tpu.memory_space<hbm>> -> memref<100000x128xf32, #tpu.memory_space<hbm>>
      tpu.enqueue_indirect_dma source(%dma_start3A_679 : memref<100000x128xf32, #tpu.memory_space<hbm>>) target(%dma_start3A_674 : memref<96x128xf32, #tpu.memory_space<vmem>>) offsets(%dma_start3A_676 : memref<96xi32, #tpu.memory_space<vmem>>) semaphore(%arg17 : memref<!tpu.dma_semaphore, #tpu.memory_space<semaphore_mem>>)
      %dma_wait3A_680 = arith.constant 0 : i32
      %dma_wait3A_681 = arith.constant 0 : i32
      %dma_wait3A_682 = tpu.memref_slice %arg10[%dma_wait3A_680, %dma_wait3A_681] : memref<200x128xf32, #tpu.memory_space<vmem>> -> memref<104x128xf32, #tpu.memory_space<vmem>>
      %dma_wait3A_683 = arith.constant 0 : i32
      %dma_wait3A_684 = tpu.memref_slice %arg8[%dma_wait3A_683] : memref<200xi32, #tpu.memory_space<vmem>> -> memref<104xi32, #tpu.memory_space<vmem>>
      %dma_wait3A_685 = arith.constant 0 : i32
      %dma_wait3A_686 = arith.constant 0 : i32
      %dma_wait3A_687 = tpu.memref_slice %arg3[%dma_wait3A_685, %dma_wait3A_686] : memref<100000x128xf32, #tpu.memory_space<hbm>> -> memref<100000x128xf32, #tpu.memory_space<hbm>>
      tpu.wait_indirect_dma semaphore(%arg16 : memref<!tpu.dma_semaphore, #tpu.memory_space<semaphore_mem>>) src(%dma_wait3A_687 : memref<100000x128xf32, #tpu.memory_space<hbm>>) dst(%dma_wait3A_682 : memref<104x128xf32, #tpu.memory_space<vmem>>)
      %dma_wait3A_688 = arith.constant 104 : i32
      %dma_wait3A_689 = arith.constant 0 : i32
      %dma_wait3A_690 = tpu.memref_slice %arg10[%dma_wait3A_688, %dma_wait3A_689] : memref<200x128xf32, #tpu.memory_space<vmem>> -> memref<96x128xf32, #tpu.memory_space<vmem>>
      %dma_wait3A_691 = arith.constant 104 : i32
      %dma_wait3A_692 = tpu.memref_slice %arg8[%dma_wait3A_691] : memref<200xi32, #tpu.memory_space<vmem>> -> memref<96xi32, #tpu.memory_space<vmem>>
      %dma_wait3A_693 = arith.constant 0 : i32
      %dma_wait3A_694 = arith.constant 0 : i32
      %dma_wait3A_695 = tpu.memref_slice %arg3[%dma_wait3A_693, %dma_wait3A_694] : memref<100000x128xf32, #tpu.memory_space<hbm>> -> memref<100000x128xf32, #tpu.memory_space<hbm>>
      tpu.wait_indirect_dma semaphore(%arg16 : memref<!tpu.dma_semaphore, #tpu.memory_space<semaphore_mem>>) src(%dma_wait3A_695 : memref<100000x128xf32, #tpu.memory_space<hbm>>) dst(%dma_wait3A_690 : memref<96x128xf32, #tpu.memory_space<vmem>>)
      %add3A_696 = arith.constant 2 : i32
      %add3A_697 = arith.addi %add3A_645, %add3A_696 : i32
      %add3A_698 = arith.addi %mul3A_2, %add3A_697 : i32
      %mul3A_699 = arith.constant 200 : i32
      %mul3A_700 = arith.muli %add3A_698, %mul3A_699 : i32
      %dma_start3A_701 = tpu.memref_slice %arg2[%mul3A_700] : memref<819200xi32, #tpu.memory_space<hbm>> -> memref<200xi32, #tpu.memory_space<hbm>>
      %dma_start3A_702 = tpu.memref_slice %arg2[%mul3A_700] : memref<819200xi32, #tpu.memory_space<hbm>> -> memref<200xi32, #tpu.memory_space<hbm>>
      tpu.enqueue_dma source(%dma_start3A_702 : memref<200xi32, #tpu.memory_space<hbm>>) target(%arg8 : memref<200xi32, #tpu.memory_space<vmem>>) target_semaphore(%arg14 : memref<!tpu.dma_semaphore, #tpu.memory_space<semaphore_mem>>)
      %scan3A_703 = arith.constant 0 : i32
      %scan3A_704 = arith.constant 0 : i32
      %scan3A_705 = arith.constant 200 : i32
      %scan3A_706 = arith.addi %scan3A_704, %scan3A_705 : i32
      %scan3A_707 = arith.constant 1 : i32
      scf.for %scan3A_866 = %scan3A_704 to %scan3A_706 step %scan3A_707  : i32 {
        %mul3A_867 = arith.constant 64 : i32
        %mul3A_868 = arith.muli %scan3A_866, %mul3A_867 : i32
        %add3A_869 = arith.constant 0 : i32
        %add3A_870 = arith.addi %mul3A_868, %add3A_869 : i32
        %get3A = arith.index_cast %add3A_870 : i32 to index
        %get3A_871 = tpu.vector_load %arg6[%get3A] {strides = array<i32>} : memref<12800xf32, #tpu.memory_space<vmem>>, vector<16xf32>,
        %get3A_872 = vector.shape_cast %get3A_871 : vector<16xf32> to vector<16xf32>
        %swap3A = arith.index_cast %scan3A_866 : i32 to index
        %swap3A_873 = arith.constant 0 : index
        %swap3A_874 = tpu.vector_load %arg10[%swap3A, %swap3A_873] {strides = array<i32>} : memref<200x128xf32, #tpu.memory_space<vmem>>, vector<1x16xf32>,
        %swap3A_875 = vector.shape_cast %swap3A_874 : vector<1x16xf32> to vector<16xf32>
        %swap3A_876 = vector.shape_cast %get3A_872 : vector<16xf32> to vector<1x16xf32>
        tpu.vector_store %arg10[%swap3A, %swap3A_873], %swap3A_876 {add = true, strides = array<i32>} : memref<200x128xf32, #tpu.memory_space<vmem>>, vector<1x16xf32>,
        %mul3A_877 = arith.constant 64 : i32
        %mul3A_878 = arith.muli %scan3A_866, %mul3A_877 : i32
        %add3A_879 = arith.constant 16 : i32
        %add3A_880 = arith.addi %mul3A_878, %add3A_879 : i32
        %get3A_881 = arith.index_cast %add3A_880 : i32 to index
        %get3A_882 = tpu.vector_load %arg6[%get3A_881] {strides = array<i32>} : memref<12800xf32, #tpu.memory_space<vmem>>, vector<16xf32>,
        %get3A_883 = vector.shape_cast %get3A_882 : vector<16xf32> to vector<16xf32>
        %swap3A_884 = arith.index_cast %scan3A_866 : i32 to index
        %swap3A_885 = arith.constant 16 : index
        %swap3A_886 = tpu.vector_load %arg10[%swap3A_884, %swap3A_885] {strides = array<i32>} : memref<200x128xf32, #tpu.memory_space<vmem>>, vector<1x16xf32>,
        %swap3A_887 = vector.shape_cast %swap3A_886 : vector<1x16xf32> to vector<16xf32>
        %swap3A_888 = vector.shape_cast %get3A_883 : vector<16xf32> to vector<1x16xf32>
        tpu.vector_store %arg10[%swap3A_884, %swap3A_885], %swap3A_888 {add = true, strides = array<i32>} : memref<200x128xf32, #tpu.memory_space<vmem>>, vector<1x16xf32>,
        %mul3A_889 = arith.constant 64 : i32
        %mul3A_890 = arith.muli %scan3A_866, %mul3A_889 : i32
        %add3A_891 = arith.constant 32 : i32
        %add3A_892 = arith.addi %mul3A_890, %add3A_891 : i32
        %get3A_893 = arith.index_cast %add3A_892 : i32 to index
        %get3A_894 = tpu.vector_load %arg6[%get3A_893] {strides = array<i32>} : memref<12800xf32, #tpu.memory_space<vmem>>, vector<16xf32>,
        %get3A_895 = vector.shape_cast %get3A_894 : vector<16xf32> to vector<16xf32>
        %swap3A_896 = arith.index_cast %scan3A_866 : i32 to index
        %swap3A_897 = arith.constant 32 : index
        %swap3A_898 = tpu.vector_load %arg10[%swap3A_896, %swap3A_897] {strides = array<i32>} : memref<200x128xf32, #tpu.memory_space<vmem>>, vector<1x16xf32>,
        %swap3A_899 = vector.shape_cast %swap3A_898 : vector<1x16xf32> to vector<16xf32>
        %swap3A_900 = vector.shape_cast %get3A_895 : vector<16xf32> to vector<1x16xf32>
        tpu.vector_store %arg10[%swap3A_896, %swap3A_897], %swap3A_900 {add = true, strides = array<i32>} : memref<200x128xf32, #tpu.memory_space<vmem>>, vector<1x16xf32>,
        %mul3A_901 = arith.constant 64 : i32
        %mul3A_902 = arith.muli %scan3A_866, %mul3A_901 : i32
        %add3A_903 = arith.constant 48 : i32
        %add3A_904 = arith.addi %mul3A_902, %add3A_903 : i32
        %get3A_905 = arith.index_cast %add3A_904 : i32 to index
        %get3A_906 = tpu.vector_load %arg6[%get3A_905] {strides = array<i32>} : memref<12800xf32, #tpu.memory_space<vmem>>, vector<16xf32>,
        %get3A_907 = vector.shape_cast %get3A_906 : vector<16xf32> to vector<16xf32>
        %swap3A_908 = arith.index_cast %scan3A_866 : i32 to index
        %swap3A_909 = arith.constant 48 : index
        %swap3A_910 = tpu.vector_load %arg10[%swap3A_908, %swap3A_909] {strides = array<i32>} : memref<200x128xf32, #tpu.memory_space<vmem>>, vector<1x16xf32>,
        %swap3A_911 = vector.shape_cast %swap3A_910 : vector<1x16xf32> to vector<16xf32>
        %swap3A_912 = vector.shape_cast %get3A_907 : vector<16xf32> to vector<1x16xf32>
        tpu.vector_store %arg10[%swap3A_908, %swap3A_909], %swap3A_912 {add = true, strides = array<i32>} : memref<200x128xf32, #tpu.memory_space<vmem>>, vector<1x16xf32>,
      }
      %scan3A_708 = arith.constant 200 : i32
      %add3A_709 = arith.addi %mul3A_2, %add3A_645 : i32
      %dma_start3A_710 = arith.constant 0 : i32
      %dma_start3A_711 = arith.constant 0 : i32
      %dma_start3A_712 = tpu.memref_slice %arg5[%add3A_709, %dma_start3A_710, %dma_start3A_711] : memref<4096x200x128xf32, #tpu.memory_space<hbm>> -> memref<1x200x128xf32, #tpu.memory_space<hbm>>
      %dma_start3A_713 = tpu.memref_squeeze %dma_start3A_712 : memref<1x200x128xf32, #tpu.memory_space<hbm>> -> memref<200x128xf32, #tpu.memory_space<hbm>>
      %dma_start3A_714 = arith.constant 0 : i32
      %dma_start3A_715 = arith.constant 0 : i32
      %dma_start3A_716 = tpu.memref_slice %arg5[%add3A_709, %dma_start3A_714, %dma_start3A_715] : memref<4096x200x128xf32, #tpu.memory_space<hbm>> -> memref<1x200x128xf32, #tpu.memory_space<hbm>>
      %dma_start3A_717 = tpu.memref_squeeze %dma_start3A_716 : memref<1x200x128xf32, #tpu.memory_space<hbm>> -> memref<200x128xf32, #tpu.memory_space<hbm>>
      tpu.enqueue_dma source(%arg10 : memref<200x128xf32, #tpu.memory_space<vmem>>) target(%dma_start3A_717 : memref<200x128xf32, #tpu.memory_space<hbm>>) target_semaphore(%arg20 : memref<!tpu.dma_semaphore, #tpu.memory_space<semaphore_mem>>)
      %add3A_718 = arith.constant 2 : i32
      %add3A_719 = arith.addi %add3A_570, %add3A_718 : i32
      %sub3A_720 = arith.constant 3 : i32
      %sub3A_721 = arith.subi %add3A_719, %sub3A_720 : i32
      %add3A_722 = arith.addi %mul3A_2, %sub3A_721 : i32
      %dma_wait3A_723 = arith.constant 0 : i32
      %dma_wait3A_724 = arith.constant 0 : i32
      %dma_wait3A_725 = tpu.memref_slice %arg5[%add3A_722, %dma_wait3A_723, %dma_wait3A_724] : memref<4096x200x128xf32, #tpu.memory_space<hbm>> -> memref<1x200x128xf32, #tpu.memory_space<hbm>>
      %dma_wait3A_726 = tpu.memref_squeeze %dma_wait3A_725 : memref<1x200x128xf32, #tpu.memory_space<hbm>> -> memref<200x128xf32, #tpu.memory_space<hbm>>
      %dma_wait3A_727 = arith.constant 0 : i32
      %dma_wait3A_728 = arith.constant 0 : i32
      %dma_wait3A_729 = tpu.memref_slice %arg5[%add3A_722, %dma_wait3A_727, %dma_wait3A_728] : memref<4096x200x128xf32, #tpu.memory_space<hbm>> -> memref<1x200x128xf32, #tpu.memory_space<hbm>>
      %dma_wait3A_730 = tpu.memref_squeeze %dma_wait3A_729 : memref<1x200x128xf32, #tpu.memory_space<hbm>> -> memref<200x128xf32, #tpu.memory_space<hbm>>
      tpu.wait_dma2 semaphore(%arg22 : memref<!tpu.dma_semaphore, #tpu.memory_space<semaphore_mem>>) src(%arg12 : memref<200x128xf32, #tpu.memory_space<vmem>>) dst(%dma_wait3A_730 : memref<200x128xf32, #tpu.memory_space<hbm>>)
      %add3A_731 = arith.constant 1 : i32
      %add3A_732 = arith.addi %add3A_719, %add3A_731 : i32
      %add3A_733 = arith.addi %mul3A_2, %add3A_732 : i32
      %mul3A_734 = arith.constant 200 : i32
      %mul3A_735 = arith.muli %add3A_733, %mul3A_734 : i32
      %dma_wait3A_736 = tpu.memref_slice %arg2[%mul3A_735] : memref<819200xi32, #tpu.memory_space<hbm>> -> memref<200xi32, #tpu.memory_space<hbm>>
      %dma_wait3A_737 = tpu.memref_slice %arg2[%mul3A_735] : memref<819200xi32, #tpu.memory_space<hbm>> -> memref<200xi32, #tpu.memory_space<hbm>>
      tpu.wait_dma2 semaphore(%arg14 : memref<!tpu.dma_semaphore, #tpu.memory_space<semaphore_mem>>) src(%dma_wait3A_737 : memref<200xi32, #tpu.memory_space<hbm>>) dst(%arg8 : memref<200xi32, #tpu.memory_space<vmem>>)
      %dma_start3A_738 = arith.constant 0 : i32
      %dma_start3A_739 = arith.constant 0 : i32
      %dma_start3A_740 = tpu.memref_slice %arg12[%dma_start3A_738, %dma_start3A_739] : memref<200x128xf32, #tpu.memory_space<vmem>> -> memref<104x128xf32, #tpu.memory_space<vmem>>
      %dma_start3A_741 = arith.constant 0 : i32
      %dma_start3A_742 = tpu.memref_slice %arg8[%dma_start3A_741] : memref<200xi32, #tpu.memory_space<vmem>> -> memref<104xi32, #tpu.memory_space<vmem>>
      %dma_start3A_743 = arith.constant 0 : i32
      %dma_start3A_744 = arith.constant 0 : i32
      %dma_start3A_745 = tpu.memref_slice %arg3[%dma_start3A_743, %dma_start3A_744] : memref<100000x128xf32, #tpu.memory_space<hbm>> -> memref<100000x128xf32, #tpu.memory_space<hbm>>
      tpu.enqueue_indirect_dma source(%dma_start3A_745 : memref<100000x128xf32, #tpu.memory_space<hbm>>) target(%dma_start3A_740 : memref<104x128xf32, #tpu.memory_space<vmem>>) offsets(%dma_start3A_742 : memref<104xi32, #tpu.memory_space<vmem>>) semaphore(%arg18 : memref<!tpu.dma_semaphore, #tpu.memory_space<semaphore_mem>>)
      %dma_start3A_746 = arith.constant 104 : i32
      %dma_start3A_747 = arith.constant 0 : i32
      %dma_start3A_748 = tpu.memref_slice %arg12[%dma_start3A_746, %dma_start3A_747] : memref<200x128xf32, #tpu.memory_space<vmem>> -> memref<96x128xf32, #tpu.memory_space<vmem>>
      %dma_start3A_749 = arith.constant 104 : i32
      %dma_start3A_750 = tpu.memref_slice %arg8[%dma_start3A_749] : memref<200xi32, #tpu.memory_space<vmem>> -> memref<96xi32, #tpu.memory_space<vmem>>
      %dma_start3A_751 = arith.constant 0 : i32
      %dma_start3A_752 = arith.constant 0 : i32
      %dma_start3A_753 = tpu.memref_slice %arg3[%dma_start3A_751, %dma_start3A_752] : memref<100000x128xf32, #tpu.memory_space<hbm>> -> memref<100000x128xf32, #tpu.memory_space<hbm>>
      tpu.enqueue_indirect_dma source(%dma_start3A_753 : memref<100000x128xf32, #tpu.memory_space<hbm>>) target(%dma_start3A_748 : memref<96x128xf32, #tpu.memory_space<vmem>>) offsets(%dma_start3A_750 : memref<96xi32, #tpu.memory_space<vmem>>) semaphore(%arg18 : memref<!tpu.dma_semaphore, #tpu.memory_space<semaphore_mem>>)
      %dma_wait3A_754 = arith.constant 0 : i32
      %dma_wait3A_755 = arith.constant 0 : i32
      %dma_wait3A_756 = tpu.memref_slice %arg11[%dma_wait3A_754, %dma_wait3A_755] : memref<200x128xf32, #tpu.memory_space<vmem>> -> memref<104x128xf32, #tpu.memory_space<vmem>>
      %dma_wait3A_757 = arith.constant 0 : i32
      %dma_wait3A_758 = tpu.memref_slice %arg7[%dma_wait3A_757] : memref<200xi32, #tpu.memory_space<vmem>> -> memref<104xi32, #tpu.memory_space<vmem>>
      %dma_wait3A_759 = arith.constant 0 : i32
      %dma_wait3A_760 = arith.constant 0 : i32
      %dma_wait3A_761 = tpu.memref_slice %arg3[%dma_wait3A_759, %dma_wait3A_760] : memref<100000x128xf32, #tpu.memory_space<hbm>> -> memref<100000x128xf32, #tpu.memory_space<hbm>>
      tpu.wait_indirect_dma semaphore(%arg17 : memref<!tpu.dma_semaphore, #tpu.memory_space<semaphore_mem>>) src(%dma_wait3A_761 : memref<100000x128xf32, #tpu.memory_space<hbm>>) dst(%dma_wait3A_756 : memref<104x128xf32, #tpu.memory_space<vmem>>)
      %dma_wait3A_762 = arith.constant 104 : i32
      %dma_wait3A_763 = arith.constant 0 : i32
      %dma_wait3A_764 = tpu.memref_slice %arg11[%dma_wait3A_762, %dma_wait3A_763] : memref<200x128xf32, #tpu.memory_space<vmem>> -> memref<96x128xf32, #tpu.memory_space<vmem>>
      %dma_wait3A_765 = arith.constant 104 : i32
      %dma_wait3A_766 = tpu.memref_slice %arg7[%dma_wait3A_765] : memref<200xi32, #tpu.memory_space<vmem>> -> memref<96xi32, #tpu.memory_space<vmem>>
      %dma_wait3A_767 = arith.constant 0 : i32
      %dma_wait3A_768 = arith.constant 0 : i32
      %dma_wait3A_769 = tpu.memref_slice %arg3[%dma_wait3A_767, %dma_wait3A_768] : memref<100000x128xf32, #tpu.memory_space<hbm>> -> memref<100000x128xf32, #tpu.memory_space<hbm>>
      tpu.wait_indirect_dma semaphore(%arg17 : memref<!tpu.dma_semaphore, #tpu.memory_space<semaphore_mem>>) src(%dma_wait3A_769 : memref<100000x128xf32, #tpu.memory_space<hbm>>) dst(%dma_wait3A_764 : memref<96x128xf32, #tpu.memory_space<vmem>>)
      %add3A_770 = arith.constant 2 : i32
      %add3A_771 = arith.addi %add3A_719, %add3A_770 : i32
      %add3A_772 = arith.addi %mul3A_2, %add3A_771 : i32
      %mul3A_773 = arith.constant 200 : i32
      %mul3A_774 = arith.muli %add3A_772, %mul3A_773 : i32
      %dma_start3A_775 = tpu.memref_slice %arg2[%mul3A_774] : memref<819200xi32, #tpu.memory_space<hbm>> -> memref<200xi32, #tpu.memory_space<hbm>>
      %dma_start3A_776 = tpu.memref_slice %arg2[%mul3A_774] : memref<819200xi32, #tpu.memory_space<hbm>> -> memref<200xi32, #tpu.memory_space<hbm>>
      tpu.enqueue_dma source(%dma_start3A_776 : memref<200xi32, #tpu.memory_space<hbm>>) target(%arg7 : memref<200xi32, #tpu.memory_space<vmem>>) target_semaphore(%arg13 : memref<!tpu.dma_semaphore, #tpu.memory_space<semaphore_mem>>)
      %scan3A_777 = arith.constant 0 : i32
      %scan3A_778 = arith.constant 0 : i32
      %scan3A_779 = arith.constant 200 : i32
      %scan3A_780 = arith.addi %scan3A_778, %scan3A_779 : i32
      %scan3A_781 = arith.constant 1 : i32
      scf.for %scan3A_866 = %scan3A_778 to %scan3A_780 step %scan3A_781  : i32 {
        %mul3A_867 = arith.constant 64 : i32
        %mul3A_868 = arith.muli %scan3A_866, %mul3A_867 : i32
        %add3A_869 = arith.constant 0 : i32
        %add3A_870 = arith.addi %mul3A_868, %add3A_869 : i32
        %get3A = arith.index_cast %add3A_870 : i32 to index
        %get3A_871 = tpu.vector_load %arg6[%get3A] {strides = array<i32>} : memref<12800xf32, #tpu.memory_space<vmem>>, vector<16xf32>,
        %get3A_872 = vector.shape_cast %get3A_871 : vector<16xf32> to vector<16xf32>
        %swap3A = arith.index_cast %scan3A_866 : i32 to index
        %swap3A_873 = arith.constant 0 : index
        %swap3A_874 = tpu.vector_load %arg11[%swap3A, %swap3A_873] {strides = array<i32>} : memref<200x128xf32, #tpu.memory_space<vmem>>, vector<1x16xf32>,
        %swap3A_875 = vector.shape_cast %swap3A_874 : vector<1x16xf32> to vector<16xf32>
        %swap3A_876 = vector.shape_cast %get3A_872 : vector<16xf32> to vector<1x16xf32>
        tpu.vector_store %arg11[%swap3A, %swap3A_873], %swap3A_876 {add = true, strides = array<i32>} : memref<200x128xf32, #tpu.memory_space<vmem>>, vector<1x16xf32>,
        %mul3A_877 = arith.constant 64 : i32
        %mul3A_878 = arith.muli %scan3A_866, %mul3A_877 : i32
        %add3A_879 = arith.constant 16 : i32
        %add3A_880 = arith.addi %mul3A_878, %add3A_879 : i32
        %get3A_881 = arith.index_cast %add3A_880 : i32 to index
        %get3A_882 = tpu.vector_load %arg6[%get3A_881] {strides = array<i32>} : memref<12800xf32, #tpu.memory_space<vmem>>, vector<16xf32>,
        %get3A_883 = vector.shape_cast %get3A_882 : vector<16xf32> to vector<16xf32>
        %swap3A_884 = arith.index_cast %scan3A_866 : i32 to index
        %swap3A_885 = arith.constant 16 : index
        %swap3A_886 = tpu.vector_load %arg11[%swap3A_884, %swap3A_885] {strides = array<i32>} : memref<200x128xf32, #tpu.memory_space<vmem>>, vector<1x16xf32>,
        %swap3A_887 = vector.shape_cast %swap3A_886 : vector<1x16xf32> to vector<16xf32>
        %swap3A_888 = vector.shape_cast %get3A_883 : vector<16xf32> to vector<1x16xf32>
        tpu.vector_store %arg11[%swap3A_884, %swap3A_885], %swap3A_888 {add = true, strides = array<i32>} : memref<200x128xf32, #tpu.memory_space<vmem>>, vector<1x16xf32>,
        %mul3A_889 = arith.constant 64 : i32
        %mul3A_890 = arith.muli %scan3A_866, %mul3A_889 : i32
        %add3A_891 = arith.constant 32 : i32
        %add3A_892 = arith.addi %mul3A_890, %add3A_891 : i32
        %get3A_893 = arith.index_cast %add3A_892 : i32 to index
        %get3A_894 = tpu.vector_load %arg6[%get3A_893] {strides = array<i32>} : memref<12800xf32, #tpu.memory_space<vmem>>, vector<16xf32>,
        %get3A_895 = vector.shape_cast %get3A_894 : vector<16xf32> to vector<16xf32>
        %swap3A_896 = arith.index_cast %scan3A_866 : i32 to index
        %swap3A_897 = arith.constant 32 : index
        %swap3A_898 = tpu.vector_load %arg11[%swap3A_896, %swap3A_897] {strides = array<i32>} : memref<200x128xf32, #tpu.memory_space<vmem>>, vector<1x16xf32>,
        %swap3A_899 = vector.shape_cast %swap3A_898 : vector<1x16xf32> to vector<16xf32>
        %swap3A_900 = vector.shape_cast %get3A_895 : vector<16xf32> to vector<1x16xf32>
        tpu.vector_store %arg11[%swap3A_896, %swap3A_897], %swap3A_900 {add = true, strides = array<i32>} : memref<200x128xf32, #tpu.memory_space<vmem>>, vector<1x16xf32>,
        %mul3A_901 = arith.constant 64 : i32
        %mul3A_902 = arith.muli %scan3A_866, %mul3A_901 : i32
        %add3A_903 = arith.constant 48 : i32
        %add3A_904 = arith.addi %mul3A_902, %add3A_903 : i32
        %get3A_905 = arith.index_cast %add3A_904 : i32 to index
        %get3A_906 = tpu.vector_load %arg6[%get3A_905] {strides = array<i32>} : memref<12800xf32, #tpu.memory_space<vmem>>, vector<16xf32>,
        %get3A_907 = vector.shape_cast %get3A_906 : vector<16xf32> to vector<16xf32>
        %swap3A_908 = arith.index_cast %scan3A_866 : i32 to index
        %swap3A_909 = arith.constant 48 : index
        %swap3A_910 = tpu.vector_load %arg11[%swap3A_908, %swap3A_909] {strides = array<i32>} : memref<200x128xf32, #tpu.memory_space<vmem>>, vector<1x16xf32>,
        %swap3A_911 = vector.shape_cast %swap3A_910 : vector<1x16xf32> to vector<16xf32>
        %swap3A_912 = vector.shape_cast %get3A_907 : vector<16xf32> to vector<1x16xf32>
        tpu.vector_store %arg11[%swap3A_908, %swap3A_909], %swap3A_912 {add = true, strides = array<i32>} : memref<200x128xf32, #tpu.memory_space<vmem>>, vector<1x16xf32>,
      }
      %scan3A_782 = arith.constant 200 : i32
      %add3A_783 = arith.addi %mul3A_2, %add3A_719 : i32
      %dma_start3A_784 = arith.constant 0 : i32
      %dma_start3A_785 = arith.constant 0 : i32
      %dma_start3A_786 = tpu.memref_slice %arg5[%add3A_783, %dma_start3A_784, %dma_start3A_785] : memref<4096x200x128xf32, #tpu.memory_space<hbm>> -> memref<1x200x128xf32, #tpu.memory_space<hbm>>
      %dma_start3A_787 = tpu.memref_squeeze %dma_start3A_786 : memref<1x200x128xf32, #tpu.memory_space<hbm>> -> memref<200x128xf32, #tpu.memory_space<hbm>>
      %dma_start3A_788 = arith.constant 0 : i32
      %dma_start3A_789 = arith.constant 0 : i32
      %dma_start3A_790 = tpu.memref_slice %arg5[%add3A_783, %dma_start3A_788, %dma_start3A_789] : memref<4096x200x128xf32, #tpu.memory_space<hbm>> -> memref<1x200x128xf32, #tpu.memory_space<hbm>>
      %dma_start3A_791 = tpu.memref_squeeze %dma_start3A_790 : memref<1x200x128xf32, #tpu.memory_space<hbm>> -> memref<200x128xf32, #tpu.memory_space<hbm>>
      tpu.enqueue_dma source(%arg11 : memref<200x128xf32, #tpu.memory_space<vmem>>) target(%dma_start3A_791 : memref<200x128xf32, #tpu.memory_space<hbm>>) target_semaphore(%arg21 : memref<!tpu.dma_semaphore, #tpu.memory_space<semaphore_mem>>)
      %add3A_792 = arith.constant 3 : i32
      %add3A_793 = arith.addi %add3A_570, %add3A_792 : i32
      %sub3A_794 = arith.constant 3 : i32
      %sub3A_795 = arith.subi %add3A_793, %sub3A_794 : i32
      %add3A_796 = arith.addi %mul3A_2, %sub3A_795 : i32
      %dma_wait3A_797 = arith.constant 0 : i32
      %dma_wait3A_798 = arith.constant 0 : i32
      %dma_wait3A_799 = tpu.memref_slice %arg5[%add3A_796, %dma_wait3A_797, %dma_wait3A_798] : memref<4096x200x128xf32, #tpu.memory_space<hbm>> -> memref<1x200x128xf32, #tpu.memory_space<hbm>>
      %dma_wait3A_800 = tpu.memref_squeeze %dma_wait3A_799 : memref<1x200x128xf32, #tpu.memory_space<hbm>> -> memref<200x128xf32, #tpu.memory_space<hbm>>
      %dma_wait3A_801 = arith.constant 0 : i32
      %dma_wait3A_802 = arith.constant 0 : i32
      %dma_wait3A_803 = tpu.memref_slice %arg5[%add3A_796, %dma_wait3A_801, %dma_wait3A_802] : memref<4096x200x128xf32, #tpu.memory_space<hbm>> -> memref<1x200x128xf32, #tpu.memory_space<hbm>>
      %dma_wait3A_804 = tpu.memref_squeeze %dma_wait3A_803 : memref<1x200x128xf32, #tpu.memory_space<hbm>> -> memref<200x128xf32, #tpu.memory_space<hbm>>
      tpu.wait_dma2 semaphore(%arg19 : memref<!tpu.dma_semaphore, #tpu.memory_space<semaphore_mem>>) src(%arg9 : memref<200x128xf32, #tpu.memory_space<vmem>>) dst(%dma_wait3A_804 : memref<200x128xf32, #tpu.memory_space<hbm>>)
      %add3A_805 = arith.constant 1 : i32
      %add3A_806 = arith.addi %add3A_793, %add3A_805 : i32
      %add3A_807 = arith.addi %mul3A_2, %add3A_806 : i32
      %mul3A_808 = arith.constant 200 : i32
      %mul3A_809 = arith.muli %add3A_807, %mul3A_808 : i32
      %dma_wait3A_810 = tpu.memref_slice %arg2[%mul3A_809] : memref<819200xi32, #tpu.memory_space<hbm>> -> memref<200xi32, #tpu.memory_space<hbm>>
      %dma_wait3A_811 = tpu.memref_slice %arg2[%mul3A_809] : memref<819200xi32, #tpu.memory_space<hbm>> -> memref<200xi32, #tpu.memory_space<hbm>>
      tpu.wait_dma2 semaphore(%arg13 : memref<!tpu.dma_semaphore, #tpu.memory_space<semaphore_mem>>) src(%dma_wait3A_811 : memref<200xi32, #tpu.memory_space<hbm>>) dst(%arg7 : memref<200xi32, #tpu.memory_space<vmem>>)
      %dma_start3A_812 = arith.constant 0 : i32
      %dma_start3A_813 = arith.constant 0 : i32
      %dma_start3A_814 = tpu.memref_slice %arg9[%dma_start3A_812, %dma_start3A_813] : memref<200x128xf32, #tpu.memory_space<vmem>> -> memref<104x128xf32, #tpu.memory_space<vmem>>
      %dma_start3A_815 = arith.constant 0 : i32
      %dma_start3A_816 = tpu.memref_slice %arg7[%dma_start3A_815] : memref<200xi32, #tpu.memory_space<vmem>> -> memref<104xi32, #tpu.memory_space<vmem>>
      %dma_start3A_817 = arith.constant 0 : i32
      %dma_start3A_818 = arith.constant 0 : i32
      %dma_start3A_819 = tpu.memref_slice %arg3[%dma_start3A_817, %dma_start3A_818] : memref<100000x128xf32, #tpu.memory_space<hbm>> -> memref<100000x128xf32, #tpu.memory_space<hbm>>
      tpu.enqueue_indirect_dma source(%dma_start3A_819 : memref<100000x128xf32, #tpu.memory_space<hbm>>) target(%dma_start3A_814 : memref<104x128xf32, #tpu.memory_space<vmem>>) offsets(%dma_start3A_816 : memref<104xi32, #tpu.memory_space<vmem>>) semaphore(%arg15 : memref<!tpu.dma_semaphore, #tpu.memory_space<semaphore_mem>>)
      %dma_start3A_820 = arith.constant 104 : i32
      %dma_start3A_821 = arith.constant 0 : i32
      %dma_start3A_822 = tpu.memref_slice %arg9[%dma_start3A_820, %dma_start3A_821] : memref<200x128xf32, #tpu.memory_space<vmem>> -> memref<96x128xf32, #tpu.memory_space<vmem>>
      %dma_start3A_823 = arith.constant 104 : i32
      %dma_start3A_824 = tpu.memref_slice %arg7[%dma_start3A_823] : memref<200xi32, #tpu.memory_space<vmem>> -> memref<96xi32, #tpu.memory_space<vmem>>
      %dma_start3A_825 = arith.constant 0 : i32
      %dma_start3A_826 = arith.constant 0 : i32
      %dma_start3A_827 = tpu.memref_slice %arg3[%dma_start3A_825, %dma_start3A_826] : memref<100000x128xf32, #tpu.memory_space<hbm>> -> memref<100000x128xf32, #tpu.memory_space<hbm>>
      tpu.enqueue_indirect_dma source(%dma_start3A_827 : memref<100000x128xf32, #tpu.memory_space<hbm>>) target(%dma_start3A_822 : memref<96x128xf32, #tpu.memory_space<vmem>>) offsets(%dma_start3A_824 : memref<96xi32, #tpu.memory_space<vmem>>) semaphore(%arg15 : memref<!tpu.dma_semaphore, #tpu.memory_space<semaphore_mem>>)
      %dma_wait3A_828 = arith.constant 0 : i32
      %dma_wait3A_829 = arith.constant 0 : i32
      %dma_wait3A_830 = tpu.memref_slice %arg12[%dma_wait3A_828, %dma_wait3A_829] : memref<200x128xf32, #tpu.memory_space<vmem>> -> memref<104x128xf32, #tpu.memory_space<vmem>>
      %dma_wait3A_831 = arith.constant 0 : i32
      %dma_wait3A_832 = tpu.memref_slice %arg8[%dma_wait3A_831] : memref<200xi32, #tpu.memory_space<vmem>> -> memref<104xi32, #tpu.memory_space<vmem>>
      %dma_wait3A_833 = arith.constant 0 : i32
      %dma_wait3A_834 = arith.constant 0 : i32
      %dma_wait3A_835 = tpu.memref_slice %arg3[%dma_wait3A_833, %dma_wait3A_834] : memref<100000x128xf32, #tpu.memory_space<hbm>> -> memref<100000x128xf32, #tpu.memory_space<hbm>>
      tpu.wait_indirect_dma semaphore(%arg18 : memref<!tpu.dma_semaphore, #tpu.memory_space<semaphore_mem>>) src(%dma_wait3A_835 : memref<100000x128xf32, #tpu.memory_space<hbm>>) dst(%dma_wait3A_830 : memref<104x128xf32, #tpu.memory_space<vmem>>)
      %dma_wait3A_836 = arith.constant 104 : i32
      %dma_wait3A_837 = arith.constant 0 : i32
      %dma_wait3A_838 = tpu.memref_slice %arg12[%dma_wait3A_836, %dma_wait3A_837] : memref<200x128xf32, #tpu.memory_space<vmem>> -> memref<96x128xf32, #tpu.memory_space<vmem>>
      %dma_wait3A_839 = arith.constant 104 : i32
      %dma_wait3A_840 = tpu.memref_slice %arg8[%dma_wait3A_839] : memref<200xi32, #tpu.memory_space<vmem>> -> memref<96xi32, #tpu.memory_space<vmem>>
      %dma_wait3A_841 = arith.constant 0 : i32
      %dma_wait3A_842 = arith.constant 0 : i32
      %dma_wait3A_843 = tpu.memref_slice %arg3[%dma_wait3A_841, %dma_wait3A_842] : memref<100000x128xf32, #tpu.memory_space<hbm>> -> memref<100000x128xf32, #tpu.memory_space<hbm>>
      tpu.wait_indirect_dma semaphore(%arg18 : memref<!tpu.dma_semaphore, #tpu.memory_space<semaphore_mem>>) src(%dma_wait3A_843 : memref<100000x128xf32, #tpu.memory_space<hbm>>) dst(%dma_wait3A_838 : memref<96x128xf32, #tpu.memory_space<vmem>>)
      %add3A_844 = arith.constant 2 : i32
      %add3A_845 = arith.addi %add3A_793, %add3A_844 : i32
      %add3A_846 = arith.addi %mul3A_2, %add3A_845 : i32
      %mul3A_847 = arith.constant 200 : i32
      %mul3A_848 = arith.muli %add3A_846, %mul3A_847 : i32
      %dma_start3A_849 = tpu.memref_slice %arg2[%mul3A_848] : memref<819200xi32, #tpu.memory_space<hbm>> -> memref<200xi32, #tpu.memory_space<hbm>>
      %dma_start3A_850 = tpu.memref_slice %arg2[%mul3A_848] : memref<819200xi32, #tpu.memory_space<hbm>> -> memref<200xi32, #tpu.memory_space<hbm>>
      tpu.enqueue_dma source(%dma_start3A_850 : memref<200xi32, #tpu.memory_space<hbm>>) target(%arg8 : memref<200xi32, #tpu.memory_space<vmem>>) target_semaphore(%arg14 : memref<!tpu.dma_semaphore, #tpu.memory_space<semaphore_mem>>)
      %scan3A_851 = arith.constant 0 : i32
      %scan3A_852 = arith.constant 0 : i32
      %scan3A_853 = arith.constant 200 : i32
      %scan3A_854 = arith.addi %scan3A_852, %scan3A_853 : i32
      %scan3A_855 = arith.constant 1 : i32
      scf.for %scan3A_866 = %scan3A_852 to %scan3A_854 step %scan3A_855  : i32 {
        %mul3A_867 = arith.constant 64 : i32
        %mul3A_868 = arith.muli %scan3A_866, %mul3A_867 : i32
        %add3A_869 = arith.constant 0 : i32
        %add3A_870 = arith.addi %mul3A_868, %add3A_869 : i32
        %get3A = arith.index_cast %add3A_870 : i32 to index
        %get3A_871 = tpu.vector_load %arg6[%get3A] {strides = array<i32>} : memref<12800xf32, #tpu.memory_space<vmem>>, vector<16xf32>,
        %get3A_872 = vector.shape_cast %get3A_871 : vector<16xf32> to vector<16xf32>
        %swap3A = arith.index_cast %scan3A_866 : i32 to index
        %swap3A_873 = arith.constant 0 : index
        %swap3A_874 = tpu.vector_load %arg12[%swap3A, %swap3A_873] {strides = array<i32>} : memref<200x128xf32, #tpu.memory_space<vmem>>, vector<1x16xf32>,
        %swap3A_875 = vector.shape_cast %swap3A_874 : vector<1x16xf32> to vector<16xf32>
        %swap3A_876 = vector.shape_cast %get3A_872 : vector<16xf32> to vector<1x16xf32>
        tpu.vector_store %arg12[%swap3A, %swap3A_873], %swap3A_876 {add = true, strides = array<i32>} : memref<200x128xf32, #tpu.memory_space<vmem>>, vector<1x16xf32>,
        %mul3A_877 = arith.constant 64 : i32
        %mul3A_878 = arith.muli %scan3A_866, %mul3A_877 : i32
        %add3A_879 = arith.constant 16 : i32
        %add3A_880 = arith.addi %mul3A_878, %add3A_879 : i32
        %get3A_881 = arith.index_cast %add3A_880 : i32 to index
        %get3A_882 = tpu.vector_load %arg6[%get3A_881] {strides = array<i32>} : memref<12800xf32, #tpu.memory_space<vmem>>, vector<16xf32>,
        %get3A_883 = vector.shape_cast %get3A_882 : vector<16xf32> to vector<16xf32>
        %swap3A_884 = arith.index_cast %scan3A_866 : i32 to index
        %swap3A_885 = arith.constant 16 : index
        %swap3A_886 = tpu.vector_load %arg12[%swap3A_884, %swap3A_885] {strides = array<i32>} : memref<200x128xf32, #tpu.memory_space<vmem>>, vector<1x16xf32>,
        %swap3A_887 = vector.shape_cast %swap3A_886 : vector<1x16xf32> to vector<16xf32>
        %swap3A_888 = vector.shape_cast %get3A_883 : vector<16xf32> to vector<1x16xf32>
        tpu.vector_store %arg12[%swap3A_884, %swap3A_885], %swap3A_888 {add = true, strides = array<i32>} : memref<200x128xf32, #tpu.memory_space<vmem>>, vector<1x16xf32>,
        %mul3A_889 = arith.constant 64 : i32
        %mul3A_890 = arith.muli %scan3A_866, %mul3A_889 : i32
        %add3A_891 = arith.constant 32 : i32
        %add3A_892 = arith.addi %mul3A_890, %add3A_891 : i32
        %get3A_893 = arith.index_cast %add3A_892 : i32 to index
        %get3A_894 = tpu.vector_load %arg6[%get3A_893] {strides = array<i32>} : memref<12800xf32, #tpu.memory_space<vmem>>, vector<16xf32>,
        %get3A_895 = vector.shape_cast %get3A_894 : vector<16xf32> to vector<16xf32>
        %swap3A_896 = arith.index_cast %scan3A_866 : i32 to index
        %swap3A_897 = arith.constant 32 : index
        %swap3A_898 = tpu.vector_load %arg12[%swap3A_896, %swap3A_897] {strides = array<i32>} : memref<200x128xf32, #tpu.memory_space<vmem>>, vector<1x16xf32>,
        %swap3A_899 = vector.shape_cast %swap3A_898 : vector<1x16xf32> to vector<16xf32>
        %swap3A_900 = vector.shape_cast %get3A_895 : vector<16xf32> to vector<1x16xf32>
        tpu.vector_store %arg12[%swap3A_896, %swap3A_897], %swap3A_900 {add = true, strides = array<i32>} : memref<200x128xf32, #tpu.memory_space<vmem>>, vector<1x16xf32>,
        %mul3A_901 = arith.constant 64 : i32
        %mul3A_902 = arith.muli %scan3A_866, %mul3A_901 : i32
        %add3A_903 = arith.constant 48 : i32
        %add3A_904 = arith.addi %mul3A_902, %add3A_903 : i32
        %get3A_905 = arith.index_cast %add3A_904 : i32 to index
        %get3A_906 = tpu.vector_load %arg6[%get3A_905] {strides = array<i32>} : memref<12800xf32, #tpu.memory_space<vmem>>, vector<16xf32>,
        %get3A_907 = vector.shape_cast %get3A_906 : vector<16xf32> to vector<16xf32>
        %swap3A_908 = arith.index_cast %scan3A_866 : i32 to index
        %swap3A_909 = arith.constant 48 : index
        %swap3A_910 = tpu.vector_load %arg12[%swap3A_908, %swap3A_909] {strides = array<i32>} : memref<200x128xf32, #tpu.memory_space<vmem>>, vector<1x16xf32>,
        %swap3A_911 = vector.shape_cast %swap3A_910 : vector<1x16xf32> to vector<16xf32>
        %swap3A_912 = vector.shape_cast %get3A_907 : vector<16xf32> to vector<1x16xf32>
        tpu.vector_store %arg12[%swap3A_908, %swap3A_909], %swap3A_912 {add = true, strides = array<i32>} : memref<200x128xf32, #tpu.memory_space<vmem>>, vector<1x16xf32>,
      }
      %scan3A_856 = arith.constant 200 : i32
      %add3A_857 = arith.addi %mul3A_2, %add3A_793 : i32
      %dma_start3A_858 = arith.constant 0 : i32
      %dma_start3A_859 = arith.constant 0 : i32
      %dma_start3A_860 = tpu.memref_slice %arg5[%add3A_857, %dma_start3A_858, %dma_start3A_859] : memref<4096x200x128xf32, #tpu.memory_space<hbm>> -> memref<1x200x128xf32, #tpu.memory_space<hbm>>
      %dma_start3A_861 = tpu.memref_squeeze %dma_start3A_860 : memref<1x200x128xf32, #tpu.memory_space<hbm>> -> memref<200x128xf32, #tpu.memory_space<hbm>>
      %dma_start3A_862 = arith.constant 0 : i32
      %dma_start3A_863 = arith.constant 0 : i32
      %dma_start3A_864 = tpu.memref_slice %arg5[%add3A_857, %dma_start3A_862, %dma_start3A_863] : memref<4096x200x128xf32, #tpu.memory_space<hbm>> -> memref<1x200x128xf32, #tpu.memory_space<hbm>>
      %dma_start3A_865 = tpu.memref_squeeze %dma_start3A_864 : memref<1x200x128xf32, #tpu.memory_space<hbm>> -> memref<200x128xf32, #tpu.memory_space<hbm>>
      tpu.enqueue_dma source(%arg12 : memref<200x128xf32, #tpu.memory_space<vmem>>) target(%dma_start3A_865 : memref<200x128xf32, #tpu.memory_space<hbm>>) target_semaphore(%arg22 : memref<!tpu.dma_semaphore, #tpu.memory_space<semaphore_mem>>)
    }
    %scan3A_289 = arith.constant 30 : i32
    %add3A_290 = arith.constant 121 : i32
    %add3A_291 = arith.addi %mul3A_2, %add3A_290 : i32
    %dma_wait3A_292 = arith.constant 0 : i32
    %dma_wait3A_293 = arith.constant 0 : i32
    %dma_wait3A_294 = tpu.memref_slice %arg5[%add3A_291, %dma_wait3A_292, %dma_wait3A_293] : memref<4096x200x128xf32, #tpu.memory_space<hbm>> -> memref<1x200x128xf32, #tpu.memory_space<hbm>>
    %dma_wait3A_295 = tpu.memref_squeeze %dma_wait3A_294 : memref<1x200x128xf32, #tpu.memory_space<hbm>> -> memref<200x128xf32, #tpu.memory_space<hbm>>
    %dma_wait3A_296 = arith.constant 0 : i32
    %dma_wait3A_297 = arith.constant 0 : i32
    %dma_wait3A_298 = tpu.memref_slice %arg5[%add3A_291, %dma_wait3A_296, %dma_wait3A_297] : memref<4096x200x128xf32, #tpu.memory_space<hbm>> -> memref<1x200x128xf32, #tpu.memory_space<hbm>>
    %dma_wait3A_299 = tpu.memref_squeeze %dma_wait3A_298 : memref<1x200x128xf32, #tpu.memory_space<hbm>> -> memref<200x128xf32, #tpu.memory_space<hbm>>
    tpu.wait_dma2 semaphore(%arg20 : memref<!tpu.dma_semaphore, #tpu.memory_space<semaphore_mem>>) src(%arg10 : memref<200x128xf32, #tpu.memory_space<vmem>>) dst(%dma_wait3A_299 : memref<200x128xf32, #tpu.memory_space<hbm>>)
    %add3A_300 = arith.constant 125 : i32
    %add3A_301 = arith.addi %mul3A_2, %add3A_300 : i32
    %mul3A_302 = arith.constant 200 : i32
    %mul3A_303 = arith.muli %add3A_301, %mul3A_302 : i32
    %dma_wait3A_304 = tpu.memref_slice %arg2[%mul3A_303] : memref<819200xi32, #tpu.memory_space<hbm>> -> memref<200xi32, #tpu.memory_space<hbm>>
    %dma_wait3A_305 = tpu.memref_slice %arg2[%mul3A_303] : memref<819200xi32, #tpu.memory_space<hbm>> -> memref<200xi32, #tpu.memory_space<hbm>>
    tpu.wait_dma2 semaphore(%arg14 : memref<!tpu.dma_semaphore, #tpu.memory_space<semaphore_mem>>) src(%dma_wait3A_305 : memref<200xi32, #tpu.memory_space<hbm>>) dst(%arg8 : memref<200xi32, #tpu.memory_space<vmem>>)
    %dma_start3A_306 = arith.constant 0 : i32
    %dma_start3A_307 = arith.constant 0 : i32
    %dma_start3A_308 = tpu.memref_slice %arg10[%dma_start3A_306, %dma_start3A_307] : memref<200x128xf32, #tpu.memory_space<vmem>> -> memref<104x128xf32, #tpu.memory_space<vmem>>
    %dma_start3A_309 = arith.constant 0 : i32
    %dma_start3A_310 = tpu.memref_slice %arg8[%dma_start3A_309] : memref<200xi32, #tpu.memory_space<vmem>> -> memref<104xi32, #tpu.memory_space<vmem>>
    %dma_start3A_311 = arith.constant 0 : i32
    %dma_start3A_312 = arith.constant 0 : i32
    %dma_start3A_313 = tpu.memref_slice %arg3[%dma_start3A_311, %dma_start3A_312] : memref<100000x128xf32, #tpu.memory_space<hbm>> -> memref<100000x128xf32, #tpu.memory_space<hbm>>
    tpu.enqueue_indirect_dma source(%dma_start3A_313 : memref<100000x128xf32, #tpu.memory_space<hbm>>) target(%dma_start3A_308 : memref<104x128xf32, #tpu.memory_space<vmem>>) offsets(%dma_start3A_310 : memref<104xi32, #tpu.memory_space<vmem>>) semaphore(%arg16 : memref<!tpu.dma_semaphore, #tpu.memory_space<semaphore_mem>>)
    %dma_start3A_314 = arith.constant 104 : i32
    %dma_start3A_315 = arith.constant 0 : i32
    %dma_start3A_316 = tpu.memref_slice %arg10[%dma_start3A_314, %dma_start3A_315] : memref<200x128xf32, #tpu.memory_space<vmem>> -> memref<96x128xf32, #tpu.memory_space<vmem>>
    %dma_start3A_317 = arith.constant 104 : i32
    %dma_start3A_318 = tpu.memref_slice %arg8[%dma_start3A_317] : memref<200xi32, #tpu.memory_space<vmem>> -> memref<96xi32, #tpu.memory_space<vmem>>
    %dma_start3A_319 = arith.constant 0 : i32
    %dma_start3A_320 = arith.constant 0 : i32
    %dma_start3A_321 = tpu.memref_slice %arg3[%dma_start3A_319, %dma_start3A_320] : memref<100000x128xf32, #tpu.memory_space<hbm>> -> memref<100000x128xf32, #tpu.memory_space<hbm>>
    tpu.enqueue_indirect_dma source(%dma_start3A_321 : memref<100000x128xf32, #tpu.memory_space<hbm>>) target(%dma_start3A_316 : memref<96x128xf32, #tpu.memory_space<vmem>>) offsets(%dma_start3A_318 : memref<96xi32, #tpu.memory_space<vmem>>) semaphore(%arg16 : memref<!tpu.dma_semaphore, #tpu.memory_space<semaphore_mem>>)
    %dma_wait3A_322 = arith.constant 0 : i32
    %dma_wait3A_323 = arith.constant 0 : i32
    %dma_wait3A_324 = tpu.memref_slice %arg9[%dma_wait3A_322, %dma_wait3A_323] : memref<200x128xf32, #tpu.memory_space<vmem>> -> memref<104x128xf32, #tpu.memory_space<vmem>>
    %dma_wait3A_325 = arith.constant 0 : i32
    %dma_wait3A_326 = tpu.memref_slice %arg7[%dma_wait3A_325] : memref<200xi32, #tpu.memory_space<vmem>> -> memref<104xi32, #tpu.memory_space<vmem>>
    %dma_wait3A_327 = arith.constant 0 : i32
    %dma_wait3A_328 = arith.constant 0 : i32
    %dma_wait3A_329 = tpu.memref_slice %arg3[%dma_wait3A_327, %dma_wait3A_328] : memref<100000x128xf32, #tpu.memory_space<hbm>> -> memref<100000x128xf32, #tpu.memory_space<hbm>>
    tpu.wait_indirect_dma semaphore(%arg15 : memref<!tpu.dma_semaphore, #tpu.memory_space<semaphore_mem>>) src(%dma_wait3A_329 : memref<100000x128xf32, #tpu.memory_space<hbm>>) dst(%dma_wait3A_324 : memref<104x128xf32, #tpu.memory_space<vmem>>)
    %dma_wait3A_330 = arith.constant 104 : i32
    %dma_wait3A_331 = arith.constant 0 : i32
    %dma_wait3A_332 = tpu.memref_slice %arg9[%dma_wait3A_330, %dma_wait3A_331] : memref<200x128xf32, #tpu.memory_space<vmem>> -> memref<96x128xf32, #tpu.memory_space<vmem>>
    %dma_wait3A_333 = arith.constant 104 : i32
    %dma_wait3A_334 = tpu.memref_slice %arg7[%dma_wait3A_333] : memref<200xi32, #tpu.memory_space<vmem>> -> memref<96xi32, #tpu.memory_space<vmem>>
    %dma_wait3A_335 = arith.constant 0 : i32
    %dma_wait3A_336 = arith.constant 0 : i32
    %dma_wait3A_337 = tpu.memref_slice %arg3[%dma_wait3A_335, %dma_wait3A_336] : memref<100000x128xf32, #tpu.memory_space<hbm>> -> memref<100000x128xf32, #tpu.memory_space<hbm>>
    tpu.wait_indirect_dma semaphore(%arg15 : memref<!tpu.dma_semaphore, #tpu.memory_space<semaphore_mem>>) src(%dma_wait3A_337 : memref<100000x128xf32, #tpu.memory_space<hbm>>) dst(%dma_wait3A_332 : memref<96x128xf32, #tpu.memory_space<vmem>>)
    %add3A_338 = arith.constant 126 : i32
    %add3A_339 = arith.addi %mul3A_2, %add3A_338 : i32
    %mul3A_340 = arith.constant 200 : i32
    %mul3A_341 = arith.muli %add3A_339, %mul3A_340 : i32
    %dma_start3A_342 = tpu.memref_slice %arg2[%mul3A_341] : memref<819200xi32, #tpu.memory_space<hbm>> -> memref<200xi32, #tpu.memory_space<hbm>>
    %dma_start3A_343 = tpu.memref_slice %arg2[%mul3A_341] : memref<819200xi32, #tpu.memory_space<hbm>> -> memref<200xi32, #tpu.memory_space<hbm>>
    tpu.enqueue_dma source(%dma_start3A_343 : memref<200xi32, #tpu.memory_space<hbm>>) target(%arg7 : memref<200xi32, #tpu.memory_space<vmem>>) target_semaphore(%arg13 : memref<!tpu.dma_semaphore, #tpu.memory_space<semaphore_mem>>)
    %scan3A_344 = arith.constant 0 : i32
    %scan3A_345 = arith.constant 0 : i32
    %scan3A_346 = arith.constant 200 : i32
    %scan3A_347 = arith.addi %scan3A_345, %scan3A_346 : i32
    %scan3A_348 = arith.constant 1 : i32
    scf.for %scan3A_566 = %scan3A_345 to %scan3A_347 step %scan3A_348  : i32 {
      %mul3A_567 = arith.constant 64 : i32
      %mul3A_568 = arith.muli %scan3A_566, %mul3A_567 : i32
      %add3A_569 = arith.constant 0 : i32
      %add3A_570 = arith.addi %mul3A_568, %add3A_569 : i32
      %get3A = arith.index_cast %add3A_570 : i32 to index
      %get3A_571 = tpu.vector_load %arg6[%get3A] {strides = array<i32>} : memref<12800xf32, #tpu.memory_space<vmem>>, vector<16xf32>,
      %get3A_572 = vector.shape_cast %get3A_571 : vector<16xf32> to vector<16xf32>
      %swap3A = arith.index_cast %scan3A_566 : i32 to index
      %swap3A_573 = arith.constant 0 : index
      %swap3A_574 = tpu.vector_load %arg9[%swap3A, %swap3A_573] {strides = array<i32>} : memref<200x128xf32, #tpu.memory_space<vmem>>, vector<1x16xf32>,
      %swap3A_575 = vector.shape_cast %swap3A_574 : vector<1x16xf32> to vector<16xf32>
      %swap3A_576 = vector.shape_cast %get3A_572 : vector<16xf32> to vector<1x16xf32>
      tpu.vector_store %arg9[%swap3A, %swap3A_573], %swap3A_576 {add = true, strides = array<i32>} : memref<200x128xf32, #tpu.memory_space<vmem>>, vector<1x16xf32>,
      %mul3A_577 = arith.constant 64 : i32
      %mul3A_578 = arith.muli %scan3A_566, %mul3A_577 : i32
      %add3A_579 = arith.constant 16 : i32
      %add3A_580 = arith.addi %mul3A_578, %add3A_579 : i32
      %get3A_581 = arith.index_cast %add3A_580 : i32 to index
      %get3A_582 = tpu.vector_load %arg6[%get3A_581] {strides = array<i32>} : memref<12800xf32, #tpu.memory_space<vmem>>, vector<16xf32>,
      %get3A_583 = vector.shape_cast %get3A_582 : vector<16xf32> to vector<16xf32>
      %swap3A_584 = arith.index_cast %scan3A_566 : i32 to index
      %swap3A_585 = arith.constant 16 : index
      %swap3A_586 = tpu.vector_load %arg9[%swap3A_584, %swap3A_585] {strides = array<i32>} : memref<200x128xf32, #tpu.memory_space<vmem>>, vector<1x16xf32>,
      %swap3A_587 = vector.shape_cast %swap3A_586 : vector<1x16xf32> to vector<16xf32>
      %swap3A_588 = vector.shape_cast %get3A_583 : vector<16xf32> to vector<1x16xf32>
      tpu.vector_store %arg9[%swap3A_584, %swap3A_585], %swap3A_588 {add = true, strides = array<i32>} : memref<200x128xf32, #tpu.memory_space<vmem>>, vector<1x16xf32>,
      %mul3A_589 = arith.constant 64 : i32
      %mul3A_590 = arith.muli %scan3A_566, %mul3A_589 : i32
      %add3A_591 = arith.constant 32 : i32
      %add3A_592 = arith.addi %mul3A_590, %add3A_591 : i32
      %get3A_593 = arith.index_cast %add3A_592 : i32 to index
      %get3A_594 = tpu.vector_load %arg6[%get3A_593] {strides = array<i32>} : memref<12800xf32, #tpu.memory_space<vmem>>, vector<16xf32>,
      %get3A_595 = vector.shape_cast %get3A_594 : vector<16xf32> to vector<16xf32>
      %swap3A_596 = arith.index_cast %scan3A_566 : i32 to index
      %swap3A_597 = arith.constant 32 : index
      %swap3A_598 = tpu.vector_load %arg9[%swap3A_596, %swap3A_597] {strides = array<i32>} : memref<200x128xf32, #tpu.memory_space<vmem>>, vector<1x16xf32>,
      %swap3A_599 = vector.shape_cast %swap3A_598 : vector<1x16xf32> to vector<16xf32>
      %swap3A_600 = vector.shape_cast %get3A_595 : vector<16xf32> to vector<1x16xf32>
      tpu.vector_store %arg9[%swap3A_596, %swap3A_597], %swap3A_600 {add = true, strides = array<i32>} : memref<200x128xf32, #tpu.memory_space<vmem>>, vector<1x16xf32>,
      %mul3A_601 = arith.constant 64 : i32
      %mul3A_602 = arith.muli %scan3A_566, %mul3A_601 : i32
      %add3A_603 = arith.constant 48 : i32
      %add3A_604 = arith.addi %mul3A_602, %add3A_603 : i32
      %get3A_605 = arith.index_cast %add3A_604 : i32 to index
      %get3A_606 = tpu.vector_load %arg6[%get3A_605] {strides = array<i32>} : memref<12800xf32, #tpu.memory_space<vmem>>, vector<16xf32>,
      %get3A_607 = vector.shape_cast %get3A_606 : vector<16xf32> to vector<16xf32>
      %swap3A_608 = arith.index_cast %scan3A_566 : i32 to index
      %swap3A_609 = arith.constant 48 : index
      %swap3A_610 = tpu.vector_load %arg9[%swap3A_608, %swap3A_609] {strides = array<i32>} : memref<200x128xf32, #tpu.memory_space<vmem>>, vector<1x16xf32>,
      %swap3A_611 = vector.shape_cast %swap3A_610 : vector<1x16xf32> to vector<16xf32>
      %swap3A_612 = vector.shape_cast %get3A_607 : vector<16xf32> to vector<1x16xf32>
      tpu.vector_store %arg9[%swap3A_608, %swap3A_609], %swap3A_612 {add = true, strides = array<i32>} : memref<200x128xf32, #tpu.memory_space<vmem>>, vector<1x16xf32>,
    }
    %scan3A_349 = arith.constant 200 : i32
    %add3A_350 = arith.constant 124 : i32
    %add3A_351 = arith.addi %mul3A_2, %add3A_350 : i32
    %dma_start3A_352 = arith.constant 0 : i32
    %dma_start3A_353 = arith.constant 0 : i32
    %dma_start3A_354 = tpu.memref_slice %arg5[%add3A_351, %dma_start3A_352, %dma_start3A_353] : memref<4096x200x128xf32, #tpu.memory_space<hbm>> -> memref<1x200x128xf32, #tpu.memory_space<hbm>>
    %dma_start3A_355 = tpu.memref_squeeze %dma_start3A_354 : memref<1x200x128xf32, #tpu.memory_space<hbm>> -> memref<200x128xf32, #tpu.memory_space<hbm>>
    %dma_start3A_356 = arith.constant 0 : i32
    %dma_start3A_357 = arith.constant 0 : i32
    %dma_start3A_358 = tpu.memref_slice %arg5[%add3A_351, %dma_start3A_356, %dma_start3A_357] : memref<4096x200x128xf32, #tpu.memory_space<hbm>> -> memref<1x200x128xf32, #tpu.memory_space<hbm>>
    %dma_start3A_359 = tpu.memref_squeeze %dma_start3A_358 : memref<1x200x128xf32, #tpu.memory_space<hbm>> -> memref<200x128xf32, #tpu.memory_space<hbm>>
    tpu.enqueue_dma source(%arg9 : memref<200x128xf32, #tpu.memory_space<vmem>>) target(%dma_start3A_359 : memref<200x128xf32, #tpu.memory_space<hbm>>) target_semaphore(%arg19 : memref<!tpu.dma_semaphore, #tpu.memory_space<semaphore_mem>>)
    %add3A_360 = arith.constant 122 : i32
    %add3A_361 = arith.addi %mul3A_2, %add3A_360 : i32
    %dma_wait3A_362 = arith.constant 0 : i32
    %dma_wait3A_363 = arith.constant 0 : i32
    %dma_wait3A_364 = tpu.memref_slice %arg5[%add3A_361, %dma_wait3A_362, %dma_wait3A_363] : memref<4096x200x128xf32, #tpu.memory_space<hbm>> -> memref<1x200x128xf32, #tpu.memory_space<hbm>>
    %dma_wait3A_365 = tpu.memref_squeeze %dma_wait3A_364 : memref<1x200x128xf32, #tpu.memory_space<hbm>> -> memref<200x128xf32, #tpu.memory_space<hbm>>
    %dma_wait3A_366 = arith.constant 0 : i32
    %dma_wait3A_367 = arith.constant 0 : i32
    %dma_wait3A_368 = tpu.memref_slice %arg5[%add3A_361, %dma_wait3A_366, %dma_wait3A_367] : memref<4096x200x128xf32, #tpu.memory_space<hbm>> -> memref<1x200x128xf32, #tpu.memory_space<hbm>>
    %dma_wait3A_369 = tpu.memref_squeeze %dma_wait3A_368 : memref<1x200x128xf32, #tpu.memory_space<hbm>> -> memref<200x128xf32, #tpu.memory_space<hbm>>
    tpu.wait_dma2 semaphore(%arg21 : memref<!tpu.dma_semaphore, #tpu.memory_space<semaphore_mem>>) src(%arg11 : memref<200x128xf32, #tpu.memory_space<vmem>>) dst(%dma_wait3A_369 : memref<200x128xf32, #tpu.memory_space<hbm>>)
    %add3A_370 = arith.constant 126 : i32
    %add3A_371 = arith.addi %mul3A_2, %add3A_370 : i32
    %mul3A_372 = arith.constant 200 : i32
    %mul3A_373 = arith.muli %add3A_371, %mul3A_372 : i32
    %dma_wait3A_374 = tpu.memref_slice %arg2[%mul3A_373] : memref<819200xi32, #tpu.memory_space<hbm>> -> memref<200xi32, #tpu.memory_space<hbm>>
    %dma_wait3A_375 = tpu.memref_slice %arg2[%mul3A_373] : memref<819200xi32, #tpu.memory_space<hbm>> -> memref<200xi32, #tpu.memory_space<hbm>>
    tpu.wait_dma2 semaphore(%arg13 : memref<!tpu.dma_semaphore, #tpu.memory_space<semaphore_mem>>) src(%dma_wait3A_375 : memref<200xi32, #tpu.memory_space<hbm>>) dst(%arg7 : memref<200xi32, #tpu.memory_space<vmem>>)
    %dma_start3A_376 = arith.constant 0 : i32
    %dma_start3A_377 = arith.constant 0 : i32
    %dma_start3A_378 = tpu.memref_slice %arg11[%dma_start3A_376, %dma_start3A_377] : memref<200x128xf32, #tpu.memory_space<vmem>> -> memref<104x128xf32, #tpu.memory_space<vmem>>
    %dma_start3A_379 = arith.constant 0 : i32
    %dma_start3A_380 = tpu.memref_slice %arg7[%dma_start3A_379] : memref<200xi32, #tpu.memory_space<vmem>> -> memref<104xi32, #tpu.memory_space<vmem>>
    %dma_start3A_381 = arith.constant 0 : i32
    %dma_start3A_382 = arith.constant 0 : i32
    %dma_start3A_383 = tpu.memref_slice %arg3[%dma_start3A_381, %dma_start3A_382] : memref<100000x128xf32, #tpu.memory_space<hbm>> -> memref<100000x128xf32, #tpu.memory_space<hbm>>
    tpu.enqueue_indirect_dma source(%dma_start3A_383 : memref<100000x128xf32, #tpu.memory_space<hbm>>) target(%dma_start3A_378 : memref<104x128xf32, #tpu.memory_space<vmem>>) offsets(%dma_start3A_380 : memref<104xi32, #tpu.memory_space<vmem>>) semaphore(%arg17 : memref<!tpu.dma_semaphore, #tpu.memory_space<semaphore_mem>>)
    %dma_start3A_384 = arith.constant 104 : i32
    %dma_start3A_385 = arith.constant 0 : i32
    %dma_start3A_386 = tpu.memref_slice %arg11[%dma_start3A_384, %dma_start3A_385] : memref<200x128xf32, #tpu.memory_space<vmem>> -> memref<96x128xf32, #tpu.memory_space<vmem>>
    %dma_start3A_387 = arith.constant 104 : i32
    %dma_start3A_388 = tpu.memref_slice %arg7[%dma_start3A_387] : memref<200xi32, #tpu.memory_space<vmem>> -> memref<96xi32, #tpu.memory_space<vmem>>
    %dma_start3A_389 = arith.constant 0 : i32
    %dma_start3A_390 = arith.constant 0 : i32
    %dma_start3A_391 = tpu.memref_slice %arg3[%dma_start3A_389, %dma_start3A_390] : memref<100000x128xf32, #tpu.memory_space<hbm>> -> memref<100000x128xf32, #tpu.memory_space<hbm>>
    tpu.enqueue_indirect_dma source(%dma_start3A_391 : memref<100000x128xf32, #tpu.memory_space<hbm>>) target(%dma_start3A_386 : memref<96x128xf32, #tpu.memory_space<vmem>>) offsets(%dma_start3A_388 : memref<96xi32, #tpu.memory_space<vmem>>) semaphore(%arg17 : memref<!tpu.dma_semaphore, #tpu.memory_space<semaphore_mem>>)
    %dma_wait3A_392 = arith.constant 0 : i32
    %dma_wait3A_393 = arith.constant 0 : i32
    %dma_wait3A_394 = tpu.memref_slice %arg10[%dma_wait3A_392, %dma_wait3A_393] : memref<200x128xf32, #tpu.memory_space<vmem>> -> memref<104x128xf32, #tpu.memory_space<vmem>>
    %dma_wait3A_395 = arith.constant 0 : i32
    %dma_wait3A_396 = tpu.memref_slice %arg8[%dma_wait3A_395] : memref<200xi32, #tpu.memory_space<vmem>> -> memref<104xi32, #tpu.memory_space<vmem>>
    %dma_wait3A_397 = arith.constant 0 : i32
    %dma_wait3A_398 = arith.constant 0 : i32
    %dma_wait3A_399 = tpu.memref_slice %arg3[%dma_wait3A_397, %dma_wait3A_398] : memref<100000x128xf32, #tpu.memory_space<hbm>> -> memref<100000x128xf32, #tpu.memory_space<hbm>>
    tpu.wait_indirect_dma semaphore(%arg16 : memref<!tpu.dma_semaphore, #tpu.memory_space<semaphore_mem>>) src(%dma_wait3A_399 : memref<100000x128xf32, #tpu.memory_space<hbm>>) dst(%dma_wait3A_394 : memref<104x128xf32, #tpu.memory_space<vmem>>)
    %dma_wait3A_400 = arith.constant 104 : i32
    %dma_wait3A_401 = arith.constant 0 : i32
    %dma_wait3A_402 = tpu.memref_slice %arg10[%dma_wait3A_400, %dma_wait3A_401] : memref<200x128xf32, #tpu.memory_space<vmem>> -> memref<96x128xf32, #tpu.memory_space<vmem>>
    %dma_wait3A_403 = arith.constant 104 : i32
    %dma_wait3A_404 = tpu.memref_slice %arg8[%dma_wait3A_403] : memref<200xi32, #tpu.memory_space<vmem>> -> memref<96xi32, #tpu.memory_space<vmem>>
    %dma_wait3A_405 = arith.constant 0 : i32
    %dma_wait3A_406 = arith.constant 0 : i32
    %dma_wait3A_407 = tpu.memref_slice %arg3[%dma_wait3A_405, %dma_wait3A_406] : memref<100000x128xf32, #tpu.memory_space<hbm>> -> memref<100000x128xf32, #tpu.memory_space<hbm>>
    tpu.wait_indirect_dma semaphore(%arg16 : memref<!tpu.dma_semaphore, #tpu.memory_space<semaphore_mem>>) src(%dma_wait3A_407 : memref<100000x128xf32, #tpu.memory_space<hbm>>) dst(%dma_wait3A_402 : memref<96x128xf32, #tpu.memory_space<vmem>>)
    %add3A_408 = arith.constant 127 : i32
    %add3A_409 = arith.addi %mul3A_2, %add3A_408 : i32
    %mul3A_410 = arith.constant 200 : i32
    %mul3A_411 = arith.muli %add3A_409, %mul3A_410 : i32
    %dma_start3A_412 = tpu.memref_slice %arg2[%mul3A_411] : memref<819200xi32, #tpu.memory_space<hbm>> -> memref<200xi32, #tpu.memory_space<hbm>>
    %dma_start3A_413 = tpu.memref_slice %arg2[%mul3A_411] : memref<819200xi32, #tpu.memory_space<hbm>> -> memref<200xi32, #tpu.memory_space<hbm>>
    tpu.enqueue_dma source(%dma_start3A_413 : memref<200xi32, #tpu.memory_space<hbm>>) target(%arg8 : memref<200xi32, #tpu.memory_space<vmem>>) target_semaphore(%arg14 : memref<!tpu.dma_semaphore, #tpu.memory_space<semaphore_mem>>)
    %scan3A_414 = arith.constant 0 : i32
    %scan3A_415 = arith.constant 0 : i32
    %scan3A_416 = arith.constant 200 : i32
    %scan3A_417 = arith.addi %scan3A_415, %scan3A_416 : i32
    %scan3A_418 = arith.constant 1 : i32
    scf.for %scan3A_566 = %scan3A_415 to %scan3A_417 step %scan3A_418  : i32 {
      %mul3A_567 = arith.constant 64 : i32
      %mul3A_568 = arith.muli %scan3A_566, %mul3A_567 : i32
      %add3A_569 = arith.constant 0 : i32
      %add3A_570 = arith.addi %mul3A_568, %add3A_569 : i32
      %get3A = arith.index_cast %add3A_570 : i32 to index
      %get3A_571 = tpu.vector_load %arg6[%get3A] {strides = array<i32>} : memref<12800xf32, #tpu.memory_space<vmem>>, vector<16xf32>,
      %get3A_572 = vector.shape_cast %get3A_571 : vector<16xf32> to vector<16xf32>
      %swap3A = arith.index_cast %scan3A_566 : i32 to index
      %swap3A_573 = arith.constant 0 : index
      %swap3A_574 = tpu.vector_load %arg10[%swap3A, %swap3A_573] {strides = array<i32>} : memref<200x128xf32, #tpu.memory_space<vmem>>, vector<1x16xf32>,
      %swap3A_575 = vector.shape_cast %swap3A_574 : vector<1x16xf32> to vector<16xf32>
      %swap3A_576 = vector.shape_cast %get3A_572 : vector<16xf32> to vector<1x16xf32>
      tpu.vector_store %arg10[%swap3A, %swap3A_573], %swap3A_576 {add = true, strides = array<i32>} : memref<200x128xf32, #tpu.memory_space<vmem>>, vector<1x16xf32>,
      %mul3A_577 = arith.constant 64 : i32
      %mul3A_578 = arith.muli %scan3A_566, %mul3A_577 : i32
      %add3A_579 = arith.constant 16 : i32
      %add3A_580 = arith.addi %mul3A_578, %add3A_579 : i32
      %get3A_581 = arith.index_cast %add3A_580 : i32 to index
      %get3A_582 = tpu.vector_load %arg6[%get3A_581] {strides = array<i32>} : memref<12800xf32, #tpu.memory_space<vmem>>, vector<16xf32>,
      %get3A_583 = vector.shape_cast %get3A_582 : vector<16xf32> to vector<16xf32>
      %swap3A_584 = arith.index_cast %scan3A_566 : i32 to index
      %swap3A_585 = arith.constant 16 : index
      %swap3A_586 = tpu.vector_load %arg10[%swap3A_584, %swap3A_585] {strides = array<i32>} : memref<200x128xf32, #tpu.memory_space<vmem>>, vector<1x16xf32>,
      %swap3A_587 = vector.shape_cast %swap3A_586 : vector<1x16xf32> to vector<16xf32>
      %swap3A_588 = vector.shape_cast %get3A_583 : vector<16xf32> to vector<1x16xf32>
      tpu.vector_store %arg10[%swap3A_584, %swap3A_585], %swap3A_588 {add = true, strides = array<i32>} : memref<200x128xf32, #tpu.memory_space<vmem>>, vector<1x16xf32>,
      %mul3A_589 = arith.constant 64 : i32
      %mul3A_590 = arith.muli %scan3A_566, %mul3A_589 : i32
      %add3A_591 = arith.constant 32 : i32
      %add3A_592 = arith.addi %mul3A_590, %add3A_591 : i32
      %get3A_593 = arith.index_cast %add3A_592 : i32 to index
      %get3A_594 = tpu.vector_load %arg6[%get3A_593] {strides = array<i32>} : memref<12800xf32, #tpu.memory_space<vmem>>, vector<16xf32>,
      %get3A_595 = vector.shape_cast %get3A_594 : vector<16xf32> to vector<16xf32>
      %swap3A_596 = arith.index_cast %scan3A_566 : i32 to index
      %swap3A_597 = arith.constant 32 : index
      %swap3A_598 = tpu.vector_load %arg10[%swap3A_596, %swap3A_597] {strides = array<i32>} : memref<200x128xf32, #tpu.memory_space<vmem>>, vector<1x16xf32>,
      %swap3A_599 = vector.shape_cast %swap3A_598 : vector<1x16xf32> to vector<16xf32>
      %swap3A_600 = vector.shape_cast %get3A_595 : vector<16xf32> to vector<1x16xf32>
      tpu.vector_store %arg10[%swap3A_596, %swap3A_597], %swap3A_600 {add = true, strides = array<i32>} : memref<200x128xf32, #tpu.memory_space<vmem>>, vector<1x16xf32>,
      %mul3A_601 = arith.constant 64 : i32
      %mul3A_602 = arith.muli %scan3A_566, %mul3A_601 : i32
      %add3A_603 = arith.constant 48 : i32
      %add3A_604 = arith.addi %mul3A_602, %add3A_603 : i32
      %get3A_605 = arith.index_cast %add3A_604 : i32 to index
      %get3A_606 = tpu.vector_load %arg6[%get3A_605] {strides = array<i32>} : memref<12800xf32, #tpu.memory_space<vmem>>, vector<16xf32>,
      %get3A_607 = vector.shape_cast %get3A_606 : vector<16xf32> to vector<16xf32>
      %swap3A_608 = arith.index_cast %scan3A_566 : i32 to index
      %swap3A_609 = arith.constant 48 : index
      %swap3A_610 = tpu.vector_load %arg10[%swap3A_608, %swap3A_609] {strides = array<i32>} : memref<200x128xf32, #tpu.memory_space<vmem>>, vector<1x16xf32>,
      %swap3A_611 = vector.shape_cast %swap3A_610 : vector<1x16xf32> to vector<16xf32>
      %swap3A_612 = vector.shape_cast %get3A_607 : vector<16xf32> to vector<1x16xf32>
      tpu.vector_store %arg10[%swap3A_608, %swap3A_609], %swap3A_612 {add = true, strides = array<i32>} : memref<200x128xf32, #tpu.memory_space<vmem>>, vector<1x16xf32>,
    }
    %scan3A_419 = arith.constant 200 : i32
    %add3A_420 = arith.constant 125 : i32
    %add3A_421 = arith.addi %mul3A_2, %add3A_420 : i32
    %dma_start3A_422 = arith.constant 0 : i32
    %dma_start3A_423 = arith.constant 0 : i32
    %dma_start3A_424 = tpu.memref_slice %arg5[%add3A_421, %dma_start3A_422, %dma_start3A_423] : memref<4096x200x128xf32, #tpu.memory_space<hbm>> -> memref<1x200x128xf32, #tpu.memory_space<hbm>>
    %dma_start3A_425 = tpu.memref_squeeze %dma_start3A_424 : memref<1x200x128xf32, #tpu.memory_space<hbm>> -> memref<200x128xf32, #tpu.memory_space<hbm>>
    %dma_start3A_426 = arith.constant 0 : i32
    %dma_start3A_427 = arith.constant 0 : i32
    %dma_start3A_428 = tpu.memref_slice %arg5[%add3A_421, %dma_start3A_426, %dma_start3A_427] : memref<4096x200x128xf32, #tpu.memory_space<hbm>> -> memref<1x200x128xf32, #tpu.memory_space<hbm>>
    %dma_start3A_429 = tpu.memref_squeeze %dma_start3A_428 : memref<1x200x128xf32, #tpu.memory_space<hbm>> -> memref<200x128xf32, #tpu.memory_space<hbm>>
    tpu.enqueue_dma source(%arg10 : memref<200x128xf32, #tpu.memory_space<vmem>>) target(%dma_start3A_429 : memref<200x128xf32, #tpu.memory_space<hbm>>) target_semaphore(%arg20 : memref<!tpu.dma_semaphore, #tpu.memory_space<semaphore_mem>>)
    %add3A_430 = arith.constant 123 : i32
    %add3A_431 = arith.addi %mul3A_2, %add3A_430 : i32
    %dma_wait3A_432 = arith.constant 0 : i32
    %dma_wait3A_433 = arith.constant 0 : i32
    %dma_wait3A_434 = tpu.memref_slice %arg5[%add3A_431, %dma_wait3A_432, %dma_wait3A_433] : memref<4096x200x128xf32, #tpu.memory_space<hbm>> -> memref<1x200x128xf32, #tpu.memory_space<hbm>>
    %dma_wait3A_435 = tpu.memref_squeeze %dma_wait3A_434 : memref<1x200x128xf32, #tpu.memory_space<hbm>> -> memref<200x128xf32, #tpu.memory_space<hbm>>
    %dma_wait3A_436 = arith.constant 0 : i32
    %dma_wait3A_437 = arith.constant 0 : i32
    %dma_wait3A_438 = tpu.memref_slice %arg5[%add3A_431, %dma_wait3A_436, %dma_wait3A_437] : memref<4096x200x128xf32, #tpu.memory_space<hbm>> -> memref<1x200x128xf32, #tpu.memory_space<hbm>>
    %dma_wait3A_439 = tpu.memref_squeeze %dma_wait3A_438 : memref<1x200x128xf32, #tpu.memory_space<hbm>> -> memref<200x128xf32, #tpu.memory_space<hbm>>
    tpu.wait_dma2 semaphore(%arg22 : memref<!tpu.dma_semaphore, #tpu.memory_space<semaphore_mem>>) src(%arg12 : memref<200x128xf32, #tpu.memory_space<vmem>>) dst(%dma_wait3A_439 : memref<200x128xf32, #tpu.memory_space<hbm>>)
    %add3A_440 = arith.constant 127 : i32
    %add3A_441 = arith.addi %mul3A_2, %add3A_440 : i32
    %mul3A_442 = arith.constant 200 : i32
    %mul3A_443 = arith.muli %add3A_441, %mul3A_442 : i32
    %dma_wait3A_444 = tpu.memref_slice %arg2[%mul3A_443] : memref<819200xi32, #tpu.memory_space<hbm>> -> memref<200xi32, #tpu.memory_space<hbm>>
    %dma_wait3A_445 = tpu.memref_slice %arg2[%mul3A_443] : memref<819200xi32, #tpu.memory_space<hbm>> -> memref<200xi32, #tpu.memory_space<hbm>>
    tpu.wait_dma2 semaphore(%arg14 : memref<!tpu.dma_semaphore, #tpu.memory_space<semaphore_mem>>) src(%dma_wait3A_445 : memref<200xi32, #tpu.memory_space<hbm>>) dst(%arg8 : memref<200xi32, #tpu.memory_space<vmem>>)
    %dma_start3A_446 = arith.constant 0 : i32
    %dma_start3A_447 = arith.constant 0 : i32
    %dma_start3A_448 = tpu.memref_slice %arg12[%dma_start3A_446, %dma_start3A_447] : memref<200x128xf32, #tpu.memory_space<vmem>> -> memref<104x128xf32, #tpu.memory_space<vmem>>
    %dma_start3A_449 = arith.constant 0 : i32
    %dma_start3A_450 = tpu.memref_slice %arg8[%dma_start3A_449] : memref<200xi32, #tpu.memory_space<vmem>> -> memref<104xi32, #tpu.memory_space<vmem>>
    %dma_start3A_451 = arith.constant 0 : i32
    %dma_start3A_452 = arith.constant 0 : i32
    %dma_start3A_453 = tpu.memref_slice %arg3[%dma_start3A_451, %dma_start3A_452] : memref<100000x128xf32, #tpu.memory_space<hbm>> -> memref<100000x128xf32, #tpu.memory_space<hbm>>
    tpu.enqueue_indirect_dma source(%dma_start3A_453 : memref<100000x128xf32, #tpu.memory_space<hbm>>) target(%dma_start3A_448 : memref<104x128xf32, #tpu.memory_space<vmem>>) offsets(%dma_start3A_450 : memref<104xi32, #tpu.memory_space<vmem>>) semaphore(%arg18 : memref<!tpu.dma_semaphore, #tpu.memory_space<semaphore_mem>>)
    %dma_start3A_454 = arith.constant 104 : i32
    %dma_start3A_455 = arith.constant 0 : i32
    %dma_start3A_456 = tpu.memref_slice %arg12[%dma_start3A_454, %dma_start3A_455] : memref<200x128xf32, #tpu.memory_space<vmem>> -> memref<96x128xf32, #tpu.memory_space<vmem>>
    %dma_start3A_457 = arith.constant 104 : i32
    %dma_start3A_458 = tpu.memref_slice %arg8[%dma_start3A_457] : memref<200xi32, #tpu.memory_space<vmem>> -> memref<96xi32, #tpu.memory_space<vmem>>
    %dma_start3A_459 = arith.constant 0 : i32
    %dma_start3A_460 = arith.constant 0 : i32
    %dma_start3A_461 = tpu.memref_slice %arg3[%dma_start3A_459, %dma_start3A_460] : memref<100000x128xf32, #tpu.memory_space<hbm>> -> memref<100000x128xf32, #tpu.memory_space<hbm>>
    tpu.enqueue_indirect_dma source(%dma_start3A_461 : memref<100000x128xf32, #tpu.memory_space<hbm>>) target(%dma_start3A_456 : memref<96x128xf32, #tpu.memory_space<vmem>>) offsets(%dma_start3A_458 : memref<96xi32, #tpu.memory_space<vmem>>) semaphore(%arg18 : memref<!tpu.dma_semaphore, #tpu.memory_space<semaphore_mem>>)
    %dma_wait3A_462 = arith.constant 0 : i32
    %dma_wait3A_463 = arith.constant 0 : i32
    %dma_wait3A_464 = tpu.memref_slice %arg11[%dma_wait3A_462, %dma_wait3A_463] : memref<200x128xf32, #tpu.memory_space<vmem>> -> memref<104x128xf32, #tpu.memory_space<vmem>>
    %dma_wait3A_465 = arith.constant 0 : i32
    %dma_wait3A_466 = tpu.memref_slice %arg7[%dma_wait3A_465] : memref<200xi32, #tpu.memory_space<vmem>> -> memref<104xi32, #tpu.memory_space<vmem>>
    %dma_wait3A_467 = arith.constant 0 : i32
    %dma_wait3A_468 = arith.constant 0 : i32
    %dma_wait3A_469 = tpu.memref_slice %arg3[%dma_wait3A_467, %dma_wait3A_468] : memref<100000x128xf32, #tpu.memory_space<hbm>> -> memref<100000x128xf32, #tpu.memory_space<hbm>>
    tpu.wait_indirect_dma semaphore(%arg17 : memref<!tpu.dma_semaphore, #tpu.memory_space<semaphore_mem>>) src(%dma_wait3A_469 : memref<100000x128xf32, #tpu.memory_space<hbm>>) dst(%dma_wait3A_464 : memref<104x128xf32, #tpu.memory_space<vmem>>)
    %dma_wait3A_470 = arith.constant 104 : i32
    %dma_wait3A_471 = arith.constant 0 : i32
    %dma_wait3A_472 = tpu.memref_slice %arg11[%dma_wait3A_470, %dma_wait3A_471] : memref<200x128xf32, #tpu.memory_space<vmem>> -> memref<96x128xf32, #tpu.memory_space<vmem>>
    %dma_wait3A_473 = arith.constant 104 : i32
    %dma_wait3A_474 = tpu.memref_slice %arg7[%dma_wait3A_473] : memref<200xi32, #tpu.memory_space<vmem>> -> memref<96xi32, #tpu.memory_space<vmem>>
    %dma_wait3A_475 = arith.constant 0 : i32
    %dma_wait3A_476 = arith.constant 0 : i32
    %dma_wait3A_477 = tpu.memref_slice %arg3[%dma_wait3A_475, %dma_wait3A_476] : memref<100000x128xf32, #tpu.memory_space<hbm>> -> memref<100000x128xf32, #tpu.memory_space<hbm>>
    tpu.wait_indirect_dma semaphore(%arg17 : memref<!tpu.dma_semaphore, #tpu.memory_space<semaphore_mem>>) src(%dma_wait3A_477 : memref<100000x128xf32, #tpu.memory_space<hbm>>) dst(%dma_wait3A_472 : memref<96x128xf32, #tpu.memory_space<vmem>>)
    %scan3A_478 = arith.constant 0 : i32
    %scan3A_479 = arith.constant 0 : i32
    %scan3A_480 = arith.constant 200 : i32
    %scan3A_481 = arith.addi %scan3A_479, %scan3A_480 : i32
    %scan3A_482 = arith.constant 1 : i32
    scf.for %scan3A_566 = %scan3A_479 to %scan3A_481 step %scan3A_482  : i32 {
      %mul3A_567 = arith.constant 64 : i32
      %mul3A_568 = arith.muli %scan3A_566, %mul3A_567 : i32
      %add3A_569 = arith.constant 0 : i32
      %add3A_570 = arith.addi %mul3A_568, %add3A_569 : i32
      %get3A = arith.index_cast %add3A_570 : i32 to index
      %get3A_571 = tpu.vector_load %arg6[%get3A] {strides = array<i32>} : memref<12800xf32, #tpu.memory_space<vmem>>, vector<16xf32>,
      %get3A_572 = vector.shape_cast %get3A_571 : vector<16xf32> to vector<16xf32>
      %swap3A = arith.index_cast %scan3A_566 : i32 to index
      %swap3A_573 = arith.constant 0 : index
      %swap3A_574 = tpu.vector_load %arg11[%swap3A, %swap3A_573] {strides = array<i32>} : memref<200x128xf32, #tpu.memory_space<vmem>>, vector<1x16xf32>,
      %swap3A_575 = vector.shape_cast %swap3A_574 : vector<1x16xf32> to vector<16xf32>
      %swap3A_576 = vector.shape_cast %get3A_572 : vector<16xf32> to vector<1x16xf32>
      tpu.vector_store %arg11[%swap3A, %swap3A_573], %swap3A_576 {add = true, strides = array<i32>} : memref<200x128xf32, #tpu.memory_space<vmem>>, vector<1x16xf32>,
      %mul3A_577 = arith.constant 64 : i32
      %mul3A_578 = arith.muli %scan3A_566, %mul3A_577 : i32
      %add3A_579 = arith.constant 16 : i32
      %add3A_580 = arith.addi %mul3A_578, %add3A_579 : i32
      %get3A_581 = arith.index_cast %add3A_580 : i32 to index
      %get3A_582 = tpu.vector_load %arg6[%get3A_581] {strides = array<i32>} : memref<12800xf32, #tpu.memory_space<vmem>>, vector<16xf32>,
      %get3A_583 = vector.shape_cast %get3A_582 : vector<16xf32> to vector<16xf32>
      %swap3A_584 = arith.index_cast %scan3A_566 : i32 to index
      %swap3A_585 = arith.constant 16 : index
      %swap3A_586 = tpu.vector_load %arg11[%swap3A_584, %swap3A_585] {strides = array<i32>} : memref<200x128xf32, #tpu.memory_space<vmem>>, vector<1x16xf32>,
      %swap3A_587 = vector.shape_cast %swap3A_586 : vector<1x16xf32> to vector<16xf32>
      %swap3A_588 = vector.shape_cast %get3A_583 : vector<16xf32> to vector<1x16xf32>
      tpu.vector_store %arg11[%swap3A_584, %swap3A_585], %swap3A_588 {add = true, strides = array<i32>} : memref<200x128xf32, #tpu.memory_space<vmem>>, vector<1x16xf32>,
      %mul3A_589 = arith.constant 64 : i32
      %mul3A_590 = arith.muli %scan3A_566, %mul3A_589 : i32
      %add3A_591 = arith.constant 32 : i32
      %add3A_592 = arith.addi %mul3A_590, %add3A_591 : i32
      %get3A_593 = arith.index_cast %add3A_592 : i32 to index
      %get3A_594 = tpu.vector_load %arg6[%get3A_593] {strides = array<i32>} : memref<12800xf32, #tpu.memory_space<vmem>>, vector<16xf32>,
      %get3A_595 = vector.shape_cast %get3A_594 : vector<16xf32> to vector<16xf32>
      %swap3A_596 = arith.index_cast %scan3A_566 : i32 to index
      %swap3A_597 = arith.constant 32 : index
      %swap3A_598 = tpu.vector_load %arg11[%swap3A_596, %swap3A_597] {strides = array<i32>} : memref<200x128xf32, #tpu.memory_space<vmem>>, vector<1x16xf32>,
      %swap3A_599 = vector.shape_cast %swap3A_598 : vector<1x16xf32> to vector<16xf32>
      %swap3A_600 = vector.shape_cast %get3A_595 : vector<16xf32> to vector<1x16xf32>
      tpu.vector_store %arg11[%swap3A_596, %swap3A_597], %swap3A_600 {add = true, strides = array<i32>} : memref<200x128xf32, #tpu.memory_space<vmem>>, vector<1x16xf32>,
      %mul3A_601 = arith.constant 64 : i32
      %mul3A_602 = arith.muli %scan3A_566, %mul3A_601 : i32
      %add3A_603 = arith.constant 48 : i32
      %add3A_604 = arith.addi %mul3A_602, %add3A_603 : i32
      %get3A_605 = arith.index_cast %add3A_604 : i32 to index
      %get3A_606 = tpu.vector_load %arg6[%get3A_605] {strides = array<i32>} : memref<12800xf32, #tpu.memory_space<vmem>>, vector<16xf32>,
      %get3A_607 = vector.shape_cast %get3A_606 : vector<16xf32> to vector<16xf32>
      %swap3A_608 = arith.index_cast %scan3A_566 : i32 to index
      %swap3A_609 = arith.constant 48 : index
      %swap3A_610 = tpu.vector_load %arg11[%swap3A_608, %swap3A_609] {strides = array<i32>} : memref<200x128xf32, #tpu.memory_space<vmem>>, vector<1x16xf32>,
      %swap3A_611 = vector.shape_cast %swap3A_610 : vector<1x16xf32> to vector<16xf32>
      %swap3A_612 = vector.shape_cast %get3A_607 : vector<16xf32> to vector<1x16xf32>
      tpu.vector_store %arg11[%swap3A_608, %swap3A_609], %swap3A_612 {add = true, strides = array<i32>} : memref<200x128xf32, #tpu.memory_space<vmem>>, vector<1x16xf32>,
    }
    %scan3A_483 = arith.constant 200 : i32
    %add3A_484 = arith.constant 126 : i32
    %add3A_485 = arith.addi %mul3A_2, %add3A_484 : i32
    %dma_start3A_486 = arith.constant 0 : i32
    %dma_start3A_487 = arith.constant 0 : i32
    %dma_start3A_488 = tpu.memref_slice %arg5[%add3A_485, %dma_start3A_486, %dma_start3A_487] : memref<4096x200x128xf32, #tpu.memory_space<hbm>> -> memref<1x200x128xf32, #tpu.memory_space<hbm>>
    %dma_start3A_489 = tpu.memref_squeeze %dma_start3A_488 : memref<1x200x128xf32, #tpu.memory_space<hbm>> -> memref<200x128xf32, #tpu.memory_space<hbm>>
    %dma_start3A_490 = arith.constant 0 : i32
    %dma_start3A_491 = arith.constant 0 : i32
    %dma_start3A_492 = tpu.memref_slice %arg5[%add3A_485, %dma_start3A_490, %dma_start3A_491] : memref<4096x200x128xf32, #tpu.memory_space<hbm>> -> memref<1x200x128xf32, #tpu.memory_space<hbm>>
    %dma_start3A_493 = tpu.memref_squeeze %dma_start3A_492 : memref<1x200x128xf32, #tpu.memory_space<hbm>> -> memref<200x128xf32, #tpu.memory_space<hbm>>
    tpu.enqueue_dma source(%arg11 : memref<200x128xf32, #tpu.memory_space<vmem>>) target(%dma_start3A_493 : memref<200x128xf32, #tpu.memory_space<hbm>>) target_semaphore(%arg21 : memref<!tpu.dma_semaphore, #tpu.memory_space<semaphore_mem>>)
    %dma_wait3A_494 = arith.constant 0 : i32
    %dma_wait3A_495 = arith.constant 0 : i32
    %dma_wait3A_496 = tpu.memref_slice %arg12[%dma_wait3A_494, %dma_wait3A_495] : memref<200x128xf32, #tpu.memory_space<vmem>> -> memref<104x128xf32, #tpu.memory_space<vmem>>
    %dma_wait3A_497 = arith.constant 0 : i32
    %dma_wait3A_498 = tpu.memref_slice %arg8[%dma_wait3A_497] : memref<200xi32, #tpu.memory_space<vmem>> -> memref<104xi32, #tpu.memory_space<vmem>>
    %dma_wait3A_499 = arith.constant 0 : i32
    %dma_wait3A_500 = arith.constant 0 : i32
    %dma_wait3A_501 = tpu.memref_slice %arg3[%dma_wait3A_499, %dma_wait3A_500] : memref<100000x128xf32, #tpu.memory_space<hbm>> -> memref<100000x128xf32, #tpu.memory_space<hbm>>
    tpu.wait_indirect_dma semaphore(%arg18 : memref<!tpu.dma_semaphore, #tpu.memory_space<semaphore_mem>>) src(%dma_wait3A_501 : memref<100000x128xf32, #tpu.memory_space<hbm>>) dst(%dma_wait3A_496 : memref<104x128xf32, #tpu.memory_space<vmem>>)
    %dma_wait3A_502 = arith.constant 104 : i32
    %dma_wait3A_503 = arith.constant 0 : i32
    %dma_wait3A_504 = tpu.memref_slice %arg12[%dma_wait3A_502, %dma_wait3A_503] : memref<200x128xf32, #tpu.memory_space<vmem>> -> memref<96x128xf32, #tpu.memory_space<vmem>>
    %dma_wait3A_505 = arith.constant 104 : i32
    %dma_wait3A_506 = tpu.memref_slice %arg8[%dma_wait3A_505] : memref<200xi32, #tpu.memory_space<vmem>> -> memref<96xi32, #tpu.memory_space<vmem>>
    %dma_wait3A_507 = arith.constant 0 : i32
    %dma_wait3A_508 = arith.constant 0 : i32
    %dma_wait3A_509 = tpu.memref_slice %arg3[%dma_wait3A_507, %dma_wait3A_508] : memref<100000x128xf32, #tpu.memory_space<hbm>> -> memref<100000x128xf32, #tpu.memory_space<hbm>>
    tpu.wait_indirect_dma semaphore(%arg18 : memref<!tpu.dma_semaphore, #tpu.memory_space<semaphore_mem>>) src(%dma_wait3A_509 : memref<100000x128xf32, #tpu.memory_space<hbm>>) dst(%dma_wait3A_504 : memref<96x128xf32, #tpu.memory_space<vmem>>)
    %scan3A_510 = arith.constant 0 : i32
    %scan3A_511 = arith.constant 0 : i32
    %scan3A_512 = arith.constant 200 : i32
    %scan3A_513 = arith.addi %scan3A_511, %scan3A_512 : i32
    %scan3A_514 = arith.constant 1 : i32
    scf.for %scan3A_566 = %scan3A_511 to %scan3A_513 step %scan3A_514  : i32 {
      %mul3A_567 = arith.constant 64 : i32
      %mul3A_568 = arith.muli %scan3A_566, %mul3A_567 : i32
      %add3A_569 = arith.constant 0 : i32
      %add3A_570 = arith.addi %mul3A_568, %add3A_569 : i32
      %get3A = arith.index_cast %add3A_570 : i32 to index
      %get3A_571 = tpu.vector_load %arg6[%get3A] {strides = array<i32>} : memref<12800xf32, #tpu.memory_space<vmem>>, vector<16xf32>,
      %get3A_572 = vector.shape_cast %get3A_571 : vector<16xf32> to vector<16xf32>
      %swap3A = arith.index_cast %scan3A_566 : i32 to index
      %swap3A_573 = arith.constant 0 : index
      %swap3A_574 = tpu.vector_load %arg12[%swap3A, %swap3A_573] {strides = array<i32>} : memref<200x128xf32, #tpu.memory_space<vmem>>, vector<1x16xf32>,
      %swap3A_575 = vector.shape_cast %swap3A_574 : vector<1x16xf32> to vector<16xf32>
      %swap3A_576 = vector.shape_cast %get3A_572 : vector<16xf32> to vector<1x16xf32>
      tpu.vector_store %arg12[%swap3A, %swap3A_573], %swap3A_576 {add = true, strides = array<i32>} : memref<200x128xf32, #tpu.memory_space<vmem>>, vector<1x16xf32>,
      %mul3A_577 = arith.constant 64 : i32
      %mul3A_578 = arith.muli %scan3A_566, %mul3A_577 : i32
      %add3A_579 = arith.constant 16 : i32
      %add3A_580 = arith.addi %mul3A_578, %add3A_579 : i32
      %get3A_581 = arith.index_cast %add3A_580 : i32 to index
      %get3A_582 = tpu.vector_load %arg6[%get3A_581] {strides = array<i32>} : memref<12800xf32, #tpu.memory_space<vmem>>, vector<16xf32>,
      %get3A_583 = vector.shape_cast %get3A_582 : vector<16xf32> to vector<16xf32>
      %swap3A_584 = arith.index_cast %scan3A_566 : i32 to index
      %swap3A_585 = arith.constant 16 : index
      %swap3A_586 = tpu.vector_load %arg12[%swap3A_584, %swap3A_585] {strides = array<i32>} : memref<200x128xf32, #tpu.memory_space<vmem>>, vector<1x16xf32>,
      %swap3A_587 = vector.shape_cast %swap3A_586 : vector<1x16xf32> to vector<16xf32>
      %swap3A_588 = vector.shape_cast %get3A_583 : vector<16xf32> to vector<1x16xf32>
      tpu.vector_store %arg12[%swap3A_584, %swap3A_585], %swap3A_588 {add = true, strides = array<i32>} : memref<200x128xf32, #tpu.memory_space<vmem>>, vector<1x16xf32>,
      %mul3A_589 = arith.constant 64 : i32
      %mul3A_590 = arith.muli %scan3A_566, %mul3A_589 : i32
      %add3A_591 = arith.constant 32 : i32
      %add3A_592 = arith.addi %mul3A_590, %add3A_591 : i32
      %get3A_593 = arith.index_cast %add3A_592 : i32 to index
      %get3A_594 = tpu.vector_load %arg6[%get3A_593] {strides = array<i32>} : memref<12800xf32, #tpu.memory_space<vmem>>, vector<16xf32>,
      %get3A_595 = vector.shape_cast %get3A_594 : vector<16xf32> to vector<16xf32>
      %swap3A_596 = arith.index_cast %scan3A_566 : i32 to index
      %swap3A_597 = arith.constant 32 : index
      %swap3A_598 = tpu.vector_load %arg12[%swap3A_596, %swap3A_597] {strides = array<i32>} : memref<200x128xf32, #tpu.memory_space<vmem>>, vector<1x16xf32>,
      %swap3A_599 = vector.shape_cast %swap3A_598 : vector<1x16xf32> to vector<16xf32>
      %swap3A_600 = vector.shape_cast %get3A_595 : vector<16xf32> to vector<1x16xf32>
      tpu.vector_store %arg12[%swap3A_596, %swap3A_597], %swap3A_600 {add = true, strides = array<i32>} : memref<200x128xf32, #tpu.memory_space<vmem>>, vector<1x16xf32>,
      %mul3A_601 = arith.constant 64 : i32
      %mul3A_602 = arith.muli %scan3A_566, %mul3A_601 : i32
      %add3A_603 = arith.constant 48 : i32
      %add3A_604 = arith.addi %mul3A_602, %add3A_603 : i32
      %get3A_605 = arith.index_cast %add3A_604 : i32 to index
      %get3A_606 = tpu.vector_load %arg6[%get3A_605] {strides = array<i32>} : memref<12800xf32, #tpu.memory_space<vmem>>, vector<16xf32>,
      %get3A_607 = vector.shape_cast %get3A_606 : vector<16xf32> to vector<16xf32>
      %swap3A_608 = arith.index_cast %scan3A_566 : i32 to index
      %swap3A_609 = arith.constant 48 : index
      %swap3A_610 = tpu.vector_load %arg12[%swap3A_608, %swap3A_609] {strides = array<i32>} : memref<200x128xf32, #tpu.memory_space<vmem>>, vector<1x16xf32>,
      %swap3A_611 = vector.shape_cast %swap3A_610 : vector<1x16xf32> to vector<16xf32>
      %swap3A_612 = vector.shape_cast %get3A_607 : vector<16xf32> to vector<1x16xf32>
      tpu.vector_store %arg12[%swap3A_608, %swap3A_609], %swap3A_612 {add = true, strides = array<i32>} : memref<200x128xf32, #tpu.memory_space<vmem>>, vector<1x16xf32>,
    }
    %scan3A_515 = arith.constant 200 : i32
    %add3A_516 = arith.constant 127 : i32
    %add3A_517 = arith.addi %mul3A_2, %add3A_516 : i32
    %dma_start3A_518 = arith.constant 0 : i32
    %dma_start3A_519 = arith.constant 0 : i32
    %dma_start3A_520 = tpu.memref_slice %arg5[%add3A_517, %dma_start3A_518, %dma_start3A_519] : memref<4096x200x128xf32, #tpu.memory_space<hbm>> -> memref<1x200x128xf32, #tpu.memory_space<hbm>>
    %dma_start3A_521 = tpu.memref_squeeze %dma_start3A_520 : memref<1x200x128xf32, #tpu.memory_space<hbm>> -> memref<200x128xf32, #tpu.memory_space<hbm>>
    %dma_start3A_522 = arith.constant 0 : i32
    %dma_start3A_523 = arith.constant 0 : i32
    %dma_start3A_524 = tpu.memref_slice %arg5[%add3A_517, %dma_start3A_522, %dma_start3A_523] : memref<4096x200x128xf32, #tpu.memory_space<hbm>> -> memref<1x200x128xf32, #tpu.memory_space<hbm>>
    %dma_start3A_525 = tpu.memref_squeeze %dma_start3A_524 : memref<1x200x128xf32, #tpu.memory_space<hbm>> -> memref<200x128xf32, #tpu.memory_space<hbm>>
    tpu.enqueue_dma source(%arg12 : memref<200x128xf32, #tpu.memory_space<vmem>>) target(%dma_start3A_525 : memref<200x128xf32, #tpu.memory_space<hbm>>) target_semaphore(%arg22 : memref<!tpu.dma_semaphore, #tpu.memory_space<semaphore_mem>>)
    %add3A_526 = arith.constant 124 : i32
    %add3A_527 = arith.addi %mul3A_2, %add3A_526 : i32
    %dma_wait3A_528 = arith.constant 0 : i32
    %dma_wait3A_529 = arith.constant 0 : i32
    %dma_wait3A_530 = tpu.memref_slice %arg5[%add3A_527, %dma_wait3A_528, %dma_wait3A_529] : memref<4096x200x128xf32, #tpu.memory_space<hbm>> -> memref<1x200x128xf32, #tpu.memory_space<hbm>>
    %dma_wait3A_531 = tpu.memref_squeeze %dma_wait3A_530 : memref<1x200x128xf32, #tpu.memory_space<hbm>> -> memref<200x128xf32, #tpu.memory_space<hbm>>
    %dma_wait3A_532 = arith.constant 0 : i32
    %dma_wait3A_533 = arith.constant 0 : i32
    %dma_wait3A_534 = tpu.memref_slice %arg5[%add3A_527, %dma_wait3A_532, %dma_wait3A_533] : memref<4096x200x128xf32, #tpu.memory_space<hbm>> -> memref<1x200x128xf32, #tpu.memory_space<hbm>>
    %dma_wait3A_535 = tpu.memref_squeeze %dma_wait3A_534 : memref<1x200x128xf32, #tpu.memory_space<hbm>> -> memref<200x128xf32, #tpu.memory_space<hbm>>
    tpu.wait_dma2 semaphore(%arg19 : memref<!tpu.dma_semaphore, #tpu.memory_space<semaphore_mem>>) src(%arg9 : memref<200x128xf32, #tpu.memory_space<vmem>>) dst(%dma_wait3A_535 : memref<200x128xf32, #tpu.memory_space<hbm>>)
    %add3A_536 = arith.constant 125 : i32
    %add3A_537 = arith.addi %mul3A_2, %add3A_536 : i32
    %dma_wait3A_538 = arith.constant 0 : i32
    %dma_wait3A_539 = arith.constant 0 : i32
    %dma_wait3A_540 = tpu.memref_slice %arg5[%add3A_537, %dma_wait3A_538, %dma_wait3A_539] : memref<4096x200x128xf32, #tpu.memory_space<hbm>> -> memref<1x200x128xf32, #tpu.memory_space<hbm>>
    %dma_wait3A_541 = tpu.memref_squeeze %dma_wait3A_540 : memref<1x200x128xf32, #tpu.memory_space<hbm>> -> memref<200x128xf32, #tpu.memory_space<hbm>>
    %dma_wait3A_542 = arith.constant 0 : i32
    %dma_wait3A_543 = arith.constant 0 : i32
    %dma_wait3A_544 = tpu.memref_slice %arg5[%add3A_537, %dma_wait3A_542, %dma_wait3A_543] : memref<4096x200x128xf32, #tpu.memory_space<hbm>> -> memref<1x200x128xf32, #tpu.memory_space<hbm>>
    %dma_wait3A_545 = tpu.memref_squeeze %dma_wait3A_544 : memref<1x200x128xf32, #tpu.memory_space<hbm>> -> memref<200x128xf32, #tpu.memory_space<hbm>>
    tpu.wait_dma2 semaphore(%arg20 : memref<!tpu.dma_semaphore, #tpu.memory_space<semaphore_mem>>) src(%arg10 : memref<200x128xf32, #tpu.memory_space<vmem>>) dst(%dma_wait3A_545 : memref<200x128xf32, #tpu.memory_space<hbm>>)
    %add3A_546 = arith.constant 126 : i32
    %add3A_547 = arith.addi %mul3A_2, %add3A_546 : i32
    %dma_wait3A_548 = arith.constant 0 : i32
    %dma_wait3A_549 = arith.constant 0 : i32
    %dma_wait3A_550 = tpu.memref_slice %arg5[%add3A_547, %dma_wait3A_548, %dma_wait3A_549] : memref<4096x200x128xf32, #tpu.memory_space<hbm>> -> memref<1x200x128xf32, #tpu.memory_space<hbm>>
    %dma_wait3A_551 = tpu.memref_squeeze %dma_wait3A_550 : memref<1x200x128xf32, #tpu.memory_space<hbm>> -> memref<200x128xf32, #tpu.memory_space<hbm>>
    %dma_wait3A_552 = arith.constant 0 : i32
    %dma_wait3A_553 = arith.constant 0 : i32
    %dma_wait3A_554 = tpu.memref_slice %arg5[%add3A_547, %dma_wait3A_552, %dma_wait3A_553] : memref<4096x200x128xf32, #tpu.memory_space<hbm>> -> memref<1x200x128xf32, #tpu.memory_space<hbm>>
    %dma_wait3A_555 = tpu.memref_squeeze %dma_wait3A_554 : memref<1x200x128xf32, #tpu.memory_space<hbm>> -> memref<200x128xf32, #tpu.memory_space<hbm>>
    tpu.wait_dma2 semaphore(%arg21 : memref<!tpu.dma_semaphore, #tpu.memory_space<semaphore_mem>>) src(%arg11 : memref<200x128xf32, #tpu.memory_space<vmem>>) dst(%dma_wait3A_555 : memref<200x128xf32, #tpu.memory_space<hbm>>)
    %add3A_556 = arith.constant 127 : i32
    %add3A_557 = arith.addi %mul3A_2, %add3A_556 : i32
    %dma_wait3A_558 = arith.constant 0 : i32
    %dma_wait3A_559 = arith.constant 0 : i32
    %dma_wait3A_560 = tpu.memref_slice %arg5[%add3A_557, %dma_wait3A_558, %dma_wait3A_559] : memref<4096x200x128xf32, #tpu.memory_space<hbm>> -> memref<1x200x128xf32, #tpu.memory_space<hbm>>
    %dma_wait3A_561 = tpu.memref_squeeze %dma_wait3A_560 : memref<1x200x128xf32, #tpu.memory_space<hbm>> -> memref<200x128xf32, #tpu.memory_space<hbm>>
    %dma_wait3A_562 = arith.constant 0 : i32
    %dma_wait3A_563 = arith.constant 0 : i32
    %dma_wait3A_564 = tpu.memref_slice %arg5[%add3A_557, %dma_wait3A_562, %dma_wait3A_563] : memref<4096x200x128xf32, #tpu.memory_space<hbm>> -> memref<1x200x128xf32, #tpu.memory_space<hbm>>
    %dma_wait3A_565 = tpu.memref_squeeze %dma_wait3A_564 : memref<1x200x128xf32, #tpu.memory_space<hbm>> -> memref<200x128xf32, #tpu.memory_space<hbm>>
    tpu.wait_dma2 semaphore(%arg22 : memref<!tpu.dma_semaphore, #tpu.memory_space<semaphore_mem>>) src(%arg12 : memref<200x128xf32, #tpu.memory_space<vmem>>) dst(%dma_wait3A_565 : memref<200x128xf32, #tpu.memory_space<hbm>>)
    return
  }
}

</mosaic_0001>

<sc_bundles>
// kernel: kernel.3.cloned.1.call-start
scs
__scs_entry_jumppad:
0x0: {  	(pc) =	sbr.rel $0x88, $3  }
0x1: {  	(tag) =	ssettag $0x0;
	lr =	simm.s32 $0x1  }
0x2: {  	[smem:$0x3F9E] =	sst lr;
	_ =	strace $0xD0000000  }
0x3: {  	_ = 	snop  }
0x4: {  	_ = 	snop  }
0x5: {  	_ = 	snop  }
0x6: {  	_ = 	snop  }
0x7: {  	_ = 	snop  }
__scs_overlays_trampoline_lowered:
0x8: {  	[smem:$0x3FAD] =	sst s0  }
0x9: {  	[smem:$0x3FAE] =	sst s1  }
0xa: {  	[smem:$0x3FAF] =	sst s2  }
0xb: {  	[smem:$0x3FB0] =	sst s3  }
0xc: {  	[smem:$0x3FB1] =	sst s4  }
0xd: {  	[smem:$0x3FB2] =	sst s5  }
0xe: {  	[smem:$0x3FB3] =	sst s6  }
0xf: {  	[smem:$0x3FB4] =	sst s7  }
0x10: {  	[smem:$0x3FB5] =	sst s8  }
0x11: {  	[smem:$0x3FB6] =	sst s9;
	s0 =	simm.s32 @!p0 $0x0  }
0x12: {  	s1 =	sld [smem:$0x3F9C];
	s0 =	simm.s32 @p0 $0x1  }
0x13: {  	[smem:$0x3FB7] =	sst s0;
	s0 =	simm.s32 @!p1 $0x0  }
0x14: {  	s2 =	sld [smem:$0x3F9B];
	s0 =	simm.s32 @p1 $0x1  }
0x15: {  	[smem:$0x3FB8] =	sst s0;
	s0 =	simm.s32 @!p2 $0x0  }
0x16: {  	s3 =	sld [smem:$0x3FDB];
	s0 =	simm.s32 @p2 $0x1  }
0x17: {  	s4 =	simm.s32 $0x1BF5;
	[smem:$0x3FBA] =	sst s0  }
0x18: {  	s0 =	sld [smem:$0x3F9D];
	_ =	swait.ge [sflag:s4], $0x0  }
0x19: {  	s7 =	sld [smem:$0x3F9E]  }
0x1a: {  	s8 =	sadd.s32 $0xFFFFE003, lr  }
0x1b: {  	s9 =	sadd.s32 $0xFFFFFEF7, lr;
	s5 =	simm.s32 $0xFFFFFFFF;
	p2 =	slt.u32 s8, $0xFFFFF086  }
0x1c: {  	p1 =	slt.u32 s9, $0xF7A;
	s5 =	simm.s32 @!p2 $0x0  }
0x1d: {  	s5 =	simm.s32 @p1 $0x1;
	p0 =	seq.s32 s7, s2  }
0x1e: {  	s7 =	smul.u32 @!p0 $0xF7A, s2;
	p2 =	seq.s32 @!p0 s5, $0x0  }
0x1f: {  	s9 =	smul.u32 $0xF7A, s1;
	s8 =	simm.s32 @!p0 $0x1BF5;
	p2 =	por !p2, p0  }
0x20: {  	[sflag:s8] =	ssyncset.s32 @!p0 $0xFFFFF086;
	s6 =	sadd.s32 @!p0 s3, s7;
	s7 =	simm.s32 @!p0 $0x108  }
0x21: {  	s3 =	sadd.s32 s3, s9;
	s6 =	sadd.s32 @!p0 $0x88, s6;
	s7 =	simm.s32 @p2 $0x1082  }
0x22: {  	[simem:s7], [sflag:s8] =	dma.local @!p0 [hbm:s6], $0xF7A  }
0x23: {  	s9 =	sor.u32 $0xD0000000, s2;
	s6 =	simm.s32 $0x108;
	_ =	swait.ge @!p0 [sflag:s8], $0x0  }
0x24: {  	s3 =	sadd.s32 $0x88, s3;
	s6 =	simm.s32 @!p1 $0x1082;
	[sflag:s4] =	ssyncset.s32 $0xFFFFF086  }
0x25: {  	[simem:s6], [sflag:s4] =	dma.local [hbm:s3], $0xF7A  }
0x26: {  	[smem:$0x3F9E] =	sst s1;
	(tag) =	ssettag s2;
	_ =	strace s9  }
0x27: {  	s1 =	sld [smem:$0x3FAE]  }
0x28: {  	s2 =	sld [smem:$0x3FAF]  }
0x29: {  	s4 =	sld [smem:$0x3FB1]  }
0x2a: {  	p0 =	seq.s32 s5, $0x0;
	s5 =	sld [smem:$0x3FB2]  }
0x2b: {  	s6 =	sld [smem:$0x3FB3]  }
0x2c: {  	s7 =	sld [smem:$0x3FB4]  }
0x2d: {  	s3 =	simm.s32 $0x108;
	s8 =	sld [smem:$0x3FB5]  }
0x2e: {  	s3 =	simm.s32 @!p0 $0x1082;
	s9 =	sld [smem:$0x3FB6]  }
0x2f: {  	lr =	sadd.s32 s0, s3;
	s0 =	sld [smem:$0x3FAD]  }
0x30: {  	s3 =	sld [smem:$0x3FB0]  }
0x31: {  	[smem:$0x3FB9] =	sst s10  }
0x32: {  	s10 =	sld [smem:$0x3FB7];
	_ =	sdelay $0x3  }
0x33: {  	p0 =	seq.s32 s10, $0x1;
	s10 =	sld [smem:$0x3FB9];
	_ =	sdelay $0x3  }
0x34: {  	[smem:$0x3FB9] =	sst s10  }
0x35: {  	s10 =	sld [smem:$0x3FB8];
	_ =	sdelay $0x3  }
0x36: {  	p1 =	seq.s32 s10, $0x1;
	s10 =	sld [smem:$0x3FB9];
	_ =	sdelay $0x3  }
0x37: {  	[smem:$0x3FB9] =	sst s10  }
0x38: {  	s10 =	sld [smem:$0x3FBA]  }
0x39: {  	_ = 	snop;
	(pc) =	sbr.ind lr, $3  }
0x3a: {  	_ = 	snop  }
0x3b: {  	_ = 	snop  }
0x3c: {  	p2 =	seq.s32 s10, $0x1;
	s10 =	sld [smem:$0x3FB9]  }
0x3d: {  	_ =	shalt  }
0x3e: {  	_ =	shalt  }
0x3f: {  	_ =	shalt  }
0x40: {  	_ =	shalt  }
0x41: {  	_ =	shalt  }
0x42: {  	_ =	shalt  }
0x43: {  	_ =	shalt  }
0x44: {  	_ =	shalt  }
0x45: {  	_ =	shalt  }
0x46: {  	_ =	shalt  }
0x47: {  	_ =	shalt  }
0x48: {  	_ =	shalt  }
0x49: {  	_ =	shalt  }
0x4a: {  	_ =	shalt  }
0x4b: {  	_ =	shalt  }
0x4c: {  	_ =	shalt  }
0x4d: {  	_ =	shalt  }
0x4e: {  	_ =	shalt  }
0x4f: {  	_ =	shalt  }
0x50: {  	_ =	shalt  }
0x51: {  	_ =	shalt  }
0x52: {  	_ =	shalt  }
0x53: {  	_ =	shalt  }
0x54: {  	_ =	shalt  }
0x55: {  	_ =	shalt  }
0x56: {  	_ =	shalt  }
0x57: {  	_ =	shalt  }
0x58: {  	_ =	shalt  }
0x59: {  	_ =	shalt  }
0x5a: {  	_ =	shalt  }
0x5b: {  	_ =	shalt  }
0x5c: {  	_ =	shalt  }
0x5d: {  	_ =	shalt  }
0x5e: {  	_ =	shalt  }
0x5f: {  	_ =	shalt  }
0x60: {  	_ =	shalt  }
0x61: {  	_ =	shalt  }
0x62: {  	_ =	shalt  }
0x63: {  	_ =	shalt  }
0x64: {  	_ =	shalt  }
0x65: {  	_ =	shalt  }
0x66: {  	_ =	shalt  }
0x67: {  	_ =	shalt  }
0x68: {  	_ =	shalt  }
0x69: {  	_ =	shalt  }
0x6a: {  	_ =	shalt  }
0x6b: {  	_ =	shalt  }
0x6c: {  	_ =	shalt  }
0x6d: {  	_ =	shalt  }
0x6e: {  	_ =	shalt  }
0x6f: {  	_ =	shalt  }
0x70: {  	_ =	shalt  }
0x71: {  	_ =	shalt  }
0x72: {  	_ =	shalt  }
0x73: {  	_ =	shalt  }
0x74: {  	_ =	shalt  }
0x75: {  	_ =	shalt  }
0x76: {  	_ =	shalt  }
0x77: {  	_ =	shalt  }
0x78: {  	_ =	shalt  }
0x79: {  	_ =	shalt  }
0x7a: {  	_ =	shalt  }
0x7b: {  	_ =	shalt  }
0x7c: {  	_ =	shalt  }
0x7d: {  	_ =	shalt  }
0x7e: {  	_ =	shalt  }
0x7f: {  	_ =	shalt  }
0x80: {  	_ =	shalt  }
0x81: {  	_ =	shalt  }
0x82: {  	_ =	shalt  }
0x83: {  	_ =	shalt  }
0x84: {  	_ =	shalt  }
0x85: {  	_ =	shalt  }
0x86: {  	_ =	shalt  }
0x87: {  	_ =	shalt  }
.Lfunc_end0:
.L_simem_size_0:
called_computation.1_lowered:
.L_overlay_start_0:
0x88: {  	s2 =	sld [smem:$0x3FD9]  }
0x89: {  	s3 =	sld [smem:$0x3FFE];
	_ =	sdelay $0x1  }
0x8a: {  	s1 =	srdreg.scid  }
0x8b: {  	s0 =	sand.u32 $0x1, s1  }
0x8c: {  	s16 =	sshll.u32 s0, $0xA;
	s2 =	sadd.s32 s3, s2  }
0x8d: {  	s2 =	sadd.s32 s2, s16  }
0x8e: {  	[smem:$0x3FC5] =	sst s2  }
0x8f: {  	_ = 	snop  }
0x90: {  	(tm) =	ssettm $0x1  }
0x91: {  	s17 =	sld [smem:$0x3FFB];
	_ =	sdelay $0x3  }
0x92: {  	_ =	strace s17  }
0x93: {  	s2 =	sld [smem:$0x3FFC];
	_ =	sdelay $0x3  }
0x94: {  	_ =	strace s2  }
0x95: {  	s2 =	sld [smem:$0x3FFD];
	_ =	sdelay $0x3  }
0x96: {  	_ =	strace s2  }
0x97: {  	_ =	strace $0x8FFFFFFF  }
0x98: {  	s18 =	sld [smem:$0x3FDB];
	_ =	sdelay $0x1  }
0x99: {  	s19 =	simm.s32 $_scs_section_size  }
0x9a: {  	s4 =	simm.s32 $_size__tile_overlayer_lowered;
	s5 =	simm.s32 $_tile_overlayer_lowered  }
0x9b: {  	s22 =	simm.s32 $0x1BFF;
	s21 =	sshll.u32 s5, $0x1;
	s2 =	sadd.s32 s19, s18  }
0x9c: {  	s6 =	simm.s32 $0x0;
	s20 =	sshll.u32 s4, $0x1;
	s4 =	sadd.s32 s21, s2  }
0x9d: {  	[timem:s6], [sflag:s22] =	dma.local [hbm:s4], s20  }
0x9e: {  	_ =	swait.ge [sflag:s22], s20  }
0x9f: {  	s3 =	ssub.s32 $0x0, s20;
	[sflag:s22] =	ssyncset.done $0x0  }
0xa0: {  	[sflag:s22] =	ssyncadd.s32 s3;
	_ =	sdelay $0x1  }
0xa1: {  	s23 =	simm.s32 $0x1B8B  }
0xa2: {  	_ =	swait.ge [sflag:s23], $0x1  }
0xa3: {  	[sflag:s23] =	ssyncset.done $0x0  }
0xa4: {  	s25 =	simm.s32 $0x1B8E;
	s24 =	sld [smem:$0x3FFE];
	[sflag:s23] =	ssyncadd.s32 $0xFFFFFFFF  }
0xa5: {  	s26 =	simm.s32 $execute0_lowered;
	[smem:$0x3FD2] =	sst s25  }
0xa6: {  	s4 =	sshll.u32 s26, $0x1;
	_ =	strace $0x80000046;
	[dreg:$0x1] =	wrdreg $0xFFFFFFFF  }
0xa7: {  	s28 =	simm.s32 $_size_execute0_lowered;
	s2 =	sadd.s32 s2, s4;
	[dreg:$0x0] =	wrdreg $0x0  }
0xa8: {  	s4 =	sshll.u32 s28, $0x1;
	[dreg:$0x2] =	wrdreg s2  }
0xa9: {  	[dreg:$0x3] =	wrdreg s4  }
0xaa: {  	[dreg:$0x4] =	wrdreg $0xC0  }
0xab: {  	_ =	task [dreg:s6], $0x5FFFF  }
0xac: {  	[dreg:$0x1] =	wrdreg $0xFFFFFFFF  }
0xad: {  	[dreg:$0x0] =	wrdreg $0x60  }
0xae: {  	[dreg:$0x2] =	wrdreg s24  }
0xaf: {  	[dreg:$0x3] =	wrdreg $0x9  }
0xb0: {  	_ =	task.clear_ibuf [dreg:s6], $0x4FFFF;
	_ =	strace $0x90000046  }
0xb1: {  	s29 =	simm.s32 $0x9;
	_ =	strace $0x80000048  }
0xb2: {  	_ =	swait.ge [sflag:s29], $0x1  }
0xb3: {  	[sflag:s29] =	ssyncadd.s32 $0xFFFFFFFF  }
0xb4: {  	_ =	strace $0x90000048  }
0xb5: {  	_ =	sfence  }
0xb6: {  	s30 =	sld [smem:$0x0];
	_ =	sdelay $0x2  }
0xb7: {  	s31 =	sshll.u32 s1, $0xD;
	s1 =	sshrl.u32 s1, $0x2  }
0xb8: {  	s3 =	sand.u32 $0x4000, s31;
	s1 =	sadd.s32 s1, s30  }
0xb9: {  	s0 =	sor.u32 s3, s0;
	s1 =	sshll.u32 s1, $0x11  }
0xba: {  	s0 =	sor.u32 s1, s0  }
0xbb: {  	s0 =	sadd.s32 $0x8F2B, s0  }
0xbc: {  	[sflag:s0] =	ssyncadd.remote.s32 $0x1  }
0xbd: {  	_ =	sfence.sel $0xFFFF  }
0xbe: {  	[dreg:$0x0] =	wrdreg $0xFFFFFFFF;
	(pc) =	sbr.abs _section_cstart, $3  }
0xbf: {  	[dreg:$0x1] =	wrdreg $0xFFFFFFFF  }
0xc0: {  	_ =	task.clear_ibuf [dreg:s6], $0x2FFFF;
	_ =	strace $0x9FFFFFFF  }
0xc1: {  	(tm) =	ssettm $0x7FFFFFFF  }
tec
execute0_lowered:
.L_overlay_start_1:
0x0: {  	(tag) =	ssettag $0x1  }
0x1: {  	s0 =	srdreg.scid  }
0x2: {  	s1 =	stileid.u32;
	s5 =	rddreg [dreg:$0x0]  }
0x3: {  	s2 =	simm.s32 $0x0;
	s28 =	simm.s32 $0x16000;
	s30 =	simm.s32 $0x5  }
0x4: {  	s31 =	simm.s32 $0x6;
	s0 =	sand.u32 $0x1, s0;
	s1 =	sshll.u32 s1, $0x1  }
0x5: {  	[smem:$0x7FF] =	sst s2;
	s3 =	sadd.s32 $0x1000, s5;
	s4 =	sadd.s32 $0x1A000, s5  }
0x6: {  	s6 =	sadd.s32 $0x800, s5;
	s1 =	sor.u32 s0, s1;
	_ =	strace $0x80000047  }
0x7: {  	s0 =	ssub.s32 $0x2, s0;
	[dreg:$0x2] =	wrdreg s6;
	s8 =	smul.u32 $0xC80, s1  }
0x8: {  	s6 =	sadd.s32 $0x1A0A00, s5;
	s7 =	sshll.u32 s1, $0x7;
	s13 =	smul.u32 $0x64000, s1  }
0x9: {  	s15 =	sshrl.u32 s0, $0x1;
	s20 =	smul.u32 $0x320000, s1;
	s1 =	sshllo.u32 s1, $0x7  }
0xa: {  	s9 =	sor.u32 $0x1, s7;
	s11 =	sor.u32 $0x2, s7;
	s14 =	sor.u32 $0x3, s7  }
0xb: {  	s0 =	ssub.s32 s0, s15;
	s17 =	sor.u32 $0x4, s7;
	s10 =	smul.u32 $0x19, s9  }
0xc: {  	s19 =	sor.u32 $0x7, s7;
	s12 =	smul.u32 $0x19, s11;
	[dreg:$0xd] =	wrdreg s17  }
0xd: {  	s16 =	smul.u32 $0x19, s14;
	s25 =	sadd.s32 s6, s13;
	[dreg:$0xe] =	wrdreg s19  }
0xe: {  	s21 =	smul.u32 $0xC80, s9;
	s13 =	sor.u32 $0x5, s7;
	[dreg:$0x6] =	wrdreg s25  }
0xf: {  	s23 =	smul.u32 $0xC80, s11;
	s0 =	smax.u32 s0, $0x1;
	[dreg:$0xb] =	wrdreg s13  }
0x10: {  	s15 =	sadd.s32 s3, s8;
	s26 =	smul.u32 $0xC80, s14;
	[dreg:$0x17] =	wrdreg s0  }
0x11: {  	s14 =	sor.u32 $0x7E, s7;
	[dreg:$0x3] =	wrdreg s15;
	s22 =	sadd.s32 s3, s10  }
0x12: {  	s9 =	simm.s32 $0x3400;
	s24 =	sadd.s32 s3, s12;
	[dreg:$0x4] =	wrdreg s22  }
0x13: {  	s18 =	smul.u32 $0x19, s14;
	s29 =	sadd.s32 s3, s16;
	[dreg:$0x5] =	wrdreg s24  }
0x14: {  	s0 =	simm.s32 $0x3300;
	s5 =	sadd.s32 s6, s21;
	[dreg:$0x7] =	wrdreg s29  }
0x15: {  	s13 =	simm.s32 $0x2;
	s11 =	sadd.s32 s6, s23;
	[dreg:$0x8] =	wrdreg s5  }
0x16: {  	s12 =	sadd.s32 s6, s26;
	s16 =	sor.u32 $0x6, s7;
	[dreg:$0x9] =	wrdreg s11  }
0x17: {  	s21 =	sor.u32 $0x8, s7;
	s7 =	sor.u32 $0x9, s7;
	[dreg:$0xa] =	wrdreg s12  }
0x18: {  	s23 =	sshrl.u32 s20, $0x3;
	s26 =	sadd.s32 $0x64, s15;
	[dreg:$0xc] =	wrdreg s16  }
0x19: {  	s10 =	simm.s32 $0x60;
	[dreg:$0xf] =	wrdreg s21;
	s22 =	smul.u32 $0x19, s1  }
0x1a: {  	[dreg:$0x10] =	wrdreg s7;
	s8 =	sadd.s32 s3, s18;
	s5 =	smul.u32 $0xC80, s14  }
0x1b: {  	s1 =	smul.u32 $0xC80, s1;
	[dreg:$0x18] =	wrdreg s26;
	s29 =	sadd.s32 $0x7D, s15  }
0x1c: {  	s11 =	simm.s32 $0x3268;
	s14 =	simm.s32 $0x9800;
	s21 =	simm.s32 $0x3368  }
0x1d: {  	s26 =	simm.s32 $0x4;
	s12 =	simm.s32 $0x8;
	[dreg:$0x11] =	wrdreg s8  }
0x1e: {  	s8 =	sadd.s32 s6, s23;
	[dreg:$0x19] =	wrdreg s29;
	s7 =	sadd.s32 s3, s22  }
0x1f: {  	s16 =	simm.s32 $0x0;
	s24 =	sadd.s32 $0x60E00, s8;
	[dreg:$0x12] =	wrdreg s7  }
0x20: {  	s23 =	simm.s32 $0x3;
	s25 =	sadd.s32 $0x61A80, s8;
	[dreg:$0x13] =	wrdreg s24  }
0x21: {  	s5 =	sadd.s32 s6, s5;
	s1 =	sadd.s32 s6, s1;
	[dreg:$0x14] =	wrdreg s25  }
0x22: {  	s8 =	simm.s32 $0x68;
	s22 =	simm.s32 $0x9;
	[dreg:$0x15] =	wrdreg s5  }
0x23: {  	[dreg:$0x16] =	wrdreg s1;
	s1 =	simm.s32 $0x3200;
	s5 =	simm.s32 $0x1  }
0x24: {  	s24 =	simm.s32 $0xFC00;
	s7 =	simm.s32 $0x7;
	s25 =	simm.s32 $0xA  }
.LBB2_1:
0x25: {  	[dreg:$0x1a] =	wrdreg s16  }
0x26: {  	s15 =	rddreg [dreg:$0x2];
	s29 =	simm.s32 $0xB  }
0x27: {  	[tilespmem:s2], [sflag:$0xB] =	stream.linear.gather [hbm4b:s15+s2], $0x3200, $0x38;
	[tilespmem:$0x1C400] =	vst v63  }
0x28: {  	_ =	swait.ge [sflag:s29], $0x3200  }
0x29: {  	[sflag:s29] =	ssyncset.done $0x0  }
0x2a: {  	s16 =	rddreg [dreg:$0x3];
	[sflag:s29] =	ssyncadd.s32 $0xFFFFCE00  }
0x2b: {  	[tilespmem:s1], [sflag:$0x1] =	stream.linear.gather [hbm4b:s16+s2], $0xC8, $0x38;
	[tilespmem:$0x1C400] =	vst v63  }
0x2c: {  	s17 =	rddreg [dreg:$0x4]  }
0x2d: {  	[tilespmem:s0], [sflag:$0x2] =	stream.linear.gather [hbm4b:s17+s2], $0xC8, $0x38;
	[tilespmem:$0x1C400] =	vst v63  }
0x2e: {  	_ =	swait.ge [sflag:s5], $0xC8  }
0x2f: {  	[sflag:s5] =	ssyncset.done $0x0  }
0x30: {  	[sflag:s5] =	ssyncadd.s32 $0xFFFFFF38  }
0x31: {  	[tilespmem:s9], [sflag:$0x3] =	stream.indirect.gather [hbm4b:s4+s8], $0x80, s1, s8, $0xb8;
	[tilespmem:$0x1C400] =	vst v63  }
0x32: {  	s18 =	simm.s32 $0x6800  }
0x33: {  	[tilespmem:s18], [sflag:$0x3] =	stream.indirect.gather [hbm4b:s4+s10], $0x80, s11, s10, $0xb8;
	[tilespmem:$0x1C400] =	vst v63  }
0x34: {  	_ =	swait.ge [sflag:s13], $0xC8  }
0x35: {  	[sflag:s13] =	ssyncset.done $0x0  }
0x36: {  	[sflag:s13] =	ssyncadd.s32 $0xFFFFFF38  }
0x37: {  	[tilespmem:s14], [sflag:$0x4] =	stream.indirect.gather [hbm4b:s4+s8], $0x80, s0, s8, $0xb8;
	[tilespmem:$0x1C400] =	vst v63  }
0x38: {  	s19 =	simm.s32 $0xCC00  }
0x39: {  	[tilespmem:s19], [sflag:$0x4] =	stream.indirect.gather [hbm4b:s4+s10], $0x80, s21, s10, $0xb8;
	[tilespmem:$0x1C400] =	vst v63  }
0x3a: {  	_ =	swait.ge [sflag:s23], $0x3400  }
0x3b: {  	[sflag:s23] =	ssyncset.done $0x0  }
0x3c: {  	[sflag:s23] =	ssyncadd.s32 $0xFFFFCC00  }
0x3d: {  	_ =	swait.ge [sflag:s23], $0x3000  }
0x3e: {  	[sflag:s23] =	ssyncset.done $0x0  }
0x3f: {  	s29 =	simm.s32 $0x30;
	s20 =	rddreg [dreg:$0x5];
	[sflag:s23] =	ssyncadd.s32 $0xFFFFD000  }
0x40: {  	[tilespmem:s1], [sflag:$0x1] =	stream.linear.gather [hbm4b:s20+s2], $0xC8, $0x38;
	[tilespmem:$0x1C400] =	vst v63  }
0x41: {  	v0 =	vld [tilespmem:s29+$0xFFFFFFD0];
	_ =	sdelay $0x3  }
0x42: {  	s15 =	simm.s32 $0x3430  }
0x43: {  	[tilespmem:s15+$0xFFFFFFD0] =	vst.add.f32.msk $0xffff, v0  }
0x44: {  	v0 =	vld [tilespmem:s29+$0xFFFFFFE0];
	_ =	sdelay $0x4  }
0x45: {  	[tilespmem:s15+$0xFFFFFFE0] =	vst.add.f32.msk $0xffff, v0  }
0x46: {  	v0 =	vld [tilespmem:s29+$0xFFFFFFF0];
	_ =	sdelay $0x4  }
0x47: {  	[tilespmem:s15+$0xFFFFFFF0] =	vst.add.f32.msk $0xffff, v0  }
0x48: {  	v0 =	vld [tilespmem:s29+$0x0];
	_ =	sdelay $0x4  }
0x49: {  	s16 =	simm.s32 $0x70;
	s17 =	simm.s32 $0x2C0;
	[tilespmem:s15+$0x0] =	vst.add.f32.msk $0xffff, v0  }
.LBB2_2:
0x4a: {  	p0 =	sne.s32 s17, $0xC7C0;
	v0 =	vld [tilespmem:s16+$0xFFFFFFD0];
	_ =	sdelay $0x3  }
0x4b: {  	s15 =	sadd.s32 $0x80, s15  }
0x4c: {  	[tilespmem:s15+$0xFFFFFFD0] =	vst.add.f32.msk $0xffff, v0  }
0x4d: {  	v0 =	vld [tilespmem:s16+$0xFFFFFFE0];
	_ =	sdelay $0x4  }
0x4e: {  	[tilespmem:s15+$0xFFFFFFE0] =	vst.add.f32.msk $0xffff, v0  }
0x4f: {  	v0 =	vld [tilespmem:s16+$0xFFFFFFF0];
	_ =	sdelay $0x4  }
0x50: {  	[tilespmem:s15+$0xFFFFFFF0] =	vst.add.f32.msk $0xffff, v0  }
0x51: {  	v0 =	vld [tilespmem:s16+$0x0]  }
.Ltmp0:
0x52: {  	(pc) =	sbr.rel @p0 .LBB2_2-.Ltmp0, $2  }
0x53: {  	_ =	sdelay $0x2  }
0x54: {  	s16 =	sshra.s32 s17, $0x2;
	s17 =	sadd.s32 $0x100, s17;
	[tilespmem:s15+$0x0] =	vst.add.f32.msk $0xffff, v0  }
0x55: {  	v0 =	vld [tilespmem:s16+$0xFFFFFFD0];
	_ =	sdelay $0x3  }
0x56: {  	s15 =	sadd.s32 $0x80, s15  }
0x57: {  	[tilespmem:s15+$0xFFFFFFD0] =	vst.add.f32.msk $0xffff, v0  }
0x58: {  	v0 =	vld [tilespmem:s16+$0xFFFFFFE0];
	_ =	sdelay $0x4  }
0x59: {  	[tilespmem:s15+$0xFFFFFFE0] =	vst.add.f32.msk $0xffff, v0  }
0x5a: {  	v0 =	vld [tilespmem:s16+$0xFFFFFFF0];
	_ =	sdelay $0x4  }
0x5b: {  	[tilespmem:s15+$0xFFFFFFF0] =	vst.add.f32.msk $0xffff, v0  }
0x5c: {  	v0 =	vld [tilespmem:s16+$0x0];
	_ =	sdelay $0x4  }
0x5d: {  	s18 =	rddreg [dreg:$0x6];
	[tilespmem:s15+$0x0] =	vst.add.f32.msk $0xffff, v0  }
0x5e: {  	[hbm4b:s18+s2] =	stream.linear.scatter [tilespmem:s9], [sflag:$0x7], $0x6400, $0x38;
	[tilespmem:$0x1C400] =	vst v63  }
0x5f: {  	_ =	swait.ge [sflag:s5], $0xC8  }
0x60: {  	[sflag:s5] =	ssyncset.done $0x0  }
0x61: {  	[sflag:s5] =	ssyncadd.s32 $0xFFFFFF38  }
0x62: {  	[tilespmem:s24], [sflag:$0x5] =	stream.indirect.gather [hbm4b:s4+s8], $0x80, s1, s8, $0xb8;
	[tilespmem:$0x1C400] =	vst v63  }
0x63: {  	s19 =	simm.s32 $0x13000  }
0x64: {  	[tilespmem:s19], [sflag:$0x5] =	stream.indirect.gather [hbm4b:s4+s10], $0x80, s11, s10, $0xb8;
	[tilespmem:$0x1C400] =	vst v63  }
0x65: {  	_ =	swait.ge [sflag:s26], $0x3400  }
0x66: {  	[sflag:s26] =	ssyncset.done $0x0  }
0x67: {  	[sflag:s26] =	ssyncadd.s32 $0xFFFFCC00  }
0x68: {  	_ =	swait.ge [sflag:s26], $0x3000  }
0x69: {  	[sflag:s26] =	ssyncset.done $0x0  }
0x6a: {  	s29 =	simm.s32 $0x30;
	s20 =	rddreg [dreg:$0x7];
	[sflag:s26] =	ssyncadd.s32 $0xFFFFD000  }
0x6b: {  	[tilespmem:s0], [sflag:$0x2] =	stream.linear.gather [hbm4b:s20+s2], $0xC8, $0x38;
	[tilespmem:$0x1C400] =	vst v63  }
0x6c: {  	v63 =	vld [tilespmem:s29+$0xFFFFFFD0];
	_ =	sdelay $0x3  }
0x6d: {  	s15 =	simm.s32 $0x9830  }
0x6e: {  	[tilespmem:s15+$0xFFFFFFD0] =	vst.add.f32.msk $0xffff, v63  }
0x6f: {  	v0 =	vld [tilespmem:s29+$0xFFFFFFE0];
	_ =	sdelay $0x4  }
0x70: {  	[tilespmem:s15+$0xFFFFFFE0] =	vst.add.f32.msk $0xffff, v0  }
0x71: {  	v0 =	vld [tilespmem:s29+$0xFFFFFFF0];
	_ =	sdelay $0x4  }
0x72: {  	[tilespmem:s15+$0xFFFFFFF0] =	vst.add.f32.msk $0xffff, v0  }
0x73: {  	v0 =	vld [tilespmem:s29+$0x0];
	_ =	sdelay $0x4  }
0x74: {  	s17 =	simm.s32 $0x2C0;
	s16 =	simm.s32 $0x70;
	[tilespmem:s15+$0x0] =	vst.add.f32.msk $0xffff, v0  }
.LBB2_4:
0x75: {  	p0 =	sne.s32 s17, $0xC7C0;
	v0 =	vld [tilespmem:s16+$0xFFFFFFD0];
	_ =	sdelay $0x3  }
0x76: {  	s15 =	sadd.s32 $0x80, s15  }
0x77: {  	[tilespmem:s15+$0xFFFFFFD0] =	vst.add.f32.msk $0xffff, v0  }
0x78: {  	v0 =	vld [tilespmem:s16+$0xFFFFFFE0];
	_ =	sdelay $0x4  }
0x79: {  	[tilespmem:s15+$0xFFFFFFE0] =	vst.add.f32.msk $0xffff, v0  }
0x7a: {  	v0 =	vld [tilespmem:s16+$0xFFFFFFF0];
	_ =	sdelay $0x4  }
0x7b: {  	[tilespmem:s15+$0xFFFFFFF0] =	vst.add.f32.msk $0xffff, v0  }
0x7c: {  	v0 =	vld [tilespmem:s16+$0x0]  }
.Ltmp1:
0x7d: {  	(pc) =	sbr.rel @p0 .LBB2_4-.Ltmp1, $2  }
0x7e: {  	_ =	sdelay $0x2  }
0x7f: {  	s16 =	sshra.s32 s17, $0x2;
	s17 =	sadd.s32 $0x100, s17;
	[tilespmem:s15+$0x0] =	vst.add.f32.msk $0xffff, v0  }
0x80: {  	v0 =	vld [tilespmem:s16+$0xFFFFFFD0];
	_ =	sdelay $0x3  }
0x81: {  	s15 =	sadd.s32 $0x80, s15  }
0x82: {  	[tilespmem:s15+$0xFFFFFFD0] =	vst.add.f32.msk $0xffff, v0  }
0x83: {  	v0 =	vld [tilespmem:s16+$0xFFFFFFE0];
	_ =	sdelay $0x4  }
0x84: {  	[tilespmem:s15+$0xFFFFFFE0] =	vst.add.f32.msk $0xffff, v0  }
0x85: {  	v0 =	vld [tilespmem:s16+$0xFFFFFFF0];
	_ =	sdelay $0x4  }
0x86: {  	[tilespmem:s15+$0xFFFFFFF0] =	vst.add.f32.msk $0xffff, v0  }
0x87: {  	v0 =	vld [tilespmem:s16+$0x0];
	_ =	sdelay $0x4  }
0x88: {  	s18 =	rddreg [dreg:$0x8];
	[tilespmem:s15+$0x0] =	vst.add.f32.msk $0xffff, v0  }
0x89: {  	[hbm4b:s18+s2] =	stream.linear.scatter [tilespmem:s14], [sflag:$0x8], $0x6400, $0x38;
	[tilespmem:$0x1C400] =	vst v63  }
0x8a: {  	_ =	swait.ge [sflag:s13], $0xC8  }
0x8b: {  	[sflag:s13] =	ssyncset.done $0x0  }
0x8c: {  	[sflag:s13] =	ssyncadd.s32 $0xFFFFFF38  }
0x8d: {  	[tilespmem:s28], [sflag:$0x6] =	stream.indirect.gather [hbm4b:s4+s8], $0x80, s0, s8, $0xb8;
	[tilespmem:$0x1C400] =	vst v63  }
0x8e: {  	s19 =	simm.s32 $0x19400  }
0x8f: {  	[tilespmem:s19], [sflag:$0x6] =	stream.indirect.gather [hbm4b:s4+s10], $0x80, s21, s10, $0xb8;
	[tilespmem:$0x1C400] =	vst v63  }
0x90: {  	_ =	swait.ge [sflag:s30], $0x3400  }
0x91: {  	[sflag:s30] =	ssyncset.done $0x0  }
0x92: {  	[sflag:s30] =	ssyncadd.s32 $0xFFFFCC00  }
0x93: {  	_ =	swait.ge [sflag:s30], $0x3000  }
0x94: {  	[sflag:s30] =	ssyncset.done $0x0  }
0x95: {  	s29 =	simm.s32 $0x30;
	s20 =	rddreg [dreg:$0x18];
	[sflag:s30] =	ssyncadd.s32 $0xFFFFD000  }
0x96: {  	[tilespmem:s1], [sflag:$0x1] =	stream.linear.gather [hbm4b:s20+s2], $0xC8, $0x38;
	[tilespmem:$0x1C400] =	vst v63  }
0x97: {  	v63 =	vld [tilespmem:s29+$0xFFFFFFD0];
	_ =	sdelay $0x3  }
0x98: {  	s15 =	simm.s32 $0xFC30  }
0x99: {  	[tilespmem:s15+$0xFFFFFFD0] =	vst.add.f32.msk $0xffff, v63  }
0x9a: {  	v0 =	vld [tilespmem:s29+$0xFFFFFFE0];
	_ =	sdelay $0x4  }
0x9b: {  	[tilespmem:s15+$0xFFFFFFE0] =	vst.add.f32.msk $0xffff, v0  }
0x9c: {  	v0 =	vld [tilespmem:s29+$0xFFFFFFF0];
	_ =	sdelay $0x4  }
0x9d: {  	[tilespmem:s15+$0xFFFFFFF0] =	vst.add.f32.msk $0xffff, v0  }
0x9e: {  	v0 =	vld [tilespmem:s29+$0x0];
	_ =	sdelay $0x4  }
0x9f: {  	s17 =	simm.s32 $0x2C0;
	s16 =	simm.s32 $0x70;
	[tilespmem:s15+$0x0] =	vst.add.f32.msk $0xffff, v0  }
.LBB2_6:
0xa0: {  	p0 =	sne.s32 s17, $0xC7C0;
	v0 =	vld [tilespmem:s16+$0xFFFFFFD0];
	_ =	sdelay $0x3  }
0xa1: {  	s15 =	sadd.s32 $0x80, s15  }
0xa2: {  	[tilespmem:s15+$0xFFFFFFD0] =	vst.add.f32.msk $0xffff, v0  }
0xa3: {  	v0 =	vld [tilespmem:s16+$0xFFFFFFE0];
	_ =	sdelay $0x4  }
0xa4: {  	[tilespmem:s15+$0xFFFFFFE0] =	vst.add.f32.msk $0xffff, v0  }
0xa5: {  	v0 =	vld [tilespmem:s16+$0xFFFFFFF0];
	_ =	sdelay $0x4  }
0xa6: {  	[tilespmem:s15+$0xFFFFFFF0] =	vst.add.f32.msk $0xffff, v0  }
0xa7: {  	v0 =	vld [tilespmem:s16+$0x0]  }
.Ltmp2:
0xa8: {  	(pc) =	sbr.rel @p0 .LBB2_6-.Ltmp2, $2  }
0xa9: {  	_ =	sdelay $0x2  }
0xaa: {  	s16 =	sshra.s32 s17, $0x2;
	s17 =	sadd.s32 $0x100, s17;
	[tilespmem:s15+$0x0] =	vst.add.f32.msk $0xffff, v0  }
0xab: {  	v0 =	vld [tilespmem:s16+$0xFFFFFFD0];
	_ =	sdelay $0x3  }
0xac: {  	s15 =	sadd.s32 $0x80, s15  }
0xad: {  	[tilespmem:s15+$0xFFFFFFD0] =	vst.add.f32.msk $0xffff, v0  }
0xae: {  	v0 =	vld [tilespmem:s16+$0xFFFFFFE0];
	_ =	sdelay $0x4  }
0xaf: {  	[tilespmem:s15+$0xFFFFFFE0] =	vst.add.f32.msk $0xffff, v0  }
0xb0: {  	v0 =	vld [tilespmem:s16+$0xFFFFFFF0];
	_ =	sdelay $0x4  }
0xb1: {  	[tilespmem:s15+$0xFFFFFFF0] =	vst.add.f32.msk $0xffff, v0  }
0xb2: {  	v0 =	vld [tilespmem:s16+$0x0];
	_ =	sdelay $0x4  }
0xb3: {  	s18 =	rddreg [dreg:$0x9];
	[tilespmem:s15+$0x0] =	vst.add.f32.msk $0xffff, v0  }
0xb4: {  	[hbm4b:s18+s2] =	stream.linear.scatter [tilespmem:s24], [sflag:$0x9], $0x6400, $0x38;
	[tilespmem:$0x1C400] =	vst v63  }
0xb5: {  	_ =	swait.ge [sflag:s7], $0x6400  }
0xb6: {  	[sflag:s7] =	ssyncset.done $0x0  }
0xb7: {  	[sflag:s7] =	ssyncadd.s32 $0xFFFF9C00  }
0xb8: {  	_ =	swait.ge [sflag:s5], $0xC8  }
0xb9: {  	[sflag:s5] =	ssyncset.done $0x0  }
0xba: {  	[sflag:s5] =	ssyncadd.s32 $0xFFFFFF38  }
0xbb: {  	[tilespmem:s9], [sflag:$0x3] =	stream.indirect.gather [hbm4b:s4+s8], $0x80, s1, s8, $0xb8;
	[tilespmem:$0x1C400] =	vst v63  }
0xbc: {  	s19 =	simm.s32 $0x6800  }
0xbd: {  	[tilespmem:s19], [sflag:$0x3] =	stream.indirect.gather [hbm4b:s4+s10], $0x80, s11, s10, $0xb8;
	[tilespmem:$0x1C400] =	vst v63  }
0xbe: {  	_ =	swait.ge [sflag:s31], $0x3400  }
0xbf: {  	[sflag:s31] =	ssyncset.done $0x0  }
0xc0: {  	[sflag:s31] =	ssyncadd.s32 $0xFFFFCC00  }
0xc1: {  	_ =	swait.ge [sflag:s31], $0x3000  }
0xc2: {  	[sflag:s31] =	ssyncset.done $0x0  }
0xc3: {  	s29 =	simm.s32 $0x30;
	s20 =	rddreg [dreg:$0x19];
	[sflag:s31] =	ssyncadd.s32 $0xFFFFD000  }
0xc4: {  	[tilespmem:s0], [sflag:$0x2] =	stream.linear.gather [hbm4b:s20+s2], $0xC8, $0x38;
	[tilespmem:$0x1C400] =	vst v63  }
0xc5: {  	v63 =	vld [tilespmem:s29+$0xFFFFFFD0];
	_ =	sdelay $0x3  }
0xc6: {  	s15 =	simm.s32 $0x16030  }
0xc7: {  	[tilespmem:s15+$0xFFFFFFD0] =	vst.add.f32.msk $0xffff, v63  }
0xc8: {  	v0 =	vld [tilespmem:s29+$0xFFFFFFE0];
	_ =	sdelay $0x4  }
0xc9: {  	[tilespmem:s15+$0xFFFFFFE0] =	vst.add.f32.msk $0xffff, v0  }
0xca: {  	v0 =	vld [tilespmem:s29+$0xFFFFFFF0];
	_ =	sdelay $0x4  }
0xcb: {  	[tilespmem:s15+$0xFFFFFFF0] =	vst.add.f32.msk $0xffff, v0  }
0xcc: {  	v0 =	vld [tilespmem:s29+$0x0];
	_ =	sdelay $0x4  }
0xcd: {  	s17 =	simm.s32 $0x2C0;
	s16 =	simm.s32 $0x70;
	[tilespmem:s15+$0x0] =	vst.add.f32.msk $0xffff, v0  }
.LBB2_8:
0xce: {  	p0 =	sne.s32 s17, $0xC7C0;
	v0 =	vld [tilespmem:s16+$0xFFFFFFD0];
	_ =	sdelay $0x3  }
0xcf: {  	s15 =	sadd.s32 $0x80, s15  }
0xd0: {  	[tilespmem:s15+$0xFFFFFFD0] =	vst.add.f32.msk $0xffff, v0  }
0xd1: {  	v0 =	vld [tilespmem:s16+$0xFFFFFFE0];
	_ =	sdelay $0x4  }
0xd2: {  	[tilespmem:s15+$0xFFFFFFE0] =	vst.add.f32.msk $0xffff, v0  }
0xd3: {  	v0 =	vld [tilespmem:s16+$0xFFFFFFF0];
	_ =	sdelay $0x4  }
0xd4: {  	[tilespmem:s15+$0xFFFFFFF0] =	vst.add.f32.msk $0xffff, v0  }
0xd5: {  	v0 =	vld [tilespmem:s16+$0x0]  }
.Ltmp3:
0xd6: {  	(pc) =	sbr.rel @p0 .LBB2_8-.Ltmp3, $2  }
0xd7: {  	_ =	sdelay $0x2  }
0xd8: {  	s16 =	sshra.s32 s17, $0x2;
	s17 =	sadd.s32 $0x100, s17;
	[tilespmem:s15+$0x0] =	vst.add.f32.msk $0xffff, v0  }
0xd9: {  	v0 =	vld [tilespmem:s16+$0xFFFFFFD0];
	_ =	sdelay $0x3  }
0xda: {  	s15 =	sadd.s32 $0x80, s15  }
0xdb: {  	[tilespmem:s15+$0xFFFFFFD0] =	vst.add.f32.msk $0xffff, v0  }
0xdc: {  	v0 =	vld [tilespmem:s16+$0xFFFFFFE0];
	_ =	sdelay $0x4  }
0xdd: {  	[tilespmem:s15+$0xFFFFFFE0] =	vst.add.f32.msk $0xffff, v0  }
0xde: {  	v0 =	vld [tilespmem:s16+$0xFFFFFFF0];
	_ =	sdelay $0x4  }
0xdf: {  	[tilespmem:s15+$0xFFFFFFF0] =	vst.add.f32.msk $0xffff, v0  }
0xe0: {  	v0 =	vld [tilespmem:s16+$0x0];
	_ =	sdelay $0x4  }
0xe1: {  	s29 =	simm.s32 $0x0;
	s20 =	rddreg [dreg:$0xa];
	[tilespmem:s15+$0x0] =	vst.add.f32.msk $0xffff, v0  }
0xe2: {  	[hbm4b:s20+s29] =	stream.linear.scatter [tilespmem:s28], [sflag:$0xA], $0x6400, $0x38;
	[tilespmem:$0x1C400] =	vst v63  }
.LBB2_10:
0xe3: {  	_ =	swait.ge [sflag:s12], $0x6400  }
0xe4: {  	[sflag:s12] =	ssyncset.done $0x0  }
0xe5: {  	[sflag:s12] =	ssyncadd.s32 $0xFFFF9C00  }
0xe6: {  	_ =	swait.ge [sflag:s13], $0xC8  }
0xe7: {  	[sflag:s13] =	ssyncset.done $0x0  }
0xe8: {  	[sflag:s13] =	ssyncadd.s32 $0xFFFFFF38  }
0xe9: {  	[tilespmem:s14], [sflag:$0x4] =	stream.indirect.gather [hbm4b:s4+s8], $0x80, s0, s8, $0xb8;
	[tilespmem:$0x1C400] =	vst v63  }
0xea: {  	s15 =	simm.s32 $0xCC00  }
0xeb: {  	[tilespmem:s15], [sflag:$0x4] =	stream.indirect.gather [hbm4b:s4+s10], $0x80, s21, s10, $0xb8;
	[tilespmem:$0x1C400] =	vst v63  }
0xec: {  	_ =	swait.ge [sflag:s23], $0x3400  }
0xed: {  	s15 =	sshll.u32 s29, $0x2;
	[sflag:s23] =	ssyncset.done $0x0;
	s16 =	rddreg [dreg:$0xc]  }
0xee: {  	[sflag:s23] =	ssyncadd.s32 $0xFFFFCC00;
	s16 =	sadd.s32 s15, s16  }
0xef: {  	_ =	swait.ge [sflag:s23], $0x3000;
	s17 =	smul.u32 $0x19, s16  }
0xf0: {  	[sflag:s23] =	ssyncset.done $0x0  }
0xf1: {  	s18 =	simm.s32 $0x30;
	[sflag:s23] =	ssyncadd.s32 $0xFFFFD000;
	s17 =	sadd.s32 s3, s17  }
0xf2: {  	[tilespmem:s1], [sflag:$0x1] =	stream.linear.gather [hbm4b:s17+s2], $0xC8, $0x38;
	[tilespmem:$0x1C400] =	vst v63  }
0xf3: {  	v0 =	vld [tilespmem:s18+$0xFFFFFFD0];
	_ =	sdelay $0x3  }
0xf4: {  	s17 =	simm.s32 $0x3430  }
0xf5: {  	[tilespmem:s17+$0xFFFFFFD0] =	vst.add.f32.msk $0xffff, v0  }
0xf6: {  	v0 =	vld [tilespmem:s18+$0xFFFFFFE0];
	_ =	sdelay $0x4  }
0xf7: {  	[tilespmem:s17+$0xFFFFFFE0] =	vst.add.f32.msk $0xffff, v0  }
0xf8: {  	v0 =	vld [tilespmem:s18+$0xFFFFFFF0];
	_ =	sdelay $0x4  }
0xf9: {  	[tilespmem:s17+$0xFFFFFFF0] =	vst.add.f32.msk $0xffff, v0  }
0xfa: {  	v0 =	vld [tilespmem:s18+$0x0];
	_ =	sdelay $0x4  }
0xfb: {  	s19 =	simm.s32 $0x2C0;
	s18 =	simm.s32 $0x70;
	[tilespmem:s17+$0x0] =	vst.add.f32.msk $0xffff, v0  }
.LBB2_11:
0xfc: {  	p0 =	sne.s32 s19, $0xC7C0;
	v0 =	vld [tilespmem:s18+$0xFFFFFFD0];
	_ =	sdelay $0x3  }
0xfd: {  	s17 =	sadd.s32 $0x80, s17  }
0xfe: {  	[tilespmem:s17+$0xFFFFFFD0] =	vst.add.f32.msk $0xffff, v0  }
0xff: {  	v0 =	vld [tilespmem:s18+$0xFFFFFFE0];
	_ =	sdelay $0x4  }
0x100: {  	[tilespmem:s17+$0xFFFFFFE0] =	vst.add.f32.msk $0xffff, v0  }
0x101: {  	v0 =	vld [tilespmem:s18+$0xFFFFFFF0];
	_ =	sdelay $0x4  }
0x102: {  	[tilespmem:s17+$0xFFFFFFF0] =	vst.add.f32.msk $0xffff, v0  }
0x103: {  	v0 =	vld [tilespmem:s18+$0x0]  }
.Ltmp4:
0x104: {  	(pc) =	sbr.rel @p0 .LBB2_11-.Ltmp4, $2  }
0x105: {  	_ =	sdelay $0x2  }
0x106: {  	s18 =	sshra.s32 s19, $0x2;
	s19 =	sadd.s32 $0x100, s19;
	[tilespmem:s17+$0x0] =	vst.add.f32.msk $0xffff, v0  }
0x107: {  	v0 =	vld [tilespmem:s18+$0xFFFFFFD0];
	_ =	sdelay $0x3  }
0x108: {  	s17 =	sadd.s32 $0x80, s17  }
0x109: {  	[tilespmem:s17+$0xFFFFFFD0] =	vst.add.f32.msk $0xffff, v0  }
0x10a: {  	v0 =	vld [tilespmem:s18+$0xFFFFFFE0];
	_ =	sdelay $0x4  }
0x10b: {  	[tilespmem:s17+$0xFFFFFFE0] =	vst.add.f32.msk $0xffff, v0  }
0x10c: {  	v0 =	vld [tilespmem:s18+$0xFFFFFFF0];
	_ =	sdelay $0x4  }
0x10d: {  	[tilespmem:s17+$0xFFFFFFF0] =	vst.add.f32.msk $0xffff, v0  }
0x10e: {  	v0 =	vld [tilespmem:s18+$0x0]  }
0x10f: {  	s19 =	rddreg [dreg:$0xd]  }
0x110: {  	s18 =	sadd.s32 s15, s19  }
0x111: {  	s18 =	smul.u32 $0xC80, s18;
	_ =	sdelay $0x1  }
0x112: {  	s20 =	sadd.s32 s6, s18;
	[tilespmem:s17+$0x0] =	vst.add.f32.msk $0xffff, v0  }
0x113: {  	[hbm4b:s20+s2] =	stream.linear.scatter [tilespmem:s9], [sflag:$0x7], $0x6400, $0x38;
	[tilespmem:$0x1C400] =	vst v63  }
0x114: {  	_ =	swait.ge [sflag:s22], $0x6400  }
0x115: {  	[sflag:s22] =	ssyncset.done $0x0  }
0x116: {  	[sflag:s22] =	ssyncadd.s32 $0xFFFF9C00  }
0x117: {  	_ =	swait.ge [sflag:s5], $0xC8  }
0x118: {  	[sflag:s5] =	ssyncset.done $0x0  }
0x119: {  	[sflag:s5] =	ssyncadd.s32 $0xFFFFFF38  }
0x11a: {  	[tilespmem:s24], [sflag:$0x5] =	stream.indirect.gather [hbm4b:s4+s8], $0x80, s1, s8, $0xb8;
	[tilespmem:$0x1C400] =	vst v63  }
0x11b: {  	s18 =	simm.s32 $0x13000  }
0x11c: {  	[tilespmem:s18], [sflag:$0x5] =	stream.indirect.gather [hbm4b:s4+s10], $0x80, s11, s10, $0xb8;
	[tilespmem:$0x1C400] =	vst v63  }
0x11d: {  	_ =	swait.ge [sflag:s26], $0x3400  }
0x11e: {  	[sflag:s26] =	ssyncset.done $0x0;
	s19 =	rddreg [dreg:$0xe]  }
0x11f: {  	[sflag:s26] =	ssyncadd.s32 $0xFFFFCC00;
	s17 =	sadd.s32 s15, s19  }
0x120: {  	_ =	swait.ge [sflag:s26], $0x3000;
	s20 =	smul.u32 $0x19, s17  }
0x121: {  	[sflag:s26] =	ssyncset.done $0x0  }
0x122: {  	s19 =	simm.s32 $0x30;
	[sflag:s26] =	ssyncadd.s32 $0xFFFFD000;
	s18 =	sadd.s32 s3, s20  }
0x123: {  	[tilespmem:s0], [sflag:$0x2] =	stream.linear.gather [hbm4b:s18+s2], $0xC8, $0x38;
	[tilespmem:$0x1C400] =	vst v63  }
0x124: {  	v63 =	vld [tilespmem:s19+$0xFFFFFFD0];
	_ =	sdelay $0x3  }
0x125: {  	s18 =	simm.s32 $0x9830  }
0x126: {  	[tilespmem:s18+$0xFFFFFFD0] =	vst.add.f32.msk $0xffff, v63  }
0x127: {  	v0 =	vld [tilespmem:s19+$0xFFFFFFE0];
	_ =	sdelay $0x4  }
0x128: {  	[tilespmem:s18+$0xFFFFFFE0] =	vst.add.f32.msk $0xffff, v0  }
0x129: {  	v0 =	vld [tilespmem:s19+$0xFFFFFFF0];
	_ =	sdelay $0x4  }
0x12a: {  	[tilespmem:s18+$0xFFFFFFF0] =	vst.add.f32.msk $0xffff, v0  }
0x12b: {  	v0 =	vld [tilespmem:s19+$0x0];
	_ =	sdelay $0x4  }
0x12c: {  	s20 =	simm.s32 $0x2C0;
	s19 =	simm.s32 $0x70;
	[tilespmem:s18+$0x0] =	vst.add.f32.msk $0xffff, v0  }
.LBB2_13:
0x12d: {  	p0 =	sne.s32 s20, $0xC7C0;
	v0 =	vld [tilespmem:s19+$0xFFFFFFD0];
	_ =	sdelay $0x3  }
0x12e: {  	s18 =	sadd.s32 $0x80, s18  }
0x12f: {  	[tilespmem:s18+$0xFFFFFFD0] =	vst.add.f32.msk $0xffff, v0  }
0x130: {  	v0 =	vld [tilespmem:s19+$0xFFFFFFE0];
	_ =	sdelay $0x4  }
0x131: {  	[tilespmem:s18+$0xFFFFFFE0] =	vst.add.f32.msk $0xffff, v0  }
0x132: {  	v0 =	vld [tilespmem:s19+$0xFFFFFFF0];
	_ =	sdelay $0x4  }
0x133: {  	[tilespmem:s18+$0xFFFFFFF0] =	vst.add.f32.msk $0xffff, v0  }
0x134: {  	v0 =	vld [tilespmem:s19+$0x0]  }
.Ltmp5:
0x135: {  	(pc) =	sbr.rel @p0 .LBB2_13-.Ltmp5, $2  }
0x136: {  	_ =	sdelay $0x2  }
0x137: {  	s19 =	sshra.s32 s20, $0x2;
	s20 =	sadd.s32 $0x100, s20;
	[tilespmem:s18+$0x0] =	vst.add.f32.msk $0xffff, v0  }
0x138: {  	v0 =	vld [tilespmem:s19+$0xFFFFFFD0];
	_ =	sdelay $0x3  }
0x139: {  	s18 =	sadd.s32 $0x80, s18  }
0x13a: {  	[tilespmem:s18+$0xFFFFFFD0] =	vst.add.f32.msk $0xffff, v0  }
0x13b: {  	v0 =	vld [tilespmem:s19+$0xFFFFFFE0];
	_ =	sdelay $0x4  }
0x13c: {  	[tilespmem:s18+$0xFFFFFFE0] =	vst.add.f32.msk $0xffff, v0  }
0x13d: {  	v0 =	vld [tilespmem:s19+$0xFFFFFFF0];
	_ =	sdelay $0x4  }
0x13e: {  	[tilespmem:s18+$0xFFFFFFF0] =	vst.add.f32.msk $0xffff, v0  }
0x13f: {  	v0 =	vld [tilespmem:s19+$0x0]  }
0x140: {  	s20 =	rddreg [dreg:$0xb]  }
0x141: {  	s19 =	sadd.s32 s15, s20  }
0x142: {  	s19 =	smul.u32 $0xC80, s19;
	_ =	sdelay $0x1  }
0x143: {  	s19 =	sadd.s32 s6, s19;
	[tilespmem:s18+$0x0] =	vst.add.f32.msk $0xffff, v0  }
0x144: {  	[hbm4b:s19+s2] =	stream.linear.scatter [tilespmem:s14], [sflag:$0x8], $0x6400, $0x38;
	[tilespmem:$0x1C400] =	vst v63  }
0x145: {  	_ =	swait.ge [sflag:s25], $0x6400  }
0x146: {  	[sflag:s25] =	ssyncset.done $0x0  }
0x147: {  	[sflag:s25] =	ssyncadd.s32 $0xFFFF9C00  }
0x148: {  	_ =	swait.ge [sflag:s13], $0xC8  }
0x149: {  	[sflag:s13] =	ssyncset.done $0x0  }
0x14a: {  	[sflag:s13] =	ssyncadd.s32 $0xFFFFFF38  }
0x14b: {  	[tilespmem:s28], [sflag:$0x6] =	stream.indirect.gather [hbm4b:s4+s8], $0x80, s0, s8, $0xb8;
	[tilespmem:$0x1C400] =	vst v63  }
0x14c: {  	s20 =	simm.s32 $0x19400  }
0x14d: {  	[tilespmem:s20], [sflag:$0x6] =	stream.indirect.gather [hbm4b:s4+s10], $0x80, s21, s10, $0xb8;
	[tilespmem:$0x1C400] =	vst v63  }
0x14e: {  	_ =	swait.ge [sflag:s30], $0x3400  }
0x14f: {  	[sflag:s30] =	ssyncset.done $0x0;
	s19 =	rddreg [dreg:$0xf]  }
0x150: {  	[sflag:s30] =	ssyncadd.s32 $0xFFFFCC00;
	s18 =	sadd.s32 s15, s19  }
0x151: {  	_ =	swait.ge [sflag:s30], $0x3000;
	s18 =	smul.u32 $0x19, s18  }
0x152: {  	[sflag:s30] =	ssyncset.done $0x0  }
0x153: {  	s20 =	simm.s32 $0x30;
	[sflag:s30] =	ssyncadd.s32 $0xFFFFD000;
	s18 =	sadd.s32 s3, s18  }
0x154: {  	[tilespmem:s1], [sflag:$0x1] =	stream.linear.gather [hbm4b:s18+s2], $0xC8, $0x38;
	[tilespmem:$0x1C400] =	vst v63  }
0x155: {  	v63 =	vld [tilespmem:s20+$0xFFFFFFD0];
	_ =	sdelay $0x3  }
0x156: {  	s18 =	simm.s32 $0xFC30  }
0x157: {  	[tilespmem:s18+$0xFFFFFFD0] =	vst.add.f32.msk $0xffff, v63  }
0x158: {  	v0 =	vld [tilespmem:s20+$0xFFFFFFE0];
	_ =	sdelay $0x4  }
0x159: {  	[tilespmem:s18+$0xFFFFFFE0] =	vst.add.f32.msk $0xffff, v0  }
0x15a: {  	v0 =	vld [tilespmem:s20+$0xFFFFFFF0];
	_ =	sdelay $0x4  }
0x15b: {  	[tilespmem:s18+$0xFFFFFFF0] =	vst.add.f32.msk $0xffff, v0  }
0x15c: {  	v0 =	vld [tilespmem:s20+$0x0];
	_ =	sdelay $0x4  }
0x15d: {  	s19 =	simm.s32 $0x70;
	s20 =	simm.s32 $0x2C0;
	[tilespmem:s18+$0x0] =	vst.add.f32.msk $0xffff, v0  }
.LBB2_15:
0x15e: {  	p0 =	sne.s32 s20, $0xC7C0;
	v0 =	vld [tilespmem:s19+$0xFFFFFFD0];
	_ =	sdelay $0x3  }
0x15f: {  	s18 =	sadd.s32 $0x80, s18  }
0x160: {  	[tilespmem:s18+$0xFFFFFFD0] =	vst.add.f32.msk $0xffff, v0  }
0x161: {  	v0 =	vld [tilespmem:s19+$0xFFFFFFE0];
	_ =	sdelay $0x4  }
0x162: {  	[tilespmem:s18+$0xFFFFFFE0] =	vst.add.f32.msk $0xffff, v0  }
0x163: {  	v0 =	vld [tilespmem:s19+$0xFFFFFFF0];
	_ =	sdelay $0x4  }
0x164: {  	[tilespmem:s18+$0xFFFFFFF0] =	vst.add.f32.msk $0xffff, v0  }
0x165: {  	v0 =	vld [tilespmem:s19+$0x0]  }
.Ltmp6:
0x166: {  	(pc) =	sbr.rel @p0 .LBB2_15-.Ltmp6, $2  }
0x167: {  	_ =	sdelay $0x2  }
0x168: {  	s19 =	sshra.s32 s20, $0x2;
	s20 =	sadd.s32 $0x100, s20;
	[tilespmem:s18+$0x0] =	vst.add.f32.msk $0xffff, v0  }
0x169: {  	v0 =	vld [tilespmem:s19+$0xFFFFFFD0];
	_ =	sdelay $0x3  }
0x16a: {  	s18 =	sadd.s32 $0x80, s18  }
0x16b: {  	[tilespmem:s18+$0xFFFFFFD0] =	vst.add.f32.msk $0xffff, v0  }
0x16c: {  	v0 =	vld [tilespmem:s19+$0xFFFFFFE0];
	_ =	sdelay $0x4  }
0x16d: {  	[tilespmem:s18+$0xFFFFFFE0] =	vst.add.f32.msk $0xffff, v0  }
0x16e: {  	v0 =	vld [tilespmem:s19+$0xFFFFFFF0];
	_ =	sdelay $0x4  }
0x16f: {  	[tilespmem:s18+$0xFFFFFFF0] =	vst.add.f32.msk $0xffff, v0  }
0x170: {  	v0 =	vld [tilespmem:s19+$0x0];
	_ =	sdelay $0x2  }
0x171: {  	s16 =	smul.u32 $0xC80, s16;
	_ =	sdelay $0x1  }
0x172: {  	s16 =	sadd.s32 s6, s16;
	[tilespmem:s18+$0x0] =	vst.add.f32.msk $0xffff, v0  }
0x173: {  	[hbm4b:s16+s2] =	stream.linear.scatter [tilespmem:s24], [sflag:$0x9], $0x6400, $0x38;
	[tilespmem:$0x1C400] =	vst v63  }
0x174: {  	_ =	swait.ge [sflag:s7], $0x6400  }
0x175: {  	[sflag:s7] =	ssyncset.done $0x0  }
0x176: {  	[sflag:s7] =	ssyncadd.s32 $0xFFFF9C00  }
0x177: {  	_ =	swait.ge [sflag:s5], $0xC8  }
0x178: {  	[sflag:s5] =	ssyncset.done $0x0  }
0x179: {  	[sflag:s5] =	ssyncadd.s32 $0xFFFFFF38  }
0x17a: {  	[tilespmem:s9], [sflag:$0x3] =	stream.indirect.gather [hbm4b:s4+s8], $0x80, s1, s8, $0xb8;
	[tilespmem:$0x1C400] =	vst v63  }
0x17b: {  	s18 =	simm.s32 $0x6800  }
0x17c: {  	[tilespmem:s18], [sflag:$0x3] =	stream.indirect.gather [hbm4b:s4+s10], $0x80, s11, s10, $0xb8;
	[tilespmem:$0x1C400] =	vst v63  }
0x17d: {  	_ =	swait.ge [sflag:s31], $0x3400  }
0x17e: {  	[sflag:s31] =	ssyncset.done $0x0;
	s19 =	rddreg [dreg:$0x10]  }
0x17f: {  	[sflag:s31] =	ssyncadd.s32 $0xFFFFCC00;
	s15 =	sadd.s32 s15, s19  }
0x180: {  	_ =	swait.ge [sflag:s31], $0x3000;
	s15 =	smul.u32 $0x19, s15  }
0x181: {  	[sflag:s31] =	ssyncset.done $0x0  }
0x182: {  	s20 =	simm.s32 $0x30;
	[sflag:s31] =	ssyncadd.s32 $0xFFFFD000;
	s15 =	sadd.s32 s3, s15  }
0x183: {  	[tilespmem:s0], [sflag:$0x2] =	stream.linear.gather [hbm4b:s15+s2], $0xC8, $0x38;
	[tilespmem:$0x1C400] =	vst v63  }
0x184: {  	v63 =	vld [tilespmem:s20+$0xFFFFFFD0];
	_ =	sdelay $0x3  }
0x185: {  	s15 =	simm.s32 $0x16030  }
0x186: {  	[tilespmem:s15+$0xFFFFFFD0] =	vst.add.f32.msk $0xffff, v63  }
0x187: {  	v0 =	vld [tilespmem:s20+$0xFFFFFFE0];
	_ =	sdelay $0x4  }
0x188: {  	[tilespmem:s15+$0xFFFFFFE0] =	vst.add.f32.msk $0xffff, v0  }
0x189: {  	v0 =	vld [tilespmem:s20+$0xFFFFFFF0];
	_ =	sdelay $0x4  }
0x18a: {  	[tilespmem:s15+$0xFFFFFFF0] =	vst.add.f32.msk $0xffff, v0  }
0x18b: {  	v0 =	vld [tilespmem:s20+$0x0];
	_ =	sdelay $0x4  }
0x18c: {  	s16 =	simm.s32 $0x70;
	s18 =	simm.s32 $0x2C0;
	[tilespmem:s15+$0x0] =	vst.add.f32.msk $0xffff, v0  }
.LBB2_17:
0x18d: {  	p0 =	sne.s32 s18, $0xC7C0;
	v0 =	vld [tilespmem:s16+$0xFFFFFFD0];
	_ =	sdelay $0x3  }
0x18e: {  	s15 =	sadd.s32 $0x80, s15  }
0x18f: {  	[tilespmem:s15+$0xFFFFFFD0] =	vst.add.f32.msk $0xffff, v0  }
0x190: {  	v0 =	vld [tilespmem:s16+$0xFFFFFFE0];
	_ =	sdelay $0x4  }
0x191: {  	[tilespmem:s15+$0xFFFFFFE0] =	vst.add.f32.msk $0xffff, v0  }
0x192: {  	v0 =	vld [tilespmem:s16+$0xFFFFFFF0];
	_ =	sdelay $0x4  }
0x193: {  	[tilespmem:s15+$0xFFFFFFF0] =	vst.add.f32.msk $0xffff, v0  }
0x194: {  	v0 =	vld [tilespmem:s16+$0x0]  }
.Ltmp7:
0x195: {  	(pc) =	sbr.rel @p0 .LBB2_17-.Ltmp7, $2  }
0x196: {  	_ =	sdelay $0x2  }
0x197: {  	s16 =	sshra.s32 s18, $0x2;
	s18 =	sadd.s32 $0x100, s18;
	[tilespmem:s15+$0x0] =	vst.add.f32.msk $0xffff, v0  }
0x198: {  	v0 =	vld [tilespmem:s16+$0xFFFFFFD0];
	_ =	sdelay $0x3  }
0x199: {  	s15 =	sadd.s32 $0x80, s15  }
0x19a: {  	[tilespmem:s15+$0xFFFFFFD0] =	vst.add.f32.msk $0xffff, v0  }
0x19b: {  	v0 =	vld [tilespmem:s16+$0xFFFFFFE0];
	_ =	sdelay $0x4  }
0x19c: {  	[tilespmem:s15+$0xFFFFFFE0] =	vst.add.f32.msk $0xffff, v0  }
0x19d: {  	v0 =	vld [tilespmem:s16+$0xFFFFFFF0];
	_ =	sdelay $0x4  }
0x19e: {  	[tilespmem:s15+$0xFFFFFFF0] =	vst.add.f32.msk $0xffff, v0  }
0x19f: {  	s29 =	sadd.s32 $0x1, s29;
	v0 =	vld [tilespmem:s16+$0x0]  }
0x1a0: {  	p0 =	sne.s32 s29, $0x1E  }
.Ltmp8:
0x1a1: {  	_ = 	snop;
	(pc) =	sbr.rel @p0 .LBB2_10-.Ltmp8, $3  }
0x1a2: {  	s19 =	smul.u32 $0xC80, s17;
	_ =	sdelay $0x1  }
0x1a3: {  	s20 =	sadd.s32 s6, s19;
	[tilespmem:s15+$0x0] =	vst.add.f32.msk $0xffff, v0  }
0x1a4: {  	[hbm4b:s20+s2] =	stream.linear.scatter [tilespmem:s28], [sflag:$0xA], $0x6400, $0x38;
	[tilespmem:$0x1C400] =	vst v63  }
0x1a5: {  	_ =	swait.ge [sflag:s12], $0x6400  }
0x1a6: {  	[sflag:s12] =	ssyncset.done $0x0  }
0x1a7: {  	[sflag:s12] =	ssyncadd.s32 $0xFFFF9C00  }
0x1a8: {  	_ =	swait.ge [sflag:s13], $0xC8  }
0x1a9: {  	[sflag:s13] =	ssyncset.done $0x0  }
0x1aa: {  	[sflag:s13] =	ssyncadd.s32 $0xFFFFFF38  }
0x1ab: {  	[tilespmem:s14], [sflag:$0x4] =	stream.indirect.gather [hbm4b:s4+s8], $0x80, s0, s8, $0xb8;
	[tilespmem:$0x1C400] =	vst v63  }
0x1ac: {  	s15 =	simm.s32 $0xCC00  }
0x1ad: {  	[tilespmem:s15], [sflag:$0x4] =	stream.indirect.gather [hbm4b:s4+s10], $0x80, s21, s10, $0xb8;
	[tilespmem:$0x1C400] =	vst v63  }
0x1ae: {  	_ =	swait.ge [sflag:s23], $0x3400  }
0x1af: {  	[sflag:s23] =	ssyncset.done $0x0  }
0x1b0: {  	[sflag:s23] =	ssyncadd.s32 $0xFFFFCC00  }
0x1b1: {  	_ =	swait.ge [sflag:s23], $0x3000  }
0x1b2: {  	[sflag:s23] =	ssyncset.done $0x0  }
0x1b3: {  	s16 =	simm.s32 $0x30;
	s29 =	rddreg [dreg:$0x11];
	[sflag:s23] =	ssyncadd.s32 $0xFFFFD000  }
0x1b4: {  	[tilespmem:s1], [sflag:$0x1] =	stream.linear.gather [hbm4b:s29+s2], $0xC8, $0x38;
	[tilespmem:$0x1C400] =	vst v63  }
0x1b5: {  	v0 =	vld [tilespmem:s16+$0xFFFFFFD0];
	_ =	sdelay $0x3  }
0x1b6: {  	s15 =	simm.s32 $0x3430  }
0x1b7: {  	[tilespmem:s15+$0xFFFFFFD0] =	vst.add.f32.msk $0xffff, v0  }
0x1b8: {  	v0 =	vld [tilespmem:s16+$0xFFFFFFE0];
	_ =	sdelay $0x4  }
0x1b9: {  	[tilespmem:s15+$0xFFFFFFE0] =	vst.add.f32.msk $0xffff, v0  }
0x1ba: {  	v0 =	vld [tilespmem:s16+$0xFFFFFFF0];
	_ =	sdelay $0x4  }
0x1bb: {  	[tilespmem:s15+$0xFFFFFFF0] =	vst.add.f32.msk $0xffff, v0  }
0x1bc: {  	v0 =	vld [tilespmem:s16+$0x0];
	_ =	sdelay $0x4  }
0x1bd: {  	s17 =	simm.s32 $0x2C0;
	s16 =	simm.s32 $0x70;
	[tilespmem:s15+$0x0] =	vst.add.f32.msk $0xffff, v0  }
.LBB2_20:
0x1be: {  	p0 =	sne.s32 s17, $0xC7C0;
	v0 =	vld [tilespmem:s16+$0xFFFFFFD0];
	_ =	sdelay $0x3  }
0x1bf: {  	s15 =	sadd.s32 $0x80, s15  }
0x1c0: {  	[tilespmem:s15+$0xFFFFFFD0] =	vst.add.f32.msk $0xffff, v0  }
0x1c1: {  	v0 =	vld [tilespmem:s16+$0xFFFFFFE0];
	_ =	sdelay $0x4  }
0x1c2: {  	[tilespmem:s15+$0xFFFFFFE0] =	vst.add.f32.msk $0xffff, v0  }
0x1c3: {  	v0 =	vld [tilespmem:s16+$0xFFFFFFF0];
	_ =	sdelay $0x4  }
0x1c4: {  	[tilespmem:s15+$0xFFFFFFF0] =	vst.add.f32.msk $0xffff, v0  }
0x1c5: {  	v0 =	vld [tilespmem:s16+$0x0]  }
.Ltmp9:
0x1c6: {  	(pc) =	sbr.rel @p0 .LBB2_20-.Ltmp9, $2  }
0x1c7: {  	_ =	sdelay $0x2  }
0x1c8: {  	s16 =	sshra.s32 s17, $0x2;
	s17 =	sadd.s32 $0x100, s17;
	[tilespmem:s15+$0x0] =	vst.add.f32.msk $0xffff, v0  }
0x1c9: {  	v0 =	vld [tilespmem:s16+$0xFFFFFFD0];
	_ =	sdelay $0x3  }
0x1ca: {  	s15 =	sadd.s32 $0x80, s15  }
0x1cb: {  	[tilespmem:s15+$0xFFFFFFD0] =	vst.add.f32.msk $0xffff, v0  }
0x1cc: {  	v0 =	vld [tilespmem:s16+$0xFFFFFFE0];
	_ =	sdelay $0x4  }
0x1cd: {  	[tilespmem:s15+$0xFFFFFFE0] =	vst.add.f32.msk $0xffff, v0  }
0x1ce: {  	v0 =	vld [tilespmem:s16+$0xFFFFFFF0];
	_ =	sdelay $0x4  }
0x1cf: {  	[tilespmem:s15+$0xFFFFFFF0] =	vst.add.f32.msk $0xffff, v0  }
0x1d0: {  	v0 =	vld [tilespmem:s16+$0x0];
	_ =	sdelay $0x4  }
0x1d1: {  	s18 =	rddreg [dreg:$0x13];
	[tilespmem:s15+$0x0] =	vst.add.f32.msk $0xffff, v0  }
0x1d2: {  	[hbm4b:s18+s2] =	stream.linear.scatter [tilespmem:s9], [sflag:$0x7], $0x6400, $0x38;
	[tilespmem:$0x1C400] =	vst v63  }
0x1d3: {  	_ =	swait.ge [sflag:s22], $0x6400  }
0x1d4: {  	[sflag:s22] =	ssyncset.done $0x0  }
0x1d5: {  	[sflag:s22] =	ssyncadd.s32 $0xFFFF9C00  }
0x1d6: {  	_ =	swait.ge [sflag:s5], $0xC8  }
0x1d7: {  	[sflag:s5] =	ssyncset.done $0x0  }
0x1d8: {  	[sflag:s5] =	ssyncadd.s32 $0xFFFFFF38  }
0x1d9: {  	[tilespmem:s24], [sflag:$0x5] =	stream.indirect.gather [hbm4b:s4+s8], $0x80, s1, s8, $0xb8;
	[tilespmem:$0x1C400] =	vst v63  }
0x1da: {  	s19 =	simm.s32 $0x13000  }
0x1db: {  	[tilespmem:s19], [sflag:$0x5] =	stream.indirect.gather [hbm4b:s4+s10], $0x80, s11, s10, $0xb8;
	[tilespmem:$0x1C400] =	vst v63  }
0x1dc: {  	_ =	swait.ge [sflag:s26], $0x3400  }
0x1dd: {  	[sflag:s26] =	ssyncset.done $0x0  }
0x1de: {  	[sflag:s26] =	ssyncadd.s32 $0xFFFFCC00  }
0x1df: {  	_ =	swait.ge [sflag:s26], $0x3000  }
0x1e0: {  	[sflag:s26] =	ssyncset.done $0x0  }
0x1e1: {  	s29 =	simm.s32 $0x30;
	s20 =	rddreg [dreg:$0x12];
	[sflag:s26] =	ssyncadd.s32 $0xFFFFD000  }
0x1e2: {  	[tilespmem:s0], [sflag:$0x2] =	stream.linear.gather [hbm4b:s20+s2], $0xC8, $0x38;
	[tilespmem:$0x1C400] =	vst v63  }
0x1e3: {  	v63 =	vld [tilespmem:s29+$0xFFFFFFD0];
	_ =	sdelay $0x3  }
0x1e4: {  	s15 =	simm.s32 $0x9830  }
0x1e5: {  	[tilespmem:s15+$0xFFFFFFD0] =	vst.add.f32.msk $0xffff, v63  }
0x1e6: {  	v0 =	vld [tilespmem:s29+$0xFFFFFFE0];
	_ =	sdelay $0x4  }
0x1e7: {  	[tilespmem:s15+$0xFFFFFFE0] =	vst.add.f32.msk $0xffff, v0  }
0x1e8: {  	v0 =	vld [tilespmem:s29+$0xFFFFFFF0];
	_ =	sdelay $0x4  }
0x1e9: {  	[tilespmem:s15+$0xFFFFFFF0] =	vst.add.f32.msk $0xffff, v0  }
0x1ea: {  	v0 =	vld [tilespmem:s29+$0x0];
	_ =	sdelay $0x4  }
0x1eb: {  	s17 =	simm.s32 $0x2C0;
	s16 =	simm.s32 $0x70;
	[tilespmem:s15+$0x0] =	vst.add.f32.msk $0xffff, v0  }
.LBB2_22:
0x1ec: {  	p0 =	sne.s32 s17, $0xC7C0;
	v0 =	vld [tilespmem:s16+$0xFFFFFFD0];
	_ =	sdelay $0x3  }
0x1ed: {  	s15 =	sadd.s32 $0x80, s15  }
0x1ee: {  	[tilespmem:s15+$0xFFFFFFD0] =	vst.add.f32.msk $0xffff, v0  }
0x1ef: {  	v0 =	vld [tilespmem:s16+$0xFFFFFFE0];
	_ =	sdelay $0x4  }
0x1f0: {  	[tilespmem:s15+$0xFFFFFFE0] =	vst.add.f32.msk $0xffff, v0  }
0x1f1: {  	v0 =	vld [tilespmem:s16+$0xFFFFFFF0];
	_ =	sdelay $0x4  }
0x1f2: {  	[tilespmem:s15+$0xFFFFFFF0] =	vst.add.f32.msk $0xffff, v0  }
0x1f3: {  	v0 =	vld [tilespmem:s16+$0x0]  }
.Ltmp10:
0x1f4: {  	(pc) =	sbr.rel @p0 .LBB2_22-.Ltmp10, $2  }
0x1f5: {  	_ =	sdelay $0x2  }
0x1f6: {  	s16 =	sshra.s32 s17, $0x2;
	s17 =	sadd.s32 $0x100, s17;
	[tilespmem:s15+$0x0] =	vst.add.f32.msk $0xffff, v0  }
0x1f7: {  	v0 =	vld [tilespmem:s16+$0xFFFFFFD0];
	_ =	sdelay $0x3  }
0x1f8: {  	s15 =	sadd.s32 $0x80, s15  }
0x1f9: {  	[tilespmem:s15+$0xFFFFFFD0] =	vst.add.f32.msk $0xffff, v0  }
0x1fa: {  	v0 =	vld [tilespmem:s16+$0xFFFFFFE0];
	_ =	sdelay $0x4  }
0x1fb: {  	[tilespmem:s15+$0xFFFFFFE0] =	vst.add.f32.msk $0xffff, v0  }
0x1fc: {  	v0 =	vld [tilespmem:s16+$0xFFFFFFF0];
	_ =	sdelay $0x4  }
0x1fd: {  	[tilespmem:s15+$0xFFFFFFF0] =	vst.add.f32.msk $0xffff, v0  }
0x1fe: {  	v0 =	vld [tilespmem:s16+$0x0];
	_ =	sdelay $0x4  }
0x1ff: {  	s19 =	rddreg [dreg:$0x14];
	[tilespmem:s15+$0x0] =	vst.add.f32.msk $0xffff, v0  }
0x200: {  	[hbm4b:s19+s2] =	stream.linear.scatter [tilespmem:s14], [sflag:$0x8], $0x6400, $0x38;
	[tilespmem:$0x1C400] =	vst v63  }
0x201: {  	_ =	swait.ge [sflag:s25], $0x6400  }
0x202: {  	[sflag:s25] =	ssyncset.done $0x0  }
0x203: {  	[sflag:s25] =	ssyncadd.s32 $0xFFFF9C00  }
0x204: {  	_ =	swait.ge [sflag:s13], $0xC8  }
0x205: {  	[sflag:s13] =	ssyncset.done $0x0  }
0x206: {  	[sflag:s13] =	ssyncadd.s32 $0xFFFFFF38  }
0x207: {  	[tilespmem:s28], [sflag:$0x6] =	stream.indirect.gather [hbm4b:s4+s8], $0x80, s0, s8, $0xb8;
	[tilespmem:$0x1C400] =	vst v63  }
0x208: {  	s20 =	simm.s32 $0x19400  }
0x209: {  	[tilespmem:s20], [sflag:$0x6] =	stream.indirect.gather [hbm4b:s4+s10], $0x80, s21, s10, $0xb8;
	[tilespmem:$0x1C400] =	vst v63  }
0x20a: {  	_ =	swait.ge [sflag:s30], $0x3400  }
0x20b: {  	[sflag:s30] =	ssyncset.done $0x0  }
0x20c: {  	[sflag:s30] =	ssyncadd.s32 $0xFFFFCC00  }
0x20d: {  	_ =	swait.ge [sflag:s30], $0x3000  }
0x20e: {  	[sflag:s30] =	ssyncset.done $0x0  }
0x20f: {  	s29 =	simm.s32 $0x30;
	[sflag:s30] =	ssyncadd.s32 $0xFFFFD000  }
0x210: {  	v63 =	vld [tilespmem:s29+$0xFFFFFFD0];
	_ =	sdelay $0x3  }
0x211: {  	s15 =	simm.s32 $0xFC30  }
0x212: {  	[tilespmem:s15+$0xFFFFFFD0] =	vst.add.f32.msk $0xffff, v63  }
0x213: {  	v0 =	vld [tilespmem:s29+$0xFFFFFFE0];
	_ =	sdelay $0x4  }
0x214: {  	[tilespmem:s15+$0xFFFFFFE0] =	vst.add.f32.msk $0xffff, v0  }
0x215: {  	v0 =	vld [tilespmem:s29+$0xFFFFFFF0];
	_ =	sdelay $0x4  }
0x216: {  	[tilespmem:s15+$0xFFFFFFF0] =	vst.add.f32.msk $0xffff, v0  }
0x217: {  	v0 =	vld [tilespmem:s29+$0x0];
	_ =	sdelay $0x4  }
0x218: {  	s17 =	simm.s32 $0x2C0;
	s16 =	simm.s32 $0x70;
	[tilespmem:s15+$0x0] =	vst.add.f32.msk $0xffff, v0  }
.LBB2_24:
0x219: {  	p0 =	sne.s32 s17, $0xC7C0;
	v0 =	vld [tilespmem:s16+$0xFFFFFFD0];
	_ =	sdelay $0x3  }
0x21a: {  	s15 =	sadd.s32 $0x80, s15  }
0x21b: {  	[tilespmem:s15+$0xFFFFFFD0] =	vst.add.f32.msk $0xffff, v0  }
0x21c: {  	v0 =	vld [tilespmem:s16+$0xFFFFFFE0];
	_ =	sdelay $0x4  }
0x21d: {  	[tilespmem:s15+$0xFFFFFFE0] =	vst.add.f32.msk $0xffff, v0  }
0x21e: {  	v0 =	vld [tilespmem:s16+$0xFFFFFFF0];
	_ =	sdelay $0x4  }
0x21f: {  	[tilespmem:s15+$0xFFFFFFF0] =	vst.add.f32.msk $0xffff, v0  }
0x220: {  	v0 =	vld [tilespmem:s16+$0x0]  }
.Ltmp11:
0x221: {  	(pc) =	sbr.rel @p0 .LBB2_24-.Ltmp11, $2  }
0x222: {  	_ =	sdelay $0x2  }
0x223: {  	s16 =	sshra.s32 s17, $0x2;
	s17 =	sadd.s32 $0x100, s17;
	[tilespmem:s15+$0x0] =	vst.add.f32.msk $0xffff, v0  }
0x224: {  	v0 =	vld [tilespmem:s16+$0xFFFFFFD0];
	_ =	sdelay $0x3  }
0x225: {  	s15 =	sadd.s32 $0x80, s15  }
0x226: {  	[tilespmem:s15+$0xFFFFFFD0] =	vst.add.f32.msk $0xffff, v0  }
0x227: {  	v0 =	vld [tilespmem:s16+$0xFFFFFFE0];
	_ =	sdelay $0x4  }
0x228: {  	[tilespmem:s15+$0xFFFFFFE0] =	vst.add.f32.msk $0xffff, v0  }
0x229: {  	v0 =	vld [tilespmem:s16+$0xFFFFFFF0];
	_ =	sdelay $0x4  }
0x22a: {  	[tilespmem:s15+$0xFFFFFFF0] =	vst.add.f32.msk $0xffff, v0  }
0x22b: {  	v0 =	vld [tilespmem:s16+$0x0];
	_ =	sdelay $0x4  }
0x22c: {  	s20 =	rddreg [dreg:$0x15];
	[tilespmem:s15+$0x0] =	vst.add.f32.msk $0xffff, v0  }
0x22d: {  	[hbm4b:s20+s2] =	stream.linear.scatter [tilespmem:s24], [sflag:$0x9], $0x6400, $0x38;
	[tilespmem:$0x1C400] =	vst v63  }
0x22e: {  	_ =	swait.ge [sflag:s31], $0x3400  }
0x22f: {  	[sflag:s31] =	ssyncset.done $0x0  }
0x230: {  	[sflag:s31] =	ssyncadd.s32 $0xFFFFCC00  }
0x231: {  	_ =	swait.ge [sflag:s31], $0x3000  }
0x232: {  	[sflag:s31] =	ssyncset.done $0x0  }
0x233: {  	s29 =	simm.s32 $0x30;
	[sflag:s31] =	ssyncadd.s32 $0xFFFFD000  }
0x234: {  	v63 =	vld [tilespmem:s29+$0xFFFFFFD0];
	_ =	sdelay $0x3  }
0x235: {  	s15 =	simm.s32 $0x16030  }
0x236: {  	[tilespmem:s15+$0xFFFFFFD0] =	vst.add.f32.msk $0xffff, v63  }
0x237: {  	v0 =	vld [tilespmem:s29+$0xFFFFFFE0];
	_ =	sdelay $0x4  }
0x238: {  	[tilespmem:s15+$0xFFFFFFE0] =	vst.add.f32.msk $0xffff, v0  }
0x239: {  	v0 =	vld [tilespmem:s29+$0xFFFFFFF0];
	_ =	sdelay $0x4  }
0x23a: {  	[tilespmem:s15+$0xFFFFFFF0] =	vst.add.f32.msk $0xffff, v0  }
0x23b: {  	v0 =	vld [tilespmem:s29+$0x0];
	_ =	sdelay $0x4  }
0x23c: {  	s17 =	simm.s32 $0x2C0;
	s16 =	simm.s32 $0x70;
	[tilespmem:s15+$0x0] =	vst.add.f32.msk $0xffff, v0  }
.LBB2_26:
0x23d: {  	p0 =	sne.s32 s17, $0xC7C0;
	v0 =	vld [tilespmem:s16+$0xFFFFFFD0];
	_ =	sdelay $0x3  }
0x23e: {  	s15 =	sadd.s32 $0x80, s15  }
0x23f: {  	[tilespmem:s15+$0xFFFFFFD0] =	vst.add.f32.msk $0xffff, v0  }
0x240: {  	v0 =	vld [tilespmem:s16+$0xFFFFFFE0];
	_ =	sdelay $0x4  }
0x241: {  	[tilespmem:s15+$0xFFFFFFE0] =	vst.add.f32.msk $0xffff, v0  }
0x242: {  	v0 =	vld [tilespmem:s16+$0xFFFFFFF0];
	_ =	sdelay $0x4  }
0x243: {  	[tilespmem:s15+$0xFFFFFFF0] =	vst.add.f32.msk $0xffff, v0  }
0x244: {  	v0 =	vld [tilespmem:s16+$0x0]  }
.Ltmp12:
0x245: {  	(pc) =	sbr.rel @p0 .LBB2_26-.Ltmp12, $2  }
0x246: {  	_ =	sdelay $0x2  }
0x247: {  	s16 =	sshra.s32 s17, $0x2;
	s17 =	sadd.s32 $0x100, s17;
	[tilespmem:s15+$0x0] =	vst.add.f32.msk $0xffff, v0  }
0x248: {  	v0 =	vld [tilespmem:s16+$0xFFFFFFD0];
	_ =	sdelay $0x3  }
0x249: {  	s15 =	sadd.s32 $0x80, s15  }
0x24a: {  	[tilespmem:s15+$0xFFFFFFD0] =	vst.add.f32.msk $0xffff, v0  }
0x24b: {  	v0 =	vld [tilespmem:s16+$0xFFFFFFE0];
	_ =	sdelay $0x4  }
0x24c: {  	[tilespmem:s15+$0xFFFFFFE0] =	vst.add.f32.msk $0xffff, v0  }
0x24d: {  	v0 =	vld [tilespmem:s16+$0xFFFFFFF0];
	_ =	sdelay $0x4  }
0x24e: {  	[tilespmem:s15+$0xFFFFFFF0] =	vst.add.f32.msk $0xffff, v0  }
0x24f: {  	v0 =	vld [tilespmem:s16+$0x0];
	_ =	sdelay $0x4  }
0x250: {  	s19 =	rddreg [dreg:$0x16];
	[tilespmem:s15+$0x0] =	vst.add.f32.msk $0xffff, v0  }
0x251: {  	[hbm4b:s19+s2] =	stream.linear.scatter [tilespmem:s28], [sflag:$0xA], $0x6400, $0x38;
	[tilespmem:$0x1C400] =	vst v63  }
0x252: {  	_ =	swait.ge [sflag:s7], $0x6400  }
0x253: {  	[sflag:s7] =	ssyncset.done $0x0  }
0x254: {  	[sflag:s7] =	ssyncadd.s32 $0xFFFF9C00  }
0x255: {  	_ =	swait.ge [sflag:s12], $0x6400  }
0x256: {  	[sflag:s12] =	ssyncset.done $0x0  }
0x257: {  	[sflag:s12] =	ssyncadd.s32 $0xFFFF9C00  }
0x258: {  	_ =	swait.ge [sflag:s22], $0x6400  }
0x259: {  	[sflag:s22] =	ssyncset.done $0x0  }
0x25a: {  	[sflag:s22] =	ssyncadd.s32 $0xFFFF9C00  }
0x25b: {  	_ =	swait.ge [sflag:s25], $0x6400  }
0x25c: {  	s20 =	rddreg [dreg:$0x1a]  }
0x25d: {  	s29 =	rddreg [dreg:$0x17];
	s16 =	sadd.s32 $0x1, s20  }
0x25e: {  	p0 =	sne.s32 s16, s29  }
.Ltmp13:
0x25f: {  	_ = 	snop;
	(pc) =	sbr.rel @p0 .LBB2_1-.Ltmp13, $3  }
0x260: {  	_ =	sdelay $0x1  }
0x261: {  	[sflag:s25] =	ssyncset.done $0x0  }
0x262: {  	[sflag:s25] =	ssyncadd.s32 $0xFFFF9C00  }
0x263: {  	_ =	sfence.sel $0x180000  }
0x264: {  	[bflag:$0x0] =	sbarrier.arrive $0xFFFF  }
0x265: {  	_ =	strace $0x90000047  }
0x266: {  	s0 =	stileid.u32;
	[bflag:$0x2] =	sbarrier.arrive $0xFFFF  }
0x267: {  	p0 =	sne.s32 s0, $0x0;
	s0 =	rddreg [dreg:$0x1]  }
0x268: {  	s0 =	sadd.s32 @!p0 $0x100000, s0  }
0x269: {  	[sflag:s0] =	ssyncadd.tile.s32 @!p0 $0x1;
	_ =	shalt  }
.Lfunc_end2:
_tile_overlayer_lowered:
.L_overlay_start_2:
0x26a: {  	(tag) =	ssettag $0x2  }
0x26b: {  	s0 =	rddreg [dreg:$0x0];
	s2 =	stileid.u32  }
0x26c: {  	s1 =	rddreg [dreg:$0x1];
	p0 =	sne.s32 s2, $0x0  }
0x26d: {  	s3 =	rddreg [dreg:$0x2];
	[bflag:$0x3] =	sbarrier.arrive $0xFFFF;
	s2 =	simm.s32 @!p0 $0x1C0B  }
0x26e: {  	[timem:s3], [sflag:s2] =	dma.local @!p0 [hbm:s0], s1  }
0x26f: {  	s0 =	simm.s32 @!p0 $0xB  }
0x270: {  	_ =	swait.ge @!p0 [sflag:s0], s1  }
0x271: {  	s1 =	ssub.s32 @!p0 $0x0, s1;
	[sflag:s0] =	ssyncset.done @!p0 $0x0  }
0x272: {  	[sflag:s0] =	ssyncadd.s32 @!p0 s1  }
0x273: {  	[bflag:$0x3] =	sbarrier.arrive $0xFFFF  }
0x274: {  	_ =	shalt  }

// kernel: sparse-core-data-format-call.cloned.1.call-start
scs
called_computation_lowered:
.L_overlay_start_0:
0x0: {  	s2 =	sld [smem:$0x3FD9]  }
0x1: {  	s3 =	sld [smem:$0x3FFE];
	_ =	sdelay $0x1  }
0x2: {  	s1 =	srdreg.scid  }
0x3: {  	s0 =	sand.u32 $0x1, s1  }
0x4: {  	s18 =	sshll.u32 s0, $0xA;
	s2 =	sadd.s32 s3, s2  }
0x5: {  	s2 =	sadd.s32 s2, s18  }
0x6: {  	[smem:$0x3FC5] =	sst s2  }
0x7: {  	_ = 	snop  }
0x8: {  	s2 =	sld [smem:$0x3FD0];
	(tm) =	ssettm $0x1  }
0x9: {  	s19 =	sld [smem:$0x3FFB];
	_ =	sdelay $0x3  }
0xa: {  	_ =	strace s19  }
0xb: {  	s3 =	sld [smem:$0x3FFC];
	_ =	sdelay $0x3  }
0xc: {  	_ =	strace s3  }
0xd: {  	s3 =	sld [smem:$0x3FFD];
	_ =	sdelay $0x3  }
0xe: {  	_ =	strace s3  }
0xf: {  	_ =	strace $0x8FFFFFFF  }
0x10: {  	s20 =	sld [smem:$0x3FDB];
	_ =	sdelay $0x1  }
0x11: {  	s4 =	simm.s32 $_scs_section_size  }
0x12: {  	s5 =	simm.s32 $_size__tile_overlayer_lowered;
	s6 =	simm.s32 $_tile_overlayer_lowered  }
0x13: {  	s23 =	simm.s32 $0x1BFF;
	s22 =	sshll.u32 s6, $0x1;
	s3 =	sadd.s32 s4, s20  }
0x14: {  	s7 =	simm.s32 $0x0;
	s21 =	sshll.u32 s5, $0x1;
	s5 =	sadd.s32 s22, s3  }
0x15: {  	[timem:s7], [sflag:s23] =	dma.local [hbm:s5], s21  }
0x16: {  	_ =	swait.ge [sflag:s23], s21  }
0x17: {  	s4 =	ssub.s32 $0x0, s21;
	[sflag:s23] =	ssyncset.done $0x0  }
0x18: {  	[sflag:s23] =	ssyncadd.s32 s4;
	_ =	sdelay $0x1  }
0x19: {  	s24 =	simm.s32 $0x1B8B  }
0x1a: {  	_ =	swait.ge [sflag:s24], $0x1  }
0x1b: {  	[sflag:s24] =	ssyncset.done $0x0  }
0x1c: {  	s26 =	simm.s32 $0x1B8E;
	s25 =	sld [smem:$0x3FFE];
	[sflag:s24] =	ssyncadd.s32 $0xFFFFFFFF  }
0x1d: {  	s27 =	simm.s32 $execute0_lowered;
	[smem:$0x3FD2] =	sst s26  }
0x1e: {  	s5 =	sshll.u32 s27, $0x1;
	_ =	strace $0x80000049;
	[dreg:$0x1] =	wrdreg $0xFFFFFFFF  }
0x1f: {  	s28 =	simm.s32 $_size_execute0_lowered;
	s3 =	sadd.s32 s3, s5;
	[dreg:$0x0] =	wrdreg $0x0  }
0x20: {  	s5 =	sshll.u32 s28, $0x1;
	[dreg:$0x2] =	wrdreg s3  }
0x21: {  	[dreg:$0x3] =	wrdreg s5  }
0x22: {  	[dreg:$0x4] =	wrdreg $0xC0  }
0x23: {  	_ =	task [dreg:s7], $0x5FFFF  }
0x24: {  	[dreg:$0x1] =	wrdreg $0xFFFFFFFF  }
0x25: {  	[dreg:$0x0] =	wrdreg $0x60  }
0x26: {  	[dreg:$0x2] =	wrdreg s25  }
0x27: {  	[dreg:$0x3] =	wrdreg s2  }
0x28: {  	[dreg:$0x4] =	wrdreg $0x9  }
0x29: {  	_ =	task.clear_ibuf [dreg:s7], $0x5FFFF;
	_ =	strace $0x90000049  }
0x2a: {  	s29 =	simm.s32 $0x9;
	_ =	strace $0x8000004B  }
0x2b: {  	_ =	swait.ge [sflag:s29], $0x1  }
0x2c: {  	[sflag:s29] =	ssyncadd.s32 $0xFFFFFFFF  }
0x2d: {  	_ =	strace $0x9000004B  }
0x2e: {  	_ =	sfence  }
0x2f: {  	s30 =	sld [smem:$0x0];
	_ =	sdelay $0x2  }
0x30: {  	s31 =	sshll.u32 s1, $0xD;
	s1 =	sshrl.u32 s1, $0x2  }
0x31: {  	s3 =	sand.u32 $0x4000, s31;
	s1 =	sadd.s32 s1, s30  }
0x32: {  	s0 =	sor.u32 s3, s0;
	s1 =	sshll.u32 s1, $0x11  }
0x33: {  	s0 =	sor.u32 s1, s0  }
0x34: {  	s0 =	sadd.s32 $0x8F2B, s0  }
0x35: {  	[sflag:s0] =	ssyncadd.remote.s32 $0x1  }
0x36: {  	_ =	sfence.sel $0xFFFF  }
0x37: {  	[dreg:$0x0] =	wrdreg $0xFFFFFFFF;
	(pc) =	sbr.abs _section_cstart, $3  }
0x38: {  	[dreg:$0x1] =	wrdreg $0xFFFFFFFF  }
0x39: {  	_ =	task.clear_ibuf [dreg:s7], $0x2FFFF;
	_ =	strace $0x9FFFFFFF  }
0x3a: {  	(tm) =	ssettm $0x7FFFFFFF  }
0x3b: {  	_ =	shalt  }
tec
execute0_lowered:
.L_overlay_start_1:
0x0: {  	(tag) =	ssettag $0x1  }
0x1: {  	s0 =	srdreg.scid  }
0x2: {  	s1 =	sshll.u32 s0, $0x4  }
0x3: {  	s0 =	stileid.u32;
	s1 =	sand.u32 $0x10, s1  }
0x4: {  	s1 =	sor.u32 s0, s1  }
0x5: {  	s6 =	rddreg [dreg:$0x0];
	s4 =	simm.s32 $0x1;
	s2 =	sshll.u32 s1, $0x7  }
0x6: {  	s7 =	simm.s32 $0x2;
	s12 =	simm.s32 $0x0;
	s1 =	ssub.s32 $0x1000, s2  }
0x7: {  	s8 =	simm.s32 $0x8000;
	s13 =	simm.s32 $0x0;
	s3 =	sand.u32 $0xF80, s1  }
0x8: {  	s9 =	simm.s32 $0x0;
	s5 =	sshrl.u32 s1, $0xC;
	p0 =	sne.s32 s3, $0x0  }
.Ltmp0:
0x9: {  	s1 =	rddreg [dreg:$0x2];
	s4 =	simm.s32 @!p0 $0x0;
	(pc) =	sbr.rel .LBB1_1-.Ltmp0, $4  }
0xa: {  	s11 =	simm.s32 $0x0;
	s3 =	rddreg [dreg:$0x1];
	s5 =	sadd.s32 s4, s5  }
0xb: {  	_ =	strace $0x8000004A;
	s4 =	simm.s32 $0x1;
	s5 =	smul.u32 $0xC8, s5  }
0xc: {  	s6 =	sadd.s32 $0x1A0A00, s6;
	s10 =	smov.u32 s2;
	[sflag:s4] =	ssyncpa.u1 $0x0  }
0xd: {  	p0 =	por $0x0, $0x0;
	[sflag:s7] =	ssyncpa.u1 $0x0;
	s7 =	sor.u32 $0x1, s5  }
.LBB1_4:
0xe: {  	s16 =	sshll.u32 s13, $0x3;
	s17 =	sand.u32 $0x78, s13  }
0xf: {  	s30 =	sand.u32 $0x7E00, s13;
	s12 =	sshll.u32 s12, $0xF;
	s16 =	sand.u32 $0xC00, s16  }
0x10: {  	[tilespmem:s15+$0x810 ss:$0x81] =	vst.msk $0xffff, v2;
	s31 =	sand.u32 $0x7, s13;
	s16 =	sor.u32 s17, s16;
	s17 =	sadd.s32 s3, s30  }
0x11: {  	[tilespmem:s15+$0x1020 ss:$0x81] =	vst.msk $0xffff, v0;
	s13 =	sshll.u32 s31, $0x12;
	s12 =	sadd.s32 s12, s17;
	s16 =	sshrl.u32 s16, $0x3  }
0x12: {  	[tilespmem:s15+$0x0 ss:$0x81] =	vst.msk $0xffff, v1;
	s13 =	sor.u32 $0x400, s13;
	s12 =	sadd.s32 s16, s12  }
0x13: {  	[hbm4b:s12+s13] =	stream.strided.scatter [tilespmem:s14], [sflag:$0x2], $0x2000, s8, s13, $0x20;
	[tilespmem:$0x8080] =	vst v63  }
.LBB1_5:
0x14: {  	s14 =	sadd.s32 $0x1, s9  }
0x15: {  	s12 =	sadd.s32 $0x1000, s10;
	s16 =	smov.u32 s10;
	p2 =	sgt.s32 s14, $0xC7  }
0x16: {  	s16 =	smov.u32 @p2 s12  }
0x17: {  	s14 =	simm.s32 @p2 $0x0;
	p2 =	sgt.s32 s16, $0xFFF  }
0x18: {  	s16 =	smov.u32 @p2 s2;
	p2 =	sne.s32 s11, s7  }
.Ltmp1:
0x19: {  	p1 =	slt.u32 s11, $0x2;
	(pc) =	sbr.rel @!p2 .LBB1_6-.Ltmp1, $4  }
0x1a: {  	s15 =	simm.s32 @!p1 $0x2  }
0x1b: {  	s13 =	smov.u32 s10;
	p0 =	por !p0, !p0;
	_ =	swait.ge @!p1 [sflag:s15], $0x2000  }
0x1c: {  	s12 =	smov.u32 s9;
	[sflag:s15] =	ssyncset.done @!p1 $0x0;
	s9 =	smov.u32 s14  }
0x1d: {  	s11 =	sadd.s32 $0x1, s11;
	[sflag:s15] =	ssyncadd.s32 @!p1 $0xFFFFE000;
	s10 =	smov.u32 s16  }
.LBB1_1:
0x1e: {  	p1 =	sge.u32 s11, s5  }
0x1f: {  	s14 =	sand.u32 @!p1 $0x1FFFFFF, s9  }
0x20: {  	s15 =	smulhi.u32 @!p1 $0x147AE15, s14;
	_ =	sdelay $0x1  }
0x21: {  	s15 =	smul.u32 @!p1 $0xC8, s15  }
0x22: {  	s16 =	sxor.u32 @!p1 $0xFFFFFFFF, s11;
	s17 =	smul.u32 @!p1 $0xC80, s10  }
0x23: {  	s31 =	sadd.s32 $0xFFFFFFFF, s11;
	s16 =	sshll.u32 @!p1 s16, $0xD;
	s14 =	ssub.s32 @!p1 s14, s15  }
0x24: {  	s15 =	sand.u32 @!p1 $0x2000, s16;
	s16 =	sadd.s32 @!p1 s6, s17;
	s14 =	sshll.u32 @!p1 s14, $0x4  }
0x25: {  	s17 =	simm.s32 @!p1 $0x6400;
	s14 =	sadd.s32 @!p1 s14, s16;
	s16 =	simm.s32 @!p1 $0x40  }
0x26: {  	[tilespmem:s15], [sflag:$0x1] =	stream.strided.gather @!p1 [hbm4b:s14+s16], $0x2000, s17, s16, $0x38;
	[tilespmem:$0x8080] =	vst v63  }
0x27: {  	p1 =	sge.u32 s31, s5  }
.Ltmp2:
0x28: {  	_ = 	snop;
	(pc) =	sbr.rel @p1 .LBB1_5-.Ltmp2, $1  }
0x29: {  	_ =	sdelay $0x3  }
0x2a: {  	s14 =	simm.s32 $0x1  }
0x2b: {  	_ =	swait.ge [sflag:s4], $0x2000;
	s14 =	simm.s32 @!p0 $0x0  }
0x2c: {  	[sflag:s4] =	ssyncset.done $0x0;
	s15 =	sshll.u32 s14, $0xD  }
0x2d: {  	[sflag:s4] =	ssyncadd.s32 $0xFFFFE000;
	s18 =	sor.u32 $0x20, s15  }
0x2e: {  	s14 =	smul.u32 $0x8100, s14;
	v3 =	vld [tilespmem:s18+$0x10]  }
0x2f: {  	s30 =	sand.u32 $0x1, s11;
	v2 =	vld [tilespmem:s18+$0xFFFFFFF0]  }
0x30: {  	s15 =	smul.u32 $0x8100, s30;
	s14 =	sshrl.u32 s14, $0x2;
	v0 =	vld [tilespmem:s18+$0x0]  }
0x31: {  	v1 =	vld [tilespmem:s18+$0xFFFFFFE0];
	s16 =	sor.u32 $0x4000, s14  }
0x32: {  	s31 =	sshrl.u32 s15, $0x2;
	s15 =	sadd.s32 $0x0, s16  }
0x33: {  	s17 =	simm.s32 $0x4;
	s18 =	sadd.s32 $0x40, s18;
	s14 =	sor.u32 $0x4000, s31;
	[tilespmem:s15+$0x1830 ss:$0x81] =	vst.msk $0xffff, v3  }
.LBB1_3:
0x34: {  	v3 =	vld [tilespmem:s18+$0x10];
	p1 =	sne.s32 s17, $0x1FC;
	[tilespmem:s15+$0x810 ss:$0x81] =	vst.msk $0xffff, v2;
	s19 =	smov.u32 s17;
	s17 =	sadd.s32 $0x4, s17  }
.Ltmp3:
0x35: {  	v2 =	vld [tilespmem:s18+$0xFFFFFFF0];
	[tilespmem:s15+$0x1020 ss:$0x81] =	vst.msk $0xffff, v0;
	(pc) =	sbr.rel @p1 .LBB1_3-.Ltmp3, $4  }
0x36: {  	v0 =	vld [tilespmem:s18+$0x0];
	[tilespmem:s15+$0x0 ss:$0x81] =	vst.msk $0xffff, v1  }
0x37: {  	s15 =	sshra.s32 s19, $0x2;
	v1 =	vld [tilespmem:s18+$0xFFFFFFE0]  }
0x38: {  	s15 =	sadd.s32 s15, s16  }
0x39: {  	s18 =	sadd.s32 $0x40, s18;
	[tilespmem:s15+$0x1830 ss:$0x81] =	vst.msk $0xffff, v3  }
.Ltmp4:
0x3a: {  	_ = 	snop;
	(pc) =	sbr.rel .LBB1_4-.Ltmp4, $1  }
0x3b: {  	_ =	sdelay $0x3  }
.LBB1_6:
0x3c: {  	_ =	sfence.sel $0x180000  }
0x3d: {  	s2 =	simm.s32 $0x1;
	[bflag:$0x0] =	sbarrier.arrive $0xFFFF  }
0x3e: {  	s31 =	simm.s32 $0x2;
	[sflag:s2] =	ssyncpa.u1 $0x1  }
0x3f: {  	[sflag:s31] =	ssyncpa.u1 $0x1  }
0x40: {  	p0 =	sne.s32 s0, $0x0;
	_ =	strace $0x9000004A  }
0x41: {  	s0 =	sadd.s32 @!p0 $0x100000, s1;
	[bflag:$0x2] =	sbarrier.arrive $0xFFFF  }
0x42: {  	[sflag:s0] =	ssyncadd.tile.s32 @!p0 $0x1;
	_ =	shalt  }
.Lfunc_end1:
_tile_overlayer_lowered:
.L_overlay_start_2:
0x43: {  	(tag) =	ssettag $0x2  }
0x44: {  	s0 =	rddreg [dreg:$0x0];
	s2 =	stileid.u32  }
0x45: {  	s1 =	rddreg [dreg:$0x1];
	p0 =	sne.s32 s2, $0x0  }
0x46: {  	s3 =	rddreg [dreg:$0x2];
	[bflag:$0x3] =	sbarrier.arrive $0xFFFF;
	s2 =	simm.s32 @!p0 $0x1C01  }
0x47: {  	[timem:s3], [sflag:s2] =	dma.local @!p0 [hbm:s0], s1  }
0x48: {  	s0 =	simm.s32 @!p0 $0x1  }
0x49: {  	_ =	swait.ge @!p0 [sflag:s0], s1  }
0x4a: {  	s1 =	ssub.s32 @!p0 $0x0, s1;
	[sflag:s0] =	ssyncset.done @!p0 $0x0  }
0x4b: {  	[sflag:s0] =	ssyncadd.s32 @!p0 s1  }
0x4c: {  	[bflag:$0x3] =	sbarrier.arrive $0xFFFF  }
0x4d: {  	_ =	shalt  }

</sc_bundles>
